<compile_context>
chip_gen: v7x
topology: tpu7x:2x2x1
jax: 0.10.2.dev20260603
libtpu: 0.0.44.dev20260713+nightly
codegen_flags: <defaults>
</compile_context>

<pallas_src>
import functools

import jax
import jax.numpy as jnp
from jax import lax
from jax.experimental import pallas as pl
from jax.experimental.pallas import tpu as pltpu
from jax.experimental.pallas import tpu_sc as plsc

VOCAB = 1000000
D = 64
B = 16384
NC, NS, L = 2, 16, 16
NW = NC * NS
BPW = B // NW
CHUNK = 128
NCHUNK = BPW // CHUNK
MAGIC = 12582912.0
CB = 32768
HALF = CB // 2
NB = (VOCAB + CB - 1) // CB
ROWS = NB * HALF
SH_CB = CB.bit_length() - 1
SH_HF = SH_CB - 1


def _tc_relayout(w_t):

    def body(wt_ref, out_ref):
        blk = wt_ref[...]
        stacked = jnp.concatenate([blk[:, 0:HALF], blk[:, HALF:CB]], axis=0)
        out_ref[...] = stacked.T

    return pl.pallas_call(
        body,
        grid=(NB,),
        in_specs=[pl.BlockSpec((D, CB), lambda i: (0, i))],
        out_specs=pl.BlockSpec((HALF, 2 * D), lambda i: (i, 0)),
        out_shape=jax.ShapeDtypeStruct((ROWS, 2 * D), jnp.float32),
    )(w_t)


def _sc_embed(x, w_rows, scales):
    mesh = plsc.VectorSubcoreMesh(core_axis_name="c", subcore_axis_name="s")

    @functools.partial(
        pl.kernel,
        mesh=mesh,
        out_type=jax.ShapeDtypeStruct((B, D), jnp.float32),
        compiler_params=pltpu.CompilerParams(use_tc_tiling_on_sc=False),
        scratch_types=[
            pltpu.VMEM((BPW,), jnp.int32),
            pltpu.VMEM((BPW,), jnp.int32),
            pltpu.VMEM((BPW, 2 * D), jnp.float32),
            pltpu.VMEM((BPW,), jnp.float32),
            pltpu.VMEM((BPW, D), jnp.float32),
            pltpu.SemaphoreType.DMA,
        ],
    )
    def k(x_hbm, w_hbm, s_hbm, out_hbm, idx_v, gidx_v, rows_v, sc_v, out_v, sem):
        wid = lax.axis_index("s") * NC + lax.axis_index("c")
        base = wid * BPW
        pltpu.sync_copy(x_hbm.at[pl.ds(base, BPW)], idx_v)
        for j in range(BPW // L):
            sl = pl.ds(j * L, L)
            v = idx_v[sl]
            gidx_v[sl] = lax.shift_left(lax.shift_right_logical(v, SH_CB), SH_HF) + \
                jnp.bitwise_and(v, HALF - 1)
        copies = []
        for j in range(NCHUNK):
            sl = pl.ds(j * CHUNK, CHUNK)
            copies.append(pltpu.async_copy(w_hbm.at[gidx_v.at[sl]], rows_v.at[sl], sem))
            copies.append(pltpu.async_copy(s_hbm.at[idx_v.at[sl]], sc_v.at[sl], sem))
        for cp in copies:
            cp.wait()

        def grp_body(g, carry):
            r0 = g * L
            scg = sc_v[pl.ds(r0, L)]
            offg = lax.shift_left(
                jnp.bitwise_and(lax.shift_right_logical(idx_v[pl.ds(r0, L)], SH_HF), 1), 6
            )
            for i in range(L):
                sc = scg[i]
                off = offg[i]
                for c in range(D // L):
                    v = rows_v[r0 + i, pl.ds(off + c * L, L)]
                    v = (v + MAGIC) - MAGIC
                    v = jnp.minimum(jnp.maximum(v, -128.0), 127.0)
                    out_v[r0 + i, pl.ds(c * L, L)] = v * sc
            return carry

        lax.fori_loop(0, BPW // L, grp_body, 0)
        pltpu.sync_copy(out_v, out_hbm.at[pl.ds(base, BPW)])

    return k(x, w_rows, scales)


def kernel(x, weights, scales):
    w_rows = _tc_relayout(jnp.transpose(weights))
    return _sc_embed(x.astype(jnp.int32), w_rows, scales)

# --- scband reference (transcript-rebuilt; emitter-appended) ---
"""Pipeline reference for scband-quantized-embedding-6743098655154 (READ-ONLY COPY).

The authoritative reference and input builder live on the scoring server;
editing this copy changes nothing except your own understanding.
"""

import jax, jax.numpy as jnp
import numpy as np

VOCAB_DIM = 1000000
MODEL_DIM = 64
Q_MIN, Q_MAX = -128.0, 127.0  # int8 QuantizationMode range


def quantize(w):
    # symmetric round-to-nearest quantization with straight-through estimator
    return w + jax.lax.stop_gradient(jnp.clip(jnp.round(w), Q_MIN, Q_MAX) - w)


def setup_inputs(seed: int = 0) -> dict:
    key = jax.random.key(seed)
    k_w, k_x = jax.random.split(key)
    # mirrors QuantizedEmbedding.__init__: weights uniform in mode.range, scales = ones
    weights = jax.random.uniform(k_w, (VOCAB_DIM, MODEL_DIM), minval=Q_MIN, maxval=Q_MAX, dtype=jnp.float32)
    scales = jnp.ones((VOCAB_DIM,), dtype=jnp.float32)
    x = jax.random.randint(k_x, (16384,), 0, VOCAB_DIM, dtype=jnp.int64 if jax.config.jax_enable_x64 else jnp.int32)
    return {"x": x, "weights": weights, "scales": scales}


def reference(x, weights, scales):
    # prepare_weights(): dequantized table = quantize(weights) * scales[:, None]
    quantized_weights = quantize(weights)
    prepared = quantized_weights * scales.reshape(-1, 1)
    # embed(): gather rows by token ids
    return prepared[x]

if __name__ == "__main__":
    import jax
    _d = setup_inputs()
    print(jax.jit(kernel)(*tuple(_d.values())))

</pallas_src>

<mosaic_0001>
#map = affine_map<(d0, d1) -> (0)>
#map1 = affine_map<(d0, d1) -> (0, 0)>
module attributes {stable_mosaic.version = 14 : i64} {
  func.func @k(%arg0: i32, %arg1: i32, %arg2: memref<16384xi32, #tpu.memory_space<hbm>>, %arg3: memref<507904x128xf32, #tpu.memory_space<hbm>>, %arg4: memref<1000000xf32, #tpu.memory_space<hbm>>, %arg5: memref<16384x64xf32, #tpu.memory_space<hbm>>, %arg6: memref<512xi32, #tpu.memory_space<vmem>>, %arg7: memref<512xi32, #tpu.memory_space<vmem>>, %arg8: memref<512x128xf32, #tpu.memory_space<vmem>>, %arg9: memref<512xf32, #tpu.memory_space<vmem>>, %arg10: memref<512x64xf32, #tpu.memory_space<vmem>>, %arg11: memref<!tpu.dma_semaphore, #tpu.memory_space<semaphore_mem>>) attributes {dimension_semantics = [#tpu.dimension_semantics<core_parallel>, #tpu.dimension_semantics<subcore_parallel>], iteration_bounds = array<i64: 2, 16>, scalar_prefetch = 0 : i64, scratch_operands = 6 : i64, tpu.core_type = #tpu.core_type<sc_vector_subcore>, window_params = [{transform_indices = #map}, {transform_indices = #map1}, {transform_indices = #map}, {transform_indices = #map1}]} {
    %mul3A = arith.constant 2 : i32
    %mul3A_0 = arith.muli %arg1, %mul3A : i32
    %add3A = arith.addi %mul3A_0, %arg0 : i32
    %mul3A_1 = arith.constant 512 : i32
    %mul3A_2 = arith.muli %add3A, %mul3A_1 : i32
    "tpu.region"() ({
      %run_scoped3A = tpu.sem_alloc : memref<!tpu.dma_semaphore, #tpu.memory_space<semaphore_mem>>
      %dma_start3A_657 = tpu.memref_slice %arg2[%mul3A_2] : memref<16384xi32, #tpu.memory_space<hbm>> -> memref<512xi32, #tpu.memory_space<hbm>>
      %dma_start3A_658 = tpu.memref_slice %arg2[%mul3A_2] : memref<16384xi32, #tpu.memory_space<hbm>> -> memref<512xi32, #tpu.memory_space<hbm>>
      tpu.enqueue_dma source(%dma_start3A_658 : memref<512xi32, #tpu.memory_space<hbm>>) target(%arg6 : memref<512xi32, #tpu.memory_space<vmem>>) target_semaphore(%run_scoped3A : memref<!tpu.dma_semaphore, #tpu.memory_space<semaphore_mem>>)
      %dma_wait3A_659 = tpu.memref_slice %arg2[%mul3A_2] : memref<16384xi32, #tpu.memory_space<hbm>> -> memref<512xi32, #tpu.memory_space<hbm>>
      %dma_wait3A_660 = tpu.memref_slice %arg2[%mul3A_2] : memref<16384xi32, #tpu.memory_space<hbm>> -> memref<512xi32, #tpu.memory_space<hbm>>
      tpu.wait_dma2 semaphore(%run_scoped3A : memref<!tpu.dma_semaphore, #tpu.memory_space<semaphore_mem>>) src(%dma_wait3A_660 : memref<512xi32, #tpu.memory_space<hbm>>) dst(%arg6 : memref<512xi32, #tpu.memory_space<vmem>>)
      tpu.yield
    }) : () -> ()
    %get3A = arith.constant 0 : index
    %get3A_3 = tpu.vector_load %arg6[%get3A] {strides = array<i32>} : memref<512xi32, #tpu.memory_space<vmem>>, vector<16xi32>,
    %get3A_4 = vector.shape_cast %get3A_3 : vector<16xi32> to vector<16xi32>
    %shift_right_logical3A = arith.constant 15 : i32
    %shift_right_logical3A_5 = vector.broadcast %shift_right_logical3A : i32 to vector<16xi32>
    %shift_right_logical3A_6 = arith.shrui %get3A_4, %shift_right_logical3A_5 : vector<16xi32>
    %shift_left3A = arith.constant 14 : i32
    %shift_left3A_7 = vector.broadcast %shift_left3A : i32 to vector<16xi32>
    %shift_left3A_8 = arith.shli %shift_right_logical3A_6, %shift_left3A_7 : vector<16xi32>
    %and3A = arith.constant 16383 : i32
    %and3A_9 = vector.broadcast %and3A : i32 to vector<16xi32>
    %and3A_10 = arith.andi %get3A_4, %and3A_9 : vector<16xi32>
    %add3A_11 = arith.addi %shift_left3A_8, %and3A_10 : vector<16xi32>
    %swap3A = arith.constant 0 : index
    %swap3A_12 = tpu.vector_load %arg7[%swap3A] {strides = array<i32>} : memref<512xi32, #tpu.memory_space<vmem>>, vector<16xi32>,
    %swap3A_13 = vector.shape_cast %swap3A_12 : vector<16xi32> to vector<16xi32>
    %swap3A_14 = vector.shape_cast %add3A_11 : vector<16xi32> to vector<16xi32>
    tpu.vector_store %arg7[%swap3A], %swap3A_14 {strides = array<i32>} : memref<512xi32, #tpu.memory_space<vmem>>, vector<16xi32>,
    %get3A_15 = arith.constant 16 : index
    %get3A_16 = tpu.vector_load %arg6[%get3A_15] {strides = array<i32>} : memref<512xi32, #tpu.memory_space<vmem>>, vector<16xi32>,
    %get3A_17 = vector.shape_cast %get3A_16 : vector<16xi32> to vector<16xi32>
    %shift_right_logical3A_18 = arith.constant 15 : i32
    %shift_right_logical3A_19 = vector.broadcast %shift_right_logical3A_18 : i32 to vector<16xi32>
    %shift_right_logical3A_20 = arith.shrui %get3A_17, %shift_right_logical3A_19 : vector<16xi32>
    %shift_left3A_21 = arith.constant 14 : i32
    %shift_left3A_22 = vector.broadcast %shift_left3A_21 : i32 to vector<16xi32>
    %shift_left3A_23 = arith.shli %shift_right_logical3A_20, %shift_left3A_22 : vector<16xi32>
    %and3A_24 = arith.constant 16383 : i32
    %and3A_25 = vector.broadcast %and3A_24 : i32 to vector<16xi32>
    %and3A_26 = arith.andi %get3A_17, %and3A_25 : vector<16xi32>
    %add3A_27 = arith.addi %shift_left3A_23, %and3A_26 : vector<16xi32>
    %swap3A_28 = arith.constant 16 : index
    %swap3A_29 = tpu.vector_load %arg7[%swap3A_28] {strides = array<i32>} : memref<512xi32, #tpu.memory_space<vmem>>, vector<16xi32>,
    %swap3A_30 = vector.shape_cast %swap3A_29 : vector<16xi32> to vector<16xi32>
    %swap3A_31 = vector.shape_cast %add3A_27 : vector<16xi32> to vector<16xi32>
    tpu.vector_store %arg7[%swap3A_28], %swap3A_31 {strides = array<i32>} : memref<512xi32, #tpu.memory_space<vmem>>, vector<16xi32>,
    %get3A_32 = arith.constant 32 : index
    %get3A_33 = tpu.vector_load %arg6[%get3A_32] {strides = array<i32>} : memref<512xi32, #tpu.memory_space<vmem>>, vector<16xi32>,
    %get3A_34 = vector.shape_cast %get3A_33 : vector<16xi32> to vector<16xi32>
    %shift_right_logical3A_35 = arith.constant 15 : i32
    %shift_right_logical3A_36 = vector.broadcast %shift_right_logical3A_35 : i32 to vector<16xi32>
    %shift_right_logical3A_37 = arith.shrui %get3A_34, %shift_right_logical3A_36 : vector<16xi32>
    %shift_left3A_38 = arith.constant 14 : i32
    %shift_left3A_39 = vector.broadcast %shift_left3A_38 : i32 to vector<16xi32>
    %shift_left3A_40 = arith.shli %shift_right_logical3A_37, %shift_left3A_39 : vector<16xi32>
    %and3A_41 = arith.constant 16383 : i32
    %and3A_42 = vector.broadcast %and3A_41 : i32 to vector<16xi32>
    %and3A_43 = arith.andi %get3A_34, %and3A_42 : vector<16xi32>
    %add3A_44 = arith.addi %shift_left3A_40, %and3A_43 : vector<16xi32>
    %swap3A_45 = arith.constant 32 : index
    %swap3A_46 = tpu.vector_load %arg7[%swap3A_45] {strides = array<i32>} : memref<512xi32, #tpu.memory_space<vmem>>, vector<16xi32>,
    %swap3A_47 = vector.shape_cast %swap3A_46 : vector<16xi32> to vector<16xi32>
    %swap3A_48 = vector.shape_cast %add3A_44 : vector<16xi32> to vector<16xi32>
    tpu.vector_store %arg7[%swap3A_45], %swap3A_48 {strides = array<i32>} : memref<512xi32, #tpu.memory_space<vmem>>, vector<16xi32>,
    %get3A_49 = arith.constant 48 : index
    %get3A_50 = tpu.vector_load %arg6[%get3A_49] {strides = array<i32>} : memref<512xi32, #tpu.memory_space<vmem>>, vector<16xi32>,
    %get3A_51 = vector.shape_cast %get3A_50 : vector<16xi32> to vector<16xi32>
    %shift_right_logical3A_52 = arith.constant 15 : i32
    %shift_right_logical3A_53 = vector.broadcast %shift_right_logical3A_52 : i32 to vector<16xi32>
    %shift_right_logical3A_54 = arith.shrui %get3A_51, %shift_right_logical3A_53 : vector<16xi32>
    %shift_left3A_55 = arith.constant 14 : i32
    %shift_left3A_56 = vector.broadcast %shift_left3A_55 : i32 to vector<16xi32>
    %shift_left3A_57 = arith.shli %shift_right_logical3A_54, %shift_left3A_56 : vector<16xi32>
    %and3A_58 = arith.constant 16383 : i32
    %and3A_59 = vector.broadcast %and3A_58 : i32 to vector<16xi32>
    %and3A_60 = arith.andi %get3A_51, %and3A_59 : vector<16xi32>
    %add3A_61 = arith.addi %shift_left3A_57, %and3A_60 : vector<16xi32>
    %swap3A_62 = arith.constant 48 : index
    %swap3A_63 = tpu.vector_load %arg7[%swap3A_62] {strides = array<i32>} : memref<512xi32, #tpu.memory_space<vmem>>, vector<16xi32>,
    %swap3A_64 = vector.shape_cast %swap3A_63 : vector<16xi32> to vector<16xi32>
    %swap3A_65 = vector.shape_cast %add3A_61 : vector<16xi32> to vector<16xi32>
    tpu.vector_store %arg7[%swap3A_62], %swap3A_65 {strides = array<i32>} : memref<512xi32, #tpu.memory_space<vmem>>, vector<16xi32>,
    %get3A_66 = arith.constant 64 : index
    %get3A_67 = tpu.vector_load %arg6[%get3A_66] {strides = array<i32>} : memref<512xi32, #tpu.memory_space<vmem>>, vector<16xi32>,
    %get3A_68 = vector.shape_cast %get3A_67 : vector<16xi32> to vector<16xi32>
    %shift_right_logical3A_69 = arith.constant 15 : i32
    %shift_right_logical3A_70 = vector.broadcast %shift_right_logical3A_69 : i32 to vector<16xi32>
    %shift_right_logical3A_71 = arith.shrui %get3A_68, %shift_right_logical3A_70 : vector<16xi32>
    %shift_left3A_72 = arith.constant 14 : i32
    %shift_left3A_73 = vector.broadcast %shift_left3A_72 : i32 to vector<16xi32>
    %shift_left3A_74 = arith.shli %shift_right_logical3A_71, %shift_left3A_73 : vector<16xi32>
    %and3A_75 = arith.constant 16383 : i32
    %and3A_76 = vector.broadcast %and3A_75 : i32 to vector<16xi32>
    %and3A_77 = arith.andi %get3A_68, %and3A_76 : vector<16xi32>
    %add3A_78 = arith.addi %shift_left3A_74, %and3A_77 : vector<16xi32>
    %swap3A_79 = arith.constant 64 : index
    %swap3A_80 = tpu.vector_load %arg7[%swap3A_79] {strides = array<i32>} : memref<512xi32, #tpu.memory_space<vmem>>, vector<16xi32>,
    %swap3A_81 = vector.shape_cast %swap3A_80 : vector<16xi32> to vector<16xi32>
    %swap3A_82 = vector.shape_cast %add3A_78 : vector<16xi32> to vector<16xi32>
    tpu.vector_store %arg7[%swap3A_79], %swap3A_82 {strides = array<i32>} : memref<512xi32, #tpu.memory_space<vmem>>, vector<16xi32>,
    %get3A_83 = arith.constant 80 : index
    %get3A_84 = tpu.vector_load %arg6[%get3A_83] {strides = array<i32>} : memref<512xi32, #tpu.memory_space<vmem>>, vector<16xi32>,
    %get3A_85 = vector.shape_cast %get3A_84 : vector<16xi32> to vector<16xi32>
    %shift_right_logical3A_86 = arith.constant 15 : i32
    %shift_right_logical3A_87 = vector.broadcast %shift_right_logical3A_86 : i32 to vector<16xi32>
    %shift_right_logical3A_88 = arith.shrui %get3A_85, %shift_right_logical3A_87 : vector<16xi32>
    %shift_left3A_89 = arith.constant 14 : i32
    %shift_left3A_90 = vector.broadcast %shift_left3A_89 : i32 to vector<16xi32>
    %shift_left3A_91 = arith.shli %shift_right_logical3A_88, %shift_left3A_90 : vector<16xi32>
    %and3A_92 = arith.constant 16383 : i32
    %and3A_93 = vector.broadcast %and3A_92 : i32 to vector<16xi32>
    %and3A_94 = arith.andi %get3A_85, %and3A_93 : vector<16xi32>
    %add3A_95 = arith.addi %shift_left3A_91, %and3A_94 : vector<16xi32>
    %swap3A_96 = arith.constant 80 : index
    %swap3A_97 = tpu.vector_load %arg7[%swap3A_96] {strides = array<i32>} : memref<512xi32, #tpu.memory_space<vmem>>, vector<16xi32>,
    %swap3A_98 = vector.shape_cast %swap3A_97 : vector<16xi32> to vector<16xi32>
    %swap3A_99 = vector.shape_cast %add3A_95 : vector<16xi32> to vector<16xi32>
    tpu.vector_store %arg7[%swap3A_96], %swap3A_99 {strides = array<i32>} : memref<512xi32, #tpu.memory_space<vmem>>, vector<16xi32>,
    %get3A_100 = arith.constant 96 : index
    %get3A_101 = tpu.vector_load %arg6[%get3A_100] {strides = array<i32>} : memref<512xi32, #tpu.memory_space<vmem>>, vector<16xi32>,
    %get3A_102 = vector.shape_cast %get3A_101 : vector<16xi32> to vector<16xi32>
    %shift_right_logical3A_103 = arith.constant 15 : i32
    %shift_right_logical3A_104 = vector.broadcast %shift_right_logical3A_103 : i32 to vector<16xi32>
    %shift_right_logical3A_105 = arith.shrui %get3A_102, %shift_right_logical3A_104 : vector<16xi32>
    %shift_left3A_106 = arith.constant 14 : i32
    %shift_left3A_107 = vector.broadcast %shift_left3A_106 : i32 to vector<16xi32>
    %shift_left3A_108 = arith.shli %shift_right_logical3A_105, %shift_left3A_107 : vector<16xi32>
    %and3A_109 = arith.constant 16383 : i32
    %and3A_110 = vector.broadcast %and3A_109 : i32 to vector<16xi32>
    %and3A_111 = arith.andi %get3A_102, %and3A_110 : vector<16xi32>
    %add3A_112 = arith.addi %shift_left3A_108, %and3A_111 : vector<16xi32>
    %swap3A_113 = arith.constant 96 : index
    %swap3A_114 = tpu.vector_load %arg7[%swap3A_113] {strides = array<i32>} : memref<512xi32, #tpu.memory_space<vmem>>, vector<16xi32>,
    %swap3A_115 = vector.shape_cast %swap3A_114 : vector<16xi32> to vector<16xi32>
    %swap3A_116 = vector.shape_cast %add3A_112 : vector<16xi32> to vector<16xi32>
    tpu.vector_store %arg7[%swap3A_113], %swap3A_116 {strides = array<i32>} : memref<512xi32, #tpu.memory_space<vmem>>, vector<16xi32>,
    %get3A_117 = arith.constant 112 : index
    %get3A_118 = tpu.vector_load %arg6[%get3A_117] {strides = array<i32>} : memref<512xi32, #tpu.memory_space<vmem>>, vector<16xi32>,
    %get3A_119 = vector.shape_cast %get3A_118 : vector<16xi32> to vector<16xi32>
    %shift_right_logical3A_120 = arith.constant 15 : i32
    %shift_right_logical3A_121 = vector.broadcast %shift_right_logical3A_120 : i32 to vector<16xi32>
    %shift_right_logical3A_122 = arith.shrui %get3A_119, %shift_right_logical3A_121 : vector<16xi32>
    %shift_left3A_123 = arith.constant 14 : i32
    %shift_left3A_124 = vector.broadcast %shift_left3A_123 : i32 to vector<16xi32>
    %shift_left3A_125 = arith.shli %shift_right_logical3A_122, %shift_left3A_124 : vector<16xi32>
    %and3A_126 = arith.constant 16383 : i32
    %and3A_127 = vector.broadcast %and3A_126 : i32 to vector<16xi32>
    %and3A_128 = arith.andi %get3A_119, %and3A_127 : vector<16xi32>
    %add3A_129 = arith.addi %shift_left3A_125, %and3A_128 : vector<16xi32>
    %swap3A_130 = arith.constant 112 : index
    %swap3A_131 = tpu.vector_load %arg7[%swap3A_130] {strides = array<i32>} : memref<512xi32, #tpu.memory_space<vmem>>, vector<16xi32>,
    %swap3A_132 = vector.shape_cast %swap3A_131 : vector<16xi32> to vector<16xi32>
    %swap3A_133 = vector.shape_cast %add3A_129 : vector<16xi32> to vector<16xi32>
    tpu.vector_store %arg7[%swap3A_130], %swap3A_133 {strides = array<i32>} : memref<512xi32, #tpu.memory_space<vmem>>, vector<16xi32>,
    %get3A_134 = arith.constant 128 : index
    %get3A_135 = tpu.vector_load %arg6[%get3A_134] {strides = array<i32>} : memref<512xi32, #tpu.memory_space<vmem>>, vector<16xi32>,
    %get3A_136 = vector.shape_cast %get3A_135 : vector<16xi32> to vector<16xi32>
    %shift_right_logical3A_137 = arith.constant 15 : i32
    %shift_right_logical3A_138 = vector.broadcast %shift_right_logical3A_137 : i32 to vector<16xi32>
    %shift_right_logical3A_139 = arith.shrui %get3A_136, %shift_right_logical3A_138 : vector<16xi32>
    %shift_left3A_140 = arith.constant 14 : i32
    %shift_left3A_141 = vector.broadcast %shift_left3A_140 : i32 to vector<16xi32>
    %shift_left3A_142 = arith.shli %shift_right_logical3A_139, %shift_left3A_141 : vector<16xi32>
    %and3A_143 = arith.constant 16383 : i32
    %and3A_144 = vector.broadcast %and3A_143 : i32 to vector<16xi32>
    %and3A_145 = arith.andi %get3A_136, %and3A_144 : vector<16xi32>
    %add3A_146 = arith.addi %shift_left3A_142, %and3A_145 : vector<16xi32>
    %swap3A_147 = arith.constant 128 : index
    %swap3A_148 = tpu.vector_load %arg7[%swap3A_147] {strides = array<i32>} : memref<512xi32, #tpu.memory_space<vmem>>, vector<16xi32>,
    %swap3A_149 = vector.shape_cast %swap3A_148 : vector<16xi32> to vector<16xi32>
    %swap3A_150 = vector.shape_cast %add3A_146 : vector<16xi32> to vector<16xi32>
    tpu.vector_store %arg7[%swap3A_147], %swap3A_150 {strides = array<i32>} : memref<512xi32, #tpu.memory_space<vmem>>, vector<16xi32>,
    %get3A_151 = arith.constant 144 : index
    %get3A_152 = tpu.vector_load %arg6[%get3A_151] {strides = array<i32>} : memref<512xi32, #tpu.memory_space<vmem>>, vector<16xi32>,
    %get3A_153 = vector.shape_cast %get3A_152 : vector<16xi32> to vector<16xi32>
    %shift_right_logical3A_154 = arith.constant 15 : i32
    %shift_right_logical3A_155 = vector.broadcast %shift_right_logical3A_154 : i32 to vector<16xi32>
    %shift_right_logical3A_156 = arith.shrui %get3A_153, %shift_right_logical3A_155 : vector<16xi32>
    %shift_left3A_157 = arith.constant 14 : i32
    %shift_left3A_158 = vector.broadcast %shift_left3A_157 : i32 to vector<16xi32>
    %shift_left3A_159 = arith.shli %shift_right_logical3A_156, %shift_left3A_158 : vector<16xi32>
    %and3A_160 = arith.constant 16383 : i32
    %and3A_161 = vector.broadcast %and3A_160 : i32 to vector<16xi32>
    %and3A_162 = arith.andi %get3A_153, %and3A_161 : vector<16xi32>
    %add3A_163 = arith.addi %shift_left3A_159, %and3A_162 : vector<16xi32>
    %swap3A_164 = arith.constant 144 : index
    %swap3A_165 = tpu.vector_load %arg7[%swap3A_164] {strides = array<i32>} : memref<512xi32, #tpu.memory_space<vmem>>, vector<16xi32>,
    %swap3A_166 = vector.shape_cast %swap3A_165 : vector<16xi32> to vector<16xi32>
    %swap3A_167 = vector.shape_cast %add3A_163 : vector<16xi32> to vector<16xi32>
    tpu.vector_store %arg7[%swap3A_164], %swap3A_167 {strides = array<i32>} : memref<512xi32, #tpu.memory_space<vmem>>, vector<16xi32>,
    %get3A_168 = arith.constant 160 : index
    %get3A_169 = tpu.vector_load %arg6[%get3A_168] {strides = array<i32>} : memref<512xi32, #tpu.memory_space<vmem>>, vector<16xi32>,
    %get3A_170 = vector.shape_cast %get3A_169 : vector<16xi32> to vector<16xi32>
    %shift_right_logical3A_171 = arith.constant 15 : i32
    %shift_right_logical3A_172 = vector.broadcast %shift_right_logical3A_171 : i32 to vector<16xi32>
    %shift_right_logical3A_173 = arith.shrui %get3A_170, %shift_right_logical3A_172 : vector<16xi32>
    %shift_left3A_174 = arith.constant 14 : i32
    %shift_left3A_175 = vector.broadcast %shift_left3A_174 : i32 to vector<16xi32>
    %shift_left3A_176 = arith.shli %shift_right_logical3A_173, %shift_left3A_175 : vector<16xi32>
    %and3A_177 = arith.constant 16383 : i32
    %and3A_178 = vector.broadcast %and3A_177 : i32 to vector<16xi32>
    %and3A_179 = arith.andi %get3A_170, %and3A_178 : vector<16xi32>
    %add3A_180 = arith.addi %shift_left3A_176, %and3A_179 : vector<16xi32>
    %swap3A_181 = arith.constant 160 : index
    %swap3A_182 = tpu.vector_load %arg7[%swap3A_181] {strides = array<i32>} : memref<512xi32, #tpu.memory_space<vmem>>, vector<16xi32>,
    %swap3A_183 = vector.shape_cast %swap3A_182 : vector<16xi32> to vector<16xi32>
    %swap3A_184 = vector.shape_cast %add3A_180 : vector<16xi32> to vector<16xi32>
    tpu.vector_store %arg7[%swap3A_181], %swap3A_184 {strides = array<i32>} : memref<512xi32, #tpu.memory_space<vmem>>, vector<16xi32>,
    %get3A_185 = arith.constant 176 : index
    %get3A_186 = tpu.vector_load %arg6[%get3A_185] {strides = array<i32>} : memref<512xi32, #tpu.memory_space<vmem>>, vector<16xi32>,
    %get3A_187 = vector.shape_cast %get3A_186 : vector<16xi32> to vector<16xi32>
    %shift_right_logical3A_188 = arith.constant 15 : i32
    %shift_right_logical3A_189 = vector.broadcast %shift_right_logical3A_188 : i32 to vector<16xi32>
    %shift_right_logical3A_190 = arith.shrui %get3A_187, %shift_right_logical3A_189 : vector<16xi32>
    %shift_left3A_191 = arith.constant 14 : i32
    %shift_left3A_192 = vector.broadcast %shift_left3A_191 : i32 to vector<16xi32>
    %shift_left3A_193 = arith.shli %shift_right_logical3A_190, %shift_left3A_192 : vector<16xi32>
    %and3A_194 = arith.constant 16383 : i32
    %and3A_195 = vector.broadcast %and3A_194 : i32 to vector<16xi32>
    %and3A_196 = arith.andi %get3A_187, %and3A_195 : vector<16xi32>
    %add3A_197 = arith.addi %shift_left3A_193, %and3A_196 : vector<16xi32>
    %swap3A_198 = arith.constant 176 : index
    %swap3A_199 = tpu.vector_load %arg7[%swap3A_198] {strides = array<i32>} : memref<512xi32, #tpu.memory_space<vmem>>, vector<16xi32>,
    %swap3A_200 = vector.shape_cast %swap3A_199 : vector<16xi32> to vector<16xi32>
    %swap3A_201 = vector.shape_cast %add3A_197 : vector<16xi32> to vector<16xi32>
    tpu.vector_store %arg7[%swap3A_198], %swap3A_201 {strides = array<i32>} : memref<512xi32, #tpu.memory_space<vmem>>, vector<16xi32>,
    %get3A_202 = arith.constant 192 : index
    %get3A_203 = tpu.vector_load %arg6[%get3A_202] {strides = array<i32>} : memref<512xi32, #tpu.memory_space<vmem>>, vector<16xi32>,
    %get3A_204 = vector.shape_cast %get3A_203 : vector<16xi32> to vector<16xi32>
    %shift_right_logical3A_205 = arith.constant 15 : i32
    %shift_right_logical3A_206 = vector.broadcast %shift_right_logical3A_205 : i32 to vector<16xi32>
    %shift_right_logical3A_207 = arith.shrui %get3A_204, %shift_right_logical3A_206 : vector<16xi32>
    %shift_left3A_208 = arith.constant 14 : i32
    %shift_left3A_209 = vector.broadcast %shift_left3A_208 : i32 to vector<16xi32>
    %shift_left3A_210 = arith.shli %shift_right_logical3A_207, %shift_left3A_209 : vector<16xi32>
    %and3A_211 = arith.constant 16383 : i32
    %and3A_212 = vector.broadcast %and3A_211 : i32 to vector<16xi32>
    %and3A_213 = arith.andi %get3A_204, %and3A_212 : vector<16xi32>
    %add3A_214 = arith.addi %shift_left3A_210, %and3A_213 : vector<16xi32>
    %swap3A_215 = arith.constant 192 : index
    %swap3A_216 = tpu.vector_load %arg7[%swap3A_215] {strides = array<i32>} : memref<512xi32, #tpu.memory_space<vmem>>, vector<16xi32>,
    %swap3A_217 = vector.shape_cast %swap3A_216 : vector<16xi32> to vector<16xi32>
    %swap3A_218 = vector.shape_cast %add3A_214 : vector<16xi32> to vector<16xi32>
    tpu.vector_store %arg7[%swap3A_215], %swap3A_218 {strides = array<i32>} : memref<512xi32, #tpu.memory_space<vmem>>, vector<16xi32>,
    %get3A_219 = arith.constant 208 : index
    %get3A_220 = tpu.vector_load %arg6[%get3A_219] {strides = array<i32>} : memref<512xi32, #tpu.memory_space<vmem>>, vector<16xi32>,
    %get3A_221 = vector.shape_cast %get3A_220 : vector<16xi32> to vector<16xi32>
    %shift_right_logical3A_222 = arith.constant 15 : i32
    %shift_right_logical3A_223 = vector.broadcast %shift_right_logical3A_222 : i32 to vector<16xi32>
    %shift_right_logical3A_224 = arith.shrui %get3A_221, %shift_right_logical3A_223 : vector<16xi32>
    %shift_left3A_225 = arith.constant 14 : i32
    %shift_left3A_226 = vector.broadcast %shift_left3A_225 : i32 to vector<16xi32>
    %shift_left3A_227 = arith.shli %shift_right_logical3A_224, %shift_left3A_226 : vector<16xi32>
    %and3A_228 = arith.constant 16383 : i32
    %and3A_229 = vector.broadcast %and3A_228 : i32 to vector<16xi32>
    %and3A_230 = arith.andi %get3A_221, %and3A_229 : vector<16xi32>
    %add3A_231 = arith.addi %shift_left3A_227, %and3A_230 : vector<16xi32>
    %swap3A_232 = arith.constant 208 : index
    %swap3A_233 = tpu.vector_load %arg7[%swap3A_232] {strides = array<i32>} : memref<512xi32, #tpu.memory_space<vmem>>, vector<16xi32>,
    %swap3A_234 = vector.shape_cast %swap3A_233 : vector<16xi32> to vector<16xi32>
    %swap3A_235 = vector.shape_cast %add3A_231 : vector<16xi32> to vector<16xi32>
    tpu.vector_store %arg7[%swap3A_232], %swap3A_235 {strides = array<i32>} : memref<512xi32, #tpu.memory_space<vmem>>, vector<16xi32>,
    %get3A_236 = arith.constant 224 : index
    %get3A_237 = tpu.vector_load %arg6[%get3A_236] {strides = array<i32>} : memref<512xi32, #tpu.memory_space<vmem>>, vector<16xi32>,
    %get3A_238 = vector.shape_cast %get3A_237 : vector<16xi32> to vector<16xi32>
    %shift_right_logical3A_239 = arith.constant 15 : i32
    %shift_right_logical3A_240 = vector.broadcast %shift_right_logical3A_239 : i32 to vector<16xi32>
    %shift_right_logical3A_241 = arith.shrui %get3A_238, %shift_right_logical3A_240 : vector<16xi32>
    %shift_left3A_242 = arith.constant 14 : i32
    %shift_left3A_243 = vector.broadcast %shift_left3A_242 : i32 to vector<16xi32>
    %shift_left3A_244 = arith.shli %shift_right_logical3A_241, %shift_left3A_243 : vector<16xi32>
    %and3A_245 = arith.constant 16383 : i32
    %and3A_246 = vector.broadcast %and3A_245 : i32 to vector<16xi32>
    %and3A_247 = arith.andi %get3A_238, %and3A_246 : vector<16xi32>
    %add3A_248 = arith.addi %shift_left3A_244, %and3A_247 : vector<16xi32>
    %swap3A_249 = arith.constant 224 : index
    %swap3A_250 = tpu.vector_load %arg7[%swap3A_249] {strides = array<i32>} : memref<512xi32, #tpu.memory_space<vmem>>, vector<16xi32>,
    %swap3A_251 = vector.shape_cast %swap3A_250 : vector<16xi32> to vector<16xi32>
    %swap3A_252 = vector.shape_cast %add3A_248 : vector<16xi32> to vector<16xi32>
    tpu.vector_store %arg7[%swap3A_249], %swap3A_252 {strides = array<i32>} : memref<512xi32, #tpu.memory_space<vmem>>, vector<16xi32>,
    %get3A_253 = arith.constant 240 : index
    %get3A_254 = tpu.vector_load %arg6[%get3A_253] {strides = array<i32>} : memref<512xi32, #tpu.memory_space<vmem>>, vector<16xi32>,
    %get3A_255 = vector.shape_cast %get3A_254 : vector<16xi32> to vector<16xi32>
    %shift_right_logical3A_256 = arith.constant 15 : i32
    %shift_right_logical3A_257 = vector.broadcast %shift_right_logical3A_256 : i32 to vector<16xi32>
    %shift_right_logical3A_258 = arith.shrui %get3A_255, %shift_right_logical3A_257 : vector<16xi32>
    %shift_left3A_259 = arith.constant 14 : i32
    %shift_left3A_260 = vector.broadcast %shift_left3A_259 : i32 to vector<16xi32>
    %shift_left3A_261 = arith.shli %shift_right_logical3A_258, %shift_left3A_260 : vector<16xi32>
    %and3A_262 = arith.constant 16383 : i32
    %and3A_263 = vector.broadcast %and3A_262 : i32 to vector<16xi32>
    %and3A_264 = arith.andi %get3A_255, %and3A_263 : vector<16xi32>
    %add3A_265 = arith.addi %shift_left3A_261, %and3A_264 : vector<16xi32>
    %swap3A_266 = arith.constant 240 : index
    %swap3A_267 = tpu.vector_load %arg7[%swap3A_266] {strides = array<i32>} : memref<512xi32, #tpu.memory_space<vmem>>, vector<16xi32>,
    %swap3A_268 = vector.shape_cast %swap3A_267 : vector<16xi32> to vector<16xi32>
    %swap3A_269 = vector.shape_cast %add3A_265 : vector<16xi32> to vector<16xi32>
    tpu.vector_store %arg7[%swap3A_266], %swap3A_269 {strides = array<i32>} : memref<512xi32, #tpu.memory_space<vmem>>, vector<16xi32>,
    %get3A_270 = arith.constant 256 : index
    %get3A_271 = tpu.vector_load %arg6[%get3A_270] {strides = array<i32>} : memref<512xi32, #tpu.memory_space<vmem>>, vector<16xi32>,
    %get3A_272 = vector.shape_cast %get3A_271 : vector<16xi32> to vector<16xi32>
    %shift_right_logical3A_273 = arith.constant 15 : i32
    %shift_right_logical3A_274 = vector.broadcast %shift_right_logical3A_273 : i32 to vector<16xi32>
    %shift_right_logical3A_275 = arith.shrui %get3A_272, %shift_right_logical3A_274 : vector<16xi32>
    %shift_left3A_276 = arith.constant 14 : i32
    %shift_left3A_277 = vector.broadcast %shift_left3A_276 : i32 to vector<16xi32>
    %shift_left3A_278 = arith.shli %shift_right_logical3A_275, %shift_left3A_277 : vector<16xi32>
    %and3A_279 = arith.constant 16383 : i32
    %and3A_280 = vector.broadcast %and3A_279 : i32 to vector<16xi32>
    %and3A_281 = arith.andi %get3A_272, %and3A_280 : vector<16xi32>
    %add3A_282 = arith.addi %shift_left3A_278, %and3A_281 : vector<16xi32>
    %swap3A_283 = arith.constant 256 : index
    %swap3A_284 = tpu.vector_load %arg7[%swap3A_283] {strides = array<i32>} : memref<512xi32, #tpu.memory_space<vmem>>, vector<16xi32>,
    %swap3A_285 = vector.shape_cast %swap3A_284 : vector<16xi32> to vector<16xi32>
    %swap3A_286 = vector.shape_cast %add3A_282 : vector<16xi32> to vector<16xi32>
    tpu.vector_store %arg7[%swap3A_283], %swap3A_286 {strides = array<i32>} : memref<512xi32, #tpu.memory_space<vmem>>, vector<16xi32>,
    %get3A_287 = arith.constant 272 : index
    %get3A_288 = tpu.vector_load %arg6[%get3A_287] {strides = array<i32>} : memref<512xi32, #tpu.memory_space<vmem>>, vector<16xi32>,
    %get3A_289 = vector.shape_cast %get3A_288 : vector<16xi32> to vector<16xi32>
    %shift_right_logical3A_290 = arith.constant 15 : i32
    %shift_right_logical3A_291 = vector.broadcast %shift_right_logical3A_290 : i32 to vector<16xi32>
    %shift_right_logical3A_292 = arith.shrui %get3A_289, %shift_right_logical3A_291 : vector<16xi32>
    %shift_left3A_293 = arith.constant 14 : i32
    %shift_left3A_294 = vector.broadcast %shift_left3A_293 : i32 to vector<16xi32>
    %shift_left3A_295 = arith.shli %shift_right_logical3A_292, %shift_left3A_294 : vector<16xi32>
    %and3A_296 = arith.constant 16383 : i32
    %and3A_297 = vector.broadcast %and3A_296 : i32 to vector<16xi32>
    %and3A_298 = arith.andi %get3A_289, %and3A_297 : vector<16xi32>
    %add3A_299 = arith.addi %shift_left3A_295, %and3A_298 : vector<16xi32>
    %swap3A_300 = arith.constant 272 : index
    %swap3A_301 = tpu.vector_load %arg7[%swap3A_300] {strides = array<i32>} : memref<512xi32, #tpu.memory_space<vmem>>, vector<16xi32>,
    %swap3A_302 = vector.shape_cast %swap3A_301 : vector<16xi32> to vector<16xi32>
    %swap3A_303 = vector.shape_cast %add3A_299 : vector<16xi32> to vector<16xi32>
    tpu.vector_store %arg7[%swap3A_300], %swap3A_303 {strides = array<i32>} : memref<512xi32, #tpu.memory_space<vmem>>, vector<16xi32>,
    %get3A_304 = arith.constant 288 : index
    %get3A_305 = tpu.vector_load %arg6[%get3A_304] {strides = array<i32>} : memref<512xi32, #tpu.memory_space<vmem>>, vector<16xi32>,
    %get3A_306 = vector.shape_cast %get3A_305 : vector<16xi32> to vector<16xi32>
    %shift_right_logical3A_307 = arith.constant 15 : i32
    %shift_right_logical3A_308 = vector.broadcast %shift_right_logical3A_307 : i32 to vector<16xi32>
    %shift_right_logical3A_309 = arith.shrui %get3A_306, %shift_right_logical3A_308 : vector<16xi32>
    %shift_left3A_310 = arith.constant 14 : i32
    %shift_left3A_311 = vector.broadcast %shift_left3A_310 : i32 to vector<16xi32>
    %shift_left3A_312 = arith.shli %shift_right_logical3A_309, %shift_left3A_311 : vector<16xi32>
    %and3A_313 = arith.constant 16383 : i32
    %and3A_314 = vector.broadcast %and3A_313 : i32 to vector<16xi32>
    %and3A_315 = arith.andi %get3A_306, %and3A_314 : vector<16xi32>
    %add3A_316 = arith.addi %shift_left3A_312, %and3A_315 : vector<16xi32>
    %swap3A_317 = arith.constant 288 : index
    %swap3A_318 = tpu.vector_load %arg7[%swap3A_317] {strides = array<i32>} : memref<512xi32, #tpu.memory_space<vmem>>, vector<16xi32>,
    %swap3A_319 = vector.shape_cast %swap3A_318 : vector<16xi32> to vector<16xi32>
    %swap3A_320 = vector.shape_cast %add3A_316 : vector<16xi32> to vector<16xi32>
    tpu.vector_store %arg7[%swap3A_317], %swap3A_320 {strides = array<i32>} : memref<512xi32, #tpu.memory_space<vmem>>, vector<16xi32>,
    %get3A_321 = arith.constant 304 : index
    %get3A_322 = tpu.vector_load %arg6[%get3A_321] {strides = array<i32>} : memref<512xi32, #tpu.memory_space<vmem>>, vector<16xi32>,
    %get3A_323 = vector.shape_cast %get3A_322 : vector<16xi32> to vector<16xi32>
    %shift_right_logical3A_324 = arith.constant 15 : i32
    %shift_right_logical3A_325 = vector.broadcast %shift_right_logical3A_324 : i32 to vector<16xi32>
    %shift_right_logical3A_326 = arith.shrui %get3A_323, %shift_right_logical3A_325 : vector<16xi32>
    %shift_left3A_327 = arith.constant 14 : i32
    %shift_left3A_328 = vector.broadcast %shift_left3A_327 : i32 to vector<16xi32>
    %shift_left3A_329 = arith.shli %shift_right_logical3A_326, %shift_left3A_328 : vector<16xi32>
    %and3A_330 = arith.constant 16383 : i32
    %and3A_331 = vector.broadcast %and3A_330 : i32 to vector<16xi32>
    %and3A_332 = arith.andi %get3A_323, %and3A_331 : vector<16xi32>
    %add3A_333 = arith.addi %shift_left3A_329, %and3A_332 : vector<16xi32>
    %swap3A_334 = arith.constant 304 : index
    %swap3A_335 = tpu.vector_load %arg7[%swap3A_334] {strides = array<i32>} : memref<512xi32, #tpu.memory_space<vmem>>, vector<16xi32>,
    %swap3A_336 = vector.shape_cast %swap3A_335 : vector<16xi32> to vector<16xi32>
    %swap3A_337 = vector.shape_cast %add3A_333 : vector<16xi32> to vector<16xi32>
    tpu.vector_store %arg7[%swap3A_334], %swap3A_337 {strides = array<i32>} : memref<512xi32, #tpu.memory_space<vmem>>, vector<16xi32>,
    %get3A_338 = arith.constant 320 : index
    %get3A_339 = tpu.vector_load %arg6[%get3A_338] {strides = array<i32>} : memref<512xi32, #tpu.memory_space<vmem>>, vector<16xi32>,
    %get3A_340 = vector.shape_cast %get3A_339 : vector<16xi32> to vector<16xi32>
    %shift_right_logical3A_341 = arith.constant 15 : i32
    %shift_right_logical3A_342 = vector.broadcast %shift_right_logical3A_341 : i32 to vector<16xi32>
    %shift_right_logical3A_343 = arith.shrui %get3A_340, %shift_right_logical3A_342 : vector<16xi32>
    %shift_left3A_344 = arith.constant 14 : i32
    %shift_left3A_345 = vector.broadcast %shift_left3A_344 : i32 to vector<16xi32>
    %shift_left3A_346 = arith.shli %shift_right_logical3A_343, %shift_left3A_345 : vector<16xi32>
    %and3A_347 = arith.constant 16383 : i32
    %and3A_348 = vector.broadcast %and3A_347 : i32 to vector<16xi32>
    %and3A_349 = arith.andi %get3A_340, %and3A_348 : vector<16xi32>
    %add3A_350 = arith.addi %shift_left3A_346, %and3A_349 : vector<16xi32>
    %swap3A_351 = arith.constant 320 : index
    %swap3A_352 = tpu.vector_load %arg7[%swap3A_351] {strides = array<i32>} : memref<512xi32, #tpu.memory_space<vmem>>, vector<16xi32>,
    %swap3A_353 = vector.shape_cast %swap3A_352 : vector<16xi32> to vector<16xi32>
    %swap3A_354 = vector.shape_cast %add3A_350 : vector<16xi32> to vector<16xi32>
    tpu.vector_store %arg7[%swap3A_351], %swap3A_354 {strides = array<i32>} : memref<512xi32, #tpu.memory_space<vmem>>, vector<16xi32>,
    %get3A_355 = arith.constant 336 : index
    %get3A_356 = tpu.vector_load %arg6[%get3A_355] {strides = array<i32>} : memref<512xi32, #tpu.memory_space<vmem>>, vector<16xi32>,
    %get3A_357 = vector.shape_cast %get3A_356 : vector<16xi32> to vector<16xi32>
    %shift_right_logical3A_358 = arith.constant 15 : i32
    %shift_right_logical3A_359 = vector.broadcast %shift_right_logical3A_358 : i32 to vector<16xi32>
    %shift_right_logical3A_360 = arith.shrui %get3A_357, %shift_right_logical3A_359 : vector<16xi32>
    %shift_left3A_361 = arith.constant 14 : i32
    %shift_left3A_362 = vector.broadcast %shift_left3A_361 : i32 to vector<16xi32>
    %shift_left3A_363 = arith.shli %shift_right_logical3A_360, %shift_left3A_362 : vector<16xi32>
    %and3A_364 = arith.constant 16383 : i32
    %and3A_365 = vector.broadcast %and3A_364 : i32 to vector<16xi32>
    %and3A_366 = arith.andi %get3A_357, %and3A_365 : vector<16xi32>
    %add3A_367 = arith.addi %shift_left3A_363, %and3A_366 : vector<16xi32>
    %swap3A_368 = arith.constant 336 : index
    %swap3A_369 = tpu.vector_load %arg7[%swap3A_368] {strides = array<i32>} : memref<512xi32, #tpu.memory_space<vmem>>, vector<16xi32>,
    %swap3A_370 = vector.shape_cast %swap3A_369 : vector<16xi32> to vector<16xi32>
    %swap3A_371 = vector.shape_cast %add3A_367 : vector<16xi32> to vector<16xi32>
    tpu.vector_store %arg7[%swap3A_368], %swap3A_371 {strides = array<i32>} : memref<512xi32, #tpu.memory_space<vmem>>, vector<16xi32>,
    %get3A_372 = arith.constant 352 : index
    %get3A_373 = tpu.vector_load %arg6[%get3A_372] {strides = array<i32>} : memref<512xi32, #tpu.memory_space<vmem>>, vector<16xi32>,
    %get3A_374 = vector.shape_cast %get3A_373 : vector<16xi32> to vector<16xi32>
    %shift_right_logical3A_375 = arith.constant 15 : i32
    %shift_right_logical3A_376 = vector.broadcast %shift_right_logical3A_375 : i32 to vector<16xi32>
    %shift_right_logical3A_377 = arith.shrui %get3A_374, %shift_right_logical3A_376 : vector<16xi32>
    %shift_left3A_378 = arith.constant 14 : i32
    %shift_left3A_379 = vector.broadcast %shift_left3A_378 : i32 to vector<16xi32>
    %shift_left3A_380 = arith.shli %shift_right_logical3A_377, %shift_left3A_379 : vector<16xi32>
    %and3A_381 = arith.constant 16383 : i32
    %and3A_382 = vector.broadcast %and3A_381 : i32 to vector<16xi32>
    %and3A_383 = arith.andi %get3A_374, %and3A_382 : vector<16xi32>
    %add3A_384 = arith.addi %shift_left3A_380, %and3A_383 : vector<16xi32>
    %swap3A_385 = arith.constant 352 : index
    %swap3A_386 = tpu.vector_load %arg7[%swap3A_385] {strides = array<i32>} : memref<512xi32, #tpu.memory_space<vmem>>, vector<16xi32>,
    %swap3A_387 = vector.shape_cast %swap3A_386 : vector<16xi32> to vector<16xi32>
    %swap3A_388 = vector.shape_cast %add3A_384 : vector<16xi32> to vector<16xi32>
    tpu.vector_store %arg7[%swap3A_385], %swap3A_388 {strides = array<i32>} : memref<512xi32, #tpu.memory_space<vmem>>, vector<16xi32>,
    %get3A_389 = arith.constant 368 : index
    %get3A_390 = tpu.vector_load %arg6[%get3A_389] {strides = array<i32>} : memref<512xi32, #tpu.memory_space<vmem>>, vector<16xi32>,
    %get3A_391 = vector.shape_cast %get3A_390 : vector<16xi32> to vector<16xi32>
    %shift_right_logical3A_392 = arith.constant 15 : i32
    %shift_right_logical3A_393 = vector.broadcast %shift_right_logical3A_392 : i32 to vector<16xi32>
    %shift_right_logical3A_394 = arith.shrui %get3A_391, %shift_right_logical3A_393 : vector<16xi32>
    %shift_left3A_395 = arith.constant 14 : i32
    %shift_left3A_396 = vector.broadcast %shift_left3A_395 : i32 to vector<16xi32>
    %shift_left3A_397 = arith.shli %shift_right_logical3A_394, %shift_left3A_396 : vector<16xi32>
    %and3A_398 = arith.constant 16383 : i32
    %and3A_399 = vector.broadcast %and3A_398 : i32 to vector<16xi32>
    %and3A_400 = arith.andi %get3A_391, %and3A_399 : vector<16xi32>
    %add3A_401 = arith.addi %shift_left3A_397, %and3A_400 : vector<16xi32>
    %swap3A_402 = arith.constant 368 : index
    %swap3A_403 = tpu.vector_load %arg7[%swap3A_402] {strides = array<i32>} : memref<512xi32, #tpu.memory_space<vmem>>, vector<16xi32>,
    %swap3A_404 = vector.shape_cast %swap3A_403 : vector<16xi32> to vector<16xi32>
    %swap3A_405 = vector.shape_cast %add3A_401 : vector<16xi32> to vector<16xi32>
    tpu.vector_store %arg7[%swap3A_402], %swap3A_405 {strides = array<i32>} : memref<512xi32, #tpu.memory_space<vmem>>, vector<16xi32>,
    %get3A_406 = arith.constant 384 : index
    %get3A_407 = tpu.vector_load %arg6[%get3A_406] {strides = array<i32>} : memref<512xi32, #tpu.memory_space<vmem>>, vector<16xi32>,
    %get3A_408 = vector.shape_cast %get3A_407 : vector<16xi32> to vector<16xi32>
    %shift_right_logical3A_409 = arith.constant 15 : i32
    %shift_right_logical3A_410 = vector.broadcast %shift_right_logical3A_409 : i32 to vector<16xi32>
    %shift_right_logical3A_411 = arith.shrui %get3A_408, %shift_right_logical3A_410 : vector<16xi32>
    %shift_left3A_412 = arith.constant 14 : i32
    %shift_left3A_413 = vector.broadcast %shift_left3A_412 : i32 to vector<16xi32>
    %shift_left3A_414 = arith.shli %shift_right_logical3A_411, %shift_left3A_413 : vector<16xi32>
    %and3A_415 = arith.constant 16383 : i32
    %and3A_416 = vector.broadcast %and3A_415 : i32 to vector<16xi32>
    %and3A_417 = arith.andi %get3A_408, %and3A_416 : vector<16xi32>
    %add3A_418 = arith.addi %shift_left3A_414, %and3A_417 : vector<16xi32>
    %swap3A_419 = arith.constant 384 : index
    %swap3A_420 = tpu.vector_load %arg7[%swap3A_419] {strides = array<i32>} : memref<512xi32, #tpu.memory_space<vmem>>, vector<16xi32>,
    %swap3A_421 = vector.shape_cast %swap3A_420 : vector<16xi32> to vector<16xi32>
    %swap3A_422 = vector.shape_cast %add3A_418 : vector<16xi32> to vector<16xi32>
    tpu.vector_store %arg7[%swap3A_419], %swap3A_422 {strides = array<i32>} : memref<512xi32, #tpu.memory_space<vmem>>, vector<16xi32>,
    %get3A_423 = arith.constant 400 : index
    %get3A_424 = tpu.vector_load %arg6[%get3A_423] {strides = array<i32>} : memref<512xi32, #tpu.memory_space<vmem>>, vector<16xi32>,
    %get3A_425 = vector.shape_cast %get3A_424 : vector<16xi32> to vector<16xi32>
    %shift_right_logical3A_426 = arith.constant 15 : i32
    %shift_right_logical3A_427 = vector.broadcast %shift_right_logical3A_426 : i32 to vector<16xi32>
    %shift_right_logical3A_428 = arith.shrui %get3A_425, %shift_right_logical3A_427 : vector<16xi32>
    %shift_left3A_429 = arith.constant 14 : i32
    %shift_left3A_430 = vector.broadcast %shift_left3A_429 : i32 to vector<16xi32>
    %shift_left3A_431 = arith.shli %shift_right_logical3A_428, %shift_left3A_430 : vector<16xi32>
    %and3A_432 = arith.constant 16383 : i32
    %and3A_433 = vector.broadcast %and3A_432 : i32 to vector<16xi32>
    %and3A_434 = arith.andi %get3A_425, %and3A_433 : vector<16xi32>
    %add3A_435 = arith.addi %shift_left3A_431, %and3A_434 : vector<16xi32>
    %swap3A_436 = arith.constant 400 : index
    %swap3A_437 = tpu.vector_load %arg7[%swap3A_436] {strides = array<i32>} : memref<512xi32, #tpu.memory_space<vmem>>, vector<16xi32>,
    %swap3A_438 = vector.shape_cast %swap3A_437 : vector<16xi32> to vector<16xi32>
    %swap3A_439 = vector.shape_cast %add3A_435 : vector<16xi32> to vector<16xi32>
    tpu.vector_store %arg7[%swap3A_436], %swap3A_439 {strides = array<i32>} : memref<512xi32, #tpu.memory_space<vmem>>, vector<16xi32>,
    %get3A_440 = arith.constant 416 : index
    %get3A_441 = tpu.vector_load %arg6[%get3A_440] {strides = array<i32>} : memref<512xi32, #tpu.memory_space<vmem>>, vector<16xi32>,
    %get3A_442 = vector.shape_cast %get3A_441 : vector<16xi32> to vector<16xi32>
    %shift_right_logical3A_443 = arith.constant 15 : i32
    %shift_right_logical3A_444 = vector.broadcast %shift_right_logical3A_443 : i32 to vector<16xi32>
    %shift_right_logical3A_445 = arith.shrui %get3A_442, %shift_right_logical3A_444 : vector<16xi32>
    %shift_left3A_446 = arith.constant 14 : i32
    %shift_left3A_447 = vector.broadcast %shift_left3A_446 : i32 to vector<16xi32>
    %shift_left3A_448 = arith.shli %shift_right_logical3A_445, %shift_left3A_447 : vector<16xi32>
    %and3A_449 = arith.constant 16383 : i32
    %and3A_450 = vector.broadcast %and3A_449 : i32 to vector<16xi32>
    %and3A_451 = arith.andi %get3A_442, %and3A_450 : vector<16xi32>
    %add3A_452 = arith.addi %shift_left3A_448, %and3A_451 : vector<16xi32>
    %swap3A_453 = arith.constant 416 : index
    %swap3A_454 = tpu.vector_load %arg7[%swap3A_453] {strides = array<i32>} : memref<512xi32, #tpu.memory_space<vmem>>, vector<16xi32>,
    %swap3A_455 = vector.shape_cast %swap3A_454 : vector<16xi32> to vector<16xi32>
    %swap3A_456 = vector.shape_cast %add3A_452 : vector<16xi32> to vector<16xi32>
    tpu.vector_store %arg7[%swap3A_453], %swap3A_456 {strides = array<i32>} : memref<512xi32, #tpu.memory_space<vmem>>, vector<16xi32>,
    %get3A_457 = arith.constant 432 : index
    %get3A_458 = tpu.vector_load %arg6[%get3A_457] {strides = array<i32>} : memref<512xi32, #tpu.memory_space<vmem>>, vector<16xi32>,
    %get3A_459 = vector.shape_cast %get3A_458 : vector<16xi32> to vector<16xi32>
    %shift_right_logical3A_460 = arith.constant 15 : i32
    %shift_right_logical3A_461 = vector.broadcast %shift_right_logical3A_460 : i32 to vector<16xi32>
    %shift_right_logical3A_462 = arith.shrui %get3A_459, %shift_right_logical3A_461 : vector<16xi32>
    %shift_left3A_463 = arith.constant 14 : i32
    %shift_left3A_464 = vector.broadcast %shift_left3A_463 : i32 to vector<16xi32>
    %shift_left3A_465 = arith.shli %shift_right_logical3A_462, %shift_left3A_464 : vector<16xi32>
    %and3A_466 = arith.constant 16383 : i32
    %and3A_467 = vector.broadcast %and3A_466 : i32 to vector<16xi32>
    %and3A_468 = arith.andi %get3A_459, %and3A_467 : vector<16xi32>
    %add3A_469 = arith.addi %shift_left3A_465, %and3A_468 : vector<16xi32>
    %swap3A_470 = arith.constant 432 : index
    %swap3A_471 = tpu.vector_load %arg7[%swap3A_470] {strides = array<i32>} : memref<512xi32, #tpu.memory_space<vmem>>, vector<16xi32>,
    %swap3A_472 = vector.shape_cast %swap3A_471 : vector<16xi32> to vector<16xi32>
    %swap3A_473 = vector.shape_cast %add3A_469 : vector<16xi32> to vector<16xi32>
    tpu.vector_store %arg7[%swap3A_470], %swap3A_473 {strides = array<i32>} : memref<512xi32, #tpu.memory_space<vmem>>, vector<16xi32>,
    %get3A_474 = arith.constant 448 : index
    %get3A_475 = tpu.vector_load %arg6[%get3A_474] {strides = array<i32>} : memref<512xi32, #tpu.memory_space<vmem>>, vector<16xi32>,
    %get3A_476 = vector.shape_cast %get3A_475 : vector<16xi32> to vector<16xi32>
    %shift_right_logical3A_477 = arith.constant 15 : i32
    %shift_right_logical3A_478 = vector.broadcast %shift_right_logical3A_477 : i32 to vector<16xi32>
    %shift_right_logical3A_479 = arith.shrui %get3A_476, %shift_right_logical3A_478 : vector<16xi32>
    %shift_left3A_480 = arith.constant 14 : i32
    %shift_left3A_481 = vector.broadcast %shift_left3A_480 : i32 to vector<16xi32>
    %shift_left3A_482 = arith.shli %shift_right_logical3A_479, %shift_left3A_481 : vector<16xi32>
    %and3A_483 = arith.constant 16383 : i32
    %and3A_484 = vector.broadcast %and3A_483 : i32 to vector<16xi32>
    %and3A_485 = arith.andi %get3A_476, %and3A_484 : vector<16xi32>
    %add3A_486 = arith.addi %shift_left3A_482, %and3A_485 : vector<16xi32>
    %swap3A_487 = arith.constant 448 : index
    %swap3A_488 = tpu.vector_load %arg7[%swap3A_487] {strides = array<i32>} : memref<512xi32, #tpu.memory_space<vmem>>, vector<16xi32>,
    %swap3A_489 = vector.shape_cast %swap3A_488 : vector<16xi32> to vector<16xi32>
    %swap3A_490 = vector.shape_cast %add3A_486 : vector<16xi32> to vector<16xi32>
    tpu.vector_store %arg7[%swap3A_487], %swap3A_490 {strides = array<i32>} : memref<512xi32, #tpu.memory_space<vmem>>, vector<16xi32>,
    %get3A_491 = arith.constant 464 : index
    %get3A_492 = tpu.vector_load %arg6[%get3A_491] {strides = array<i32>} : memref<512xi32, #tpu.memory_space<vmem>>, vector<16xi32>,
    %get3A_493 = vector.shape_cast %get3A_492 : vector<16xi32> to vector<16xi32>
    %shift_right_logical3A_494 = arith.constant 15 : i32
    %shift_right_logical3A_495 = vector.broadcast %shift_right_logical3A_494 : i32 to vector<16xi32>
    %shift_right_logical3A_496 = arith.shrui %get3A_493, %shift_right_logical3A_495 : vector<16xi32>
    %shift_left3A_497 = arith.constant 14 : i32
    %shift_left3A_498 = vector.broadcast %shift_left3A_497 : i32 to vector<16xi32>
    %shift_left3A_499 = arith.shli %shift_right_logical3A_496, %shift_left3A_498 : vector<16xi32>
    %and3A_500 = arith.constant 16383 : i32
    %and3A_501 = vector.broadcast %and3A_500 : i32 to vector<16xi32>
    %and3A_502 = arith.andi %get3A_493, %and3A_501 : vector<16xi32>
    %add3A_503 = arith.addi %shift_left3A_499, %and3A_502 : vector<16xi32>
    %swap3A_504 = arith.constant 464 : index
    %swap3A_505 = tpu.vector_load %arg7[%swap3A_504] {strides = array<i32>} : memref<512xi32, #tpu.memory_space<vmem>>, vector<16xi32>,
    %swap3A_506 = vector.shape_cast %swap3A_505 : vector<16xi32> to vector<16xi32>
    %swap3A_507 = vector.shape_cast %add3A_503 : vector<16xi32> to vector<16xi32>
    tpu.vector_store %arg7[%swap3A_504], %swap3A_507 {strides = array<i32>} : memref<512xi32, #tpu.memory_space<vmem>>, vector<16xi32>,
    %get3A_508 = arith.constant 480 : index
    %get3A_509 = tpu.vector_load %arg6[%get3A_508] {strides = array<i32>} : memref<512xi32, #tpu.memory_space<vmem>>, vector<16xi32>,
    %get3A_510 = vector.shape_cast %get3A_509 : vector<16xi32> to vector<16xi32>
    %shift_right_logical3A_511 = arith.constant 15 : i32
    %shift_right_logical3A_512 = vector.broadcast %shift_right_logical3A_511 : i32 to vector<16xi32>
    %shift_right_logical3A_513 = arith.shrui %get3A_510, %shift_right_logical3A_512 : vector<16xi32>
    %shift_left3A_514 = arith.constant 14 : i32
    %shift_left3A_515 = vector.broadcast %shift_left3A_514 : i32 to vector<16xi32>
    %shift_left3A_516 = arith.shli %shift_right_logical3A_513, %shift_left3A_515 : vector<16xi32>
    %and3A_517 = arith.constant 16383 : i32
    %and3A_518 = vector.broadcast %and3A_517 : i32 to vector<16xi32>
    %and3A_519 = arith.andi %get3A_510, %and3A_518 : vector<16xi32>
    %add3A_520 = arith.addi %shift_left3A_516, %and3A_519 : vector<16xi32>
    %swap3A_521 = arith.constant 480 : index
    %swap3A_522 = tpu.vector_load %arg7[%swap3A_521] {strides = array<i32>} : memref<512xi32, #tpu.memory_space<vmem>>, vector<16xi32>,
    %swap3A_523 = vector.shape_cast %swap3A_522 : vector<16xi32> to vector<16xi32>
    %swap3A_524 = vector.shape_cast %add3A_520 : vector<16xi32> to vector<16xi32>
    tpu.vector_store %arg7[%swap3A_521], %swap3A_524 {strides = array<i32>} : memref<512xi32, #tpu.memory_space<vmem>>, vector<16xi32>,
    %get3A_525 = arith.constant 496 : index
    %get3A_526 = tpu.vector_load %arg6[%get3A_525] {strides = array<i32>} : memref<512xi32, #tpu.memory_space<vmem>>, vector<16xi32>,
    %get3A_527 = vector.shape_cast %get3A_526 : vector<16xi32> to vector<16xi32>
    %shift_right_logical3A_528 = arith.constant 15 : i32
    %shift_right_logical3A_529 = vector.broadcast %shift_right_logical3A_528 : i32 to vector<16xi32>
    %shift_right_logical3A_530 = arith.shrui %get3A_527, %shift_right_logical3A_529 : vector<16xi32>
    %shift_left3A_531 = arith.constant 14 : i32
    %shift_left3A_532 = vector.broadcast %shift_left3A_531 : i32 to vector<16xi32>
    %shift_left3A_533 = arith.shli %shift_right_logical3A_530, %shift_left3A_532 : vector<16xi32>
    %and3A_534 = arith.constant 16383 : i32
    %and3A_535 = vector.broadcast %and3A_534 : i32 to vector<16xi32>
    %and3A_536 = arith.andi %get3A_527, %and3A_535 : vector<16xi32>
    %add3A_537 = arith.addi %shift_left3A_533, %and3A_536 : vector<16xi32>
    %swap3A_538 = arith.constant 496 : index
    %swap3A_539 = tpu.vector_load %arg7[%swap3A_538] {strides = array<i32>} : memref<512xi32, #tpu.memory_space<vmem>>, vector<16xi32>,
    %swap3A_540 = vector.shape_cast %swap3A_539 : vector<16xi32> to vector<16xi32>
    %swap3A_541 = vector.shape_cast %add3A_537 : vector<16xi32> to vector<16xi32>
    tpu.vector_store %arg7[%swap3A_538], %swap3A_541 {strides = array<i32>} : memref<512xi32, #tpu.memory_space<vmem>>, vector<16xi32>,
    %dma_start3A = arith.constant 0 : i32
    %dma_start3A_542 = arith.constant 0 : i32
    %dma_start3A_543 = tpu.memref_slice %arg8[%dma_start3A, %dma_start3A_542] : memref<512x128xf32, #tpu.memory_space<vmem>> -> memref<128x128xf32, #tpu.memory_space<vmem>>
    %dma_start3A_544 = arith.constant 0 : i32
    %dma_start3A_545 = tpu.memref_slice %arg7[%dma_start3A_544] : memref<512xi32, #tpu.memory_space<vmem>> -> memref<128xi32, #tpu.memory_space<vmem>>
    %dma_start3A_546 = arith.constant 0 : i32
    %dma_start3A_547 = arith.constant 0 : i32
    %dma_start3A_548 = tpu.memref_slice %arg3[%dma_start3A_546, %dma_start3A_547] : memref<507904x128xf32, #tpu.memory_space<hbm>> -> memref<507904x128xf32, #tpu.memory_space<hbm>>
    tpu.enqueue_indirect_dma source(%dma_start3A_548 : memref<507904x128xf32, #tpu.memory_space<hbm>>) target(%dma_start3A_543 : memref<128x128xf32, #tpu.memory_space<vmem>>) offsets(%dma_start3A_545 : memref<128xi32, #tpu.memory_space<vmem>>) semaphore(%arg11 : memref<!tpu.dma_semaphore, #tpu.memory_space<semaphore_mem>>)
    %dma_start3A_549 = arith.constant 0 : i32
    %dma_start3A_550 = tpu.memref_slice %arg9[%dma_start3A_549] : memref<512xf32, #tpu.memory_space<vmem>> -> memref<128xf32, #tpu.memory_space<vmem>>
    %dma_start3A_551 = arith.constant 0 : i32
    %dma_start3A_552 = tpu.memref_slice %arg6[%dma_start3A_551] : memref<512xi32, #tpu.memory_space<vmem>> -> memref<128xi32, #tpu.memory_space<vmem>>
    %dma_start3A_553 = arith.constant 0 : i32
    %dma_start3A_554 = tpu.memref_slice %arg4[%dma_start3A_553] : memref<1000000xf32, #tpu.memory_space<hbm>> -> memref<1000000xf32, #tpu.memory_space<hbm>>
    tpu.enqueue_indirect_dma source(%dma_start3A_554 : memref<1000000xf32, #tpu.memory_space<hbm>>) target(%dma_start3A_550 : memref<128xf32, #tpu.memory_space<vmem>>) offsets(%dma_start3A_552 : memref<128xi32, #tpu.memory_space<vmem>>) semaphore(%arg11 : memref<!tpu.dma_semaphore, #tpu.memory_space<semaphore_mem>>)
    %dma_start3A_555 = arith.constant 128 : i32
    %dma_start3A_556 = arith.constant 0 : i32
    %dma_start3A_557 = tpu.memref_slice %arg8[%dma_start3A_555, %dma_start3A_556] : memref<512x128xf32, #tpu.memory_space<vmem>> -> memref<128x128xf32, #tpu.memory_space<vmem>>
    %dma_start3A_558 = arith.constant 128 : i32
    %dma_start3A_559 = tpu.memref_slice %arg7[%dma_start3A_558] : memref<512xi32, #tpu.memory_space<vmem>> -> memref<128xi32, #tpu.memory_space<vmem>>
    %dma_start3A_560 = arith.constant 0 : i32
    %dma_start3A_561 = arith.constant 0 : i32
    %dma_start3A_562 = tpu.memref_slice %arg3[%dma_start3A_560, %dma_start3A_561] : memref<507904x128xf32, #tpu.memory_space<hbm>> -> memref<507904x128xf32, #tpu.memory_space<hbm>>
    tpu.enqueue_indirect_dma source(%dma_start3A_562 : memref<507904x128xf32, #tpu.memory_space<hbm>>) target(%dma_start3A_557 : memref<128x128xf32, #tpu.memory_space<vmem>>) offsets(%dma_start3A_559 : memref<128xi32, #tpu.memory_space<vmem>>) semaphore(%arg11 : memref<!tpu.dma_semaphore, #tpu.memory_space<semaphore_mem>>)
    %dma_start3A_563 = arith.constant 128 : i32
    %dma_start3A_564 = tpu.memref_slice %arg9[%dma_start3A_563] : memref<512xf32, #tpu.memory_space<vmem>> -> memref<128xf32, #tpu.memory_space<vmem>>
    %dma_start3A_565 = arith.constant 128 : i32
    %dma_start3A_566 = tpu.memref_slice %arg6[%dma_start3A_565] : memref<512xi32, #tpu.memory_space<vmem>> -> memref<128xi32, #tpu.memory_space<vmem>>
    %dma_start3A_567 = arith.constant 0 : i32
    %dma_start3A_568 = tpu.memref_slice %arg4[%dma_start3A_567] : memref<1000000xf32, #tpu.memory_space<hbm>> -> memref<1000000xf32, #tpu.memory_space<hbm>>
    tpu.enqueue_indirect_dma source(%dma_start3A_568 : memref<1000000xf32, #tpu.memory_space<hbm>>) target(%dma_start3A_564 : memref<128xf32, #tpu.memory_space<vmem>>) offsets(%dma_start3A_566 : memref<128xi32, #tpu.memory_space<vmem>>) semaphore(%arg11 : memref<!tpu.dma_semaphore, #tpu.memory_space<semaphore_mem>>)
    %dma_start3A_569 = arith.constant 256 : i32
    %dma_start3A_570 = arith.constant 0 : i32
    %dma_start3A_571 = tpu.memref_slice %arg8[%dma_start3A_569, %dma_start3A_570] : memref<512x128xf32, #tpu.memory_space<vmem>> -> memref<128x128xf32, #tpu.memory_space<vmem>>
    %dma_start3A_572 = arith.constant 256 : i32
    %dma_start3A_573 = tpu.memref_slice %arg7[%dma_start3A_572] : memref<512xi32, #tpu.memory_space<vmem>> -> memref<128xi32, #tpu.memory_space<vmem>>
    %dma_start3A_574 = arith.constant 0 : i32
    %dma_start3A_575 = arith.constant 0 : i32
    %dma_start3A_576 = tpu.memref_slice %arg3[%dma_start3A_574, %dma_start3A_575] : memref<507904x128xf32, #tpu.memory_space<hbm>> -> memref<507904x128xf32, #tpu.memory_space<hbm>>
    tpu.enqueue_indirect_dma source(%dma_start3A_576 : memref<507904x128xf32, #tpu.memory_space<hbm>>) target(%dma_start3A_571 : memref<128x128xf32, #tpu.memory_space<vmem>>) offsets(%dma_start3A_573 : memref<128xi32, #tpu.memory_space<vmem>>) semaphore(%arg11 : memref<!tpu.dma_semaphore, #tpu.memory_space<semaphore_mem>>)
    %dma_start3A_577 = arith.constant 256 : i32
    %dma_start3A_578 = tpu.memref_slice %arg9[%dma_start3A_577] : memref<512xf32, #tpu.memory_space<vmem>> -> memref<128xf32, #tpu.memory_space<vmem>>
    %dma_start3A_579 = arith.constant 256 : i32
    %dma_start3A_580 = tpu.memref_slice %arg6[%dma_start3A_579] : memref<512xi32, #tpu.memory_space<vmem>> -> memref<128xi32, #tpu.memory_space<vmem>>
    %dma_start3A_581 = arith.constant 0 : i32
    %dma_start3A_582 = tpu.memref_slice %arg4[%dma_start3A_581] : memref<1000000xf32, #tpu.memory_space<hbm>> -> memref<1000000xf32, #tpu.memory_space<hbm>>
    tpu.enqueue_indirect_dma source(%dma_start3A_582 : memref<1000000xf32, #tpu.memory_space<hbm>>) target(%dma_start3A_578 : memref<128xf32, #tpu.memory_space<vmem>>) offsets(%dma_start3A_580 : memref<128xi32, #tpu.memory_space<vmem>>) semaphore(%arg11 : memref<!tpu.dma_semaphore, #tpu.memory_space<semaphore_mem>>)
    %dma_start3A_583 = arith.constant 384 : i32
    %dma_start3A_584 = arith.constant 0 : i32
    %dma_start3A_585 = tpu.memref_slice %arg8[%dma_start3A_583, %dma_start3A_584] : memref<512x128xf32, #tpu.memory_space<vmem>> -> memref<128x128xf32, #tpu.memory_space<vmem>>
    %dma_start3A_586 = arith.constant 384 : i32
    %dma_start3A_587 = tpu.memref_slice %arg7[%dma_start3A_586] : memref<512xi32, #tpu.memory_space<vmem>> -> memref<128xi32, #tpu.memory_space<vmem>>
    %dma_start3A_588 = arith.constant 0 : i32
    %dma_start3A_589 = arith.constant 0 : i32
    %dma_start3A_590 = tpu.memref_slice %arg3[%dma_start3A_588, %dma_start3A_589] : memref<507904x128xf32, #tpu.memory_space<hbm>> -> memref<507904x128xf32, #tpu.memory_space<hbm>>
    tpu.enqueue_indirect_dma source(%dma_start3A_590 : memref<507904x128xf32, #tpu.memory_space<hbm>>) target(%dma_start3A_585 : memref<128x128xf32, #tpu.memory_space<vmem>>) offsets(%dma_start3A_587 : memref<128xi32, #tpu.memory_space<vmem>>) semaphore(%arg11 : memref<!tpu.dma_semaphore, #tpu.memory_space<semaphore_mem>>)
    %dma_start3A_591 = arith.constant 384 : i32
    %dma_start3A_592 = tpu.memref_slice %arg9[%dma_start3A_591] : memref<512xf32, #tpu.memory_space<vmem>> -> memref<128xf32, #tpu.memory_space<vmem>>
    %dma_start3A_593 = arith.constant 384 : i32
    %dma_start3A_594 = tpu.memref_slice %arg6[%dma_start3A_593] : memref<512xi32, #tpu.memory_space<vmem>> -> memref<128xi32, #tpu.memory_space<vmem>>
    %dma_start3A_595 = arith.constant 0 : i32
    %dma_start3A_596 = tpu.memref_slice %arg4[%dma_start3A_595] : memref<1000000xf32, #tpu.memory_space<hbm>> -> memref<1000000xf32, #tpu.memory_space<hbm>>
    tpu.enqueue_indirect_dma source(%dma_start3A_596 : memref<1000000xf32, #tpu.memory_space<hbm>>) target(%dma_start3A_592 : memref<128xf32, #tpu.memory_space<vmem>>) offsets(%dma_start3A_594 : memref<128xi32, #tpu.memory_space<vmem>>) semaphore(%arg11 : memref<!tpu.dma_semaphore, #tpu.memory_space<semaphore_mem>>)
    %dma_wait3A = arith.constant 0 : i32
    %dma_wait3A_597 = arith.constant 0 : i32
    %dma_wait3A_598 = tpu.memref_slice %arg8[%dma_wait3A, %dma_wait3A_597] : memref<512x128xf32, #tpu.memory_space<vmem>> -> memref<128x128xf32, #tpu.memory_space<vmem>>
    %dma_wait3A_599 = arith.constant 0 : i32
    %dma_wait3A_600 = tpu.memref_slice %arg7[%dma_wait3A_599] : memref<512xi32, #tpu.memory_space<vmem>> -> memref<128xi32, #tpu.memory_space<vmem>>
    %dma_wait3A_601 = arith.constant 0 : i32
    %dma_wait3A_602 = arith.constant 0 : i32
    %dma_wait3A_603 = tpu.memref_slice %arg3[%dma_wait3A_601, %dma_wait3A_602] : memref<507904x128xf32, #tpu.memory_space<hbm>> -> memref<507904x128xf32, #tpu.memory_space<hbm>>
    tpu.wait_indirect_dma semaphore(%arg11 : memref<!tpu.dma_semaphore, #tpu.memory_space<semaphore_mem>>) src(%dma_wait3A_603 : memref<507904x128xf32, #tpu.memory_space<hbm>>) dst(%dma_wait3A_598 : memref<128x128xf32, #tpu.memory_space<vmem>>)
    %dma_wait3A_604 = arith.constant 0 : i32
    %dma_wait3A_605 = tpu.memref_slice %arg9[%dma_wait3A_604] : memref<512xf32, #tpu.memory_space<vmem>> -> memref<128xf32, #tpu.memory_space<vmem>>
    %dma_wait3A_606 = arith.constant 0 : i32
    %dma_wait3A_607 = tpu.memref_slice %arg6[%dma_wait3A_606] : memref<512xi32, #tpu.memory_space<vmem>> -> memref<128xi32, #tpu.memory_space<vmem>>
    %dma_wait3A_608 = arith.constant 0 : i32
    %dma_wait3A_609 = tpu.memref_slice %arg4[%dma_wait3A_608] : memref<1000000xf32, #tpu.memory_space<hbm>> -> memref<1000000xf32, #tpu.memory_space<hbm>>
    tpu.wait_indirect_dma semaphore(%arg11 : memref<!tpu.dma_semaphore, #tpu.memory_space<semaphore_mem>>) src(%dma_wait3A_609 : memref<1000000xf32, #tpu.memory_space<hbm>>) dst(%dma_wait3A_605 : memref<128xf32, #tpu.memory_space<vmem>>)
    %dma_wait3A_610 = arith.constant 128 : i32
    %dma_wait3A_611 = arith.constant 0 : i32
    %dma_wait3A_612 = tpu.memref_slice %arg8[%dma_wait3A_610, %dma_wait3A_611] : memref<512x128xf32, #tpu.memory_space<vmem>> -> memref<128x128xf32, #tpu.memory_space<vmem>>
    %dma_wait3A_613 = arith.constant 128 : i32
    %dma_wait3A_614 = tpu.memref_slice %arg7[%dma_wait3A_613] : memref<512xi32, #tpu.memory_space<vmem>> -> memref<128xi32, #tpu.memory_space<vmem>>
    %dma_wait3A_615 = arith.constant 0 : i32
    %dma_wait3A_616 = arith.constant 0 : i32
    %dma_wait3A_617 = tpu.memref_slice %arg3[%dma_wait3A_615, %dma_wait3A_616] : memref<507904x128xf32, #tpu.memory_space<hbm>> -> memref<507904x128xf32, #tpu.memory_space<hbm>>
    tpu.wait_indirect_dma semaphore(%arg11 : memref<!tpu.dma_semaphore, #tpu.memory_space<semaphore_mem>>) src(%dma_wait3A_617 : memref<507904x128xf32, #tpu.memory_space<hbm>>) dst(%dma_wait3A_612 : memref<128x128xf32, #tpu.memory_space<vmem>>)
    %dma_wait3A_618 = arith.constant 128 : i32
    %dma_wait3A_619 = tpu.memref_slice %arg9[%dma_wait3A_618] : memref<512xf32, #tpu.memory_space<vmem>> -> memref<128xf32, #tpu.memory_space<vmem>>
    %dma_wait3A_620 = arith.constant 128 : i32
    %dma_wait3A_621 = tpu.memref_slice %arg6[%dma_wait3A_620] : memref<512xi32, #tpu.memory_space<vmem>> -> memref<128xi32, #tpu.memory_space<vmem>>
    %dma_wait3A_622 = arith.constant 0 : i32
    %dma_wait3A_623 = tpu.memref_slice %arg4[%dma_wait3A_622] : memref<1000000xf32, #tpu.memory_space<hbm>> -> memref<1000000xf32, #tpu.memory_space<hbm>>
    tpu.wait_indirect_dma semaphore(%arg11 : memref<!tpu.dma_semaphore, #tpu.memory_space<semaphore_mem>>) src(%dma_wait3A_623 : memref<1000000xf32, #tpu.memory_space<hbm>>) dst(%dma_wait3A_619 : memref<128xf32, #tpu.memory_space<vmem>>)
    %dma_wait3A_624 = arith.constant 256 : i32
    %dma_wait3A_625 = arith.constant 0 : i32
    %dma_wait3A_626 = tpu.memref_slice %arg8[%dma_wait3A_624, %dma_wait3A_625] : memref<512x128xf32, #tpu.memory_space<vmem>> -> memref<128x128xf32, #tpu.memory_space<vmem>>
    %dma_wait3A_627 = arith.constant 256 : i32
    %dma_wait3A_628 = tpu.memref_slice %arg7[%dma_wait3A_627] : memref<512xi32, #tpu.memory_space<vmem>> -> memref<128xi32, #tpu.memory_space<vmem>>
    %dma_wait3A_629 = arith.constant 0 : i32
    %dma_wait3A_630 = arith.constant 0 : i32
    %dma_wait3A_631 = tpu.memref_slice %arg3[%dma_wait3A_629, %dma_wait3A_630] : memref<507904x128xf32, #tpu.memory_space<hbm>> -> memref<507904x128xf32, #tpu.memory_space<hbm>>
    tpu.wait_indirect_dma semaphore(%arg11 : memref<!tpu.dma_semaphore, #tpu.memory_space<semaphore_mem>>) src(%dma_wait3A_631 : memref<507904x128xf32, #tpu.memory_space<hbm>>) dst(%dma_wait3A_626 : memref<128x128xf32, #tpu.memory_space<vmem>>)
    %dma_wait3A_632 = arith.constant 256 : i32
    %dma_wait3A_633 = tpu.memref_slice %arg9[%dma_wait3A_632] : memref<512xf32, #tpu.memory_space<vmem>> -> memref<128xf32, #tpu.memory_space<vmem>>
    %dma_wait3A_634 = arith.constant 256 : i32
    %dma_wait3A_635 = tpu.memref_slice %arg6[%dma_wait3A_634] : memref<512xi32, #tpu.memory_space<vmem>> -> memref<128xi32, #tpu.memory_space<vmem>>
    %dma_wait3A_636 = arith.constant 0 : i32
    %dma_wait3A_637 = tpu.memref_slice %arg4[%dma_wait3A_636] : memref<1000000xf32, #tpu.memory_space<hbm>> -> memref<1000000xf32, #tpu.memory_space<hbm>>
    tpu.wait_indirect_dma semaphore(%arg11 : memref<!tpu.dma_semaphore, #tpu.memory_space<semaphore_mem>>) src(%dma_wait3A_637 : memref<1000000xf32, #tpu.memory_space<hbm>>) dst(%dma_wait3A_633 : memref<128xf32, #tpu.memory_space<vmem>>)
    %dma_wait3A_638 = arith.constant 384 : i32
    %dma_wait3A_639 = arith.constant 0 : i32
    %dma_wait3A_640 = tpu.memref_slice %arg8[%dma_wait3A_638, %dma_wait3A_639] : memref<512x128xf32, #tpu.memory_space<vmem>> -> memref<128x128xf32, #tpu.memory_space<vmem>>
    %dma_wait3A_641 = arith.constant 384 : i32
    %dma_wait3A_642 = tpu.memref_slice %arg7[%dma_wait3A_641] : memref<512xi32, #tpu.memory_space<vmem>> -> memref<128xi32, #tpu.memory_space<vmem>>
    %dma_wait3A_643 = arith.constant 0 : i32
    %dma_wait3A_644 = arith.constant 0 : i32
    %dma_wait3A_645 = tpu.memref_slice %arg3[%dma_wait3A_643, %dma_wait3A_644] : memref<507904x128xf32, #tpu.memory_space<hbm>> -> memref<507904x128xf32, #tpu.memory_space<hbm>>
    tpu.wait_indirect_dma semaphore(%arg11 : memref<!tpu.dma_semaphore, #tpu.memory_space<semaphore_mem>>) src(%dma_wait3A_645 : memref<507904x128xf32, #tpu.memory_space<hbm>>) dst(%dma_wait3A_640 : memref<128x128xf32, #tpu.memory_space<vmem>>)
    %dma_wait3A_646 = arith.constant 384 : i32
    %dma_wait3A_647 = tpu.memref_slice %arg9[%dma_wait3A_646] : memref<512xf32, #tpu.memory_space<vmem>> -> memref<128xf32, #tpu.memory_space<vmem>>
    %dma_wait3A_648 = arith.constant 384 : i32
    %dma_wait3A_649 = tpu.memref_slice %arg6[%dma_wait3A_648] : memref<512xi32, #tpu.memory_space<vmem>> -> memref<128xi32, #tpu.memory_space<vmem>>
    %dma_wait3A_650 = arith.constant 0 : i32
    %dma_wait3A_651 = tpu.memref_slice %arg4[%dma_wait3A_650] : memref<1000000xf32, #tpu.memory_space<hbm>> -> memref<1000000xf32, #tpu.memory_space<hbm>>
    tpu.wait_indirect_dma semaphore(%arg11 : memref<!tpu.dma_semaphore, #tpu.memory_space<semaphore_mem>>) src(%dma_wait3A_651 : memref<1000000xf32, #tpu.memory_space<hbm>>) dst(%dma_wait3A_647 : memref<128xf32, #tpu.memory_space<vmem>>)
    %scan3A = arith.constant 0 : i32
    %scan3A_652 = arith.constant 0 : i32
    %scan3A_653 = arith.constant 32 : i32
    %scan3A_654 = arith.addi %scan3A_652, %scan3A_653 : i32
    %scan3A_655 = arith.constant 1 : i32
    scf.for %scan3A_657 = %scan3A_652 to %scan3A_654 step %scan3A_655  : i32 {
      %mul3A_658 = arith.constant 16 : i32
      %mul3A_659 = arith.muli %scan3A_657, %mul3A_658 : i32
      %get3A_660 = arith.index_cast %mul3A_659 : i32 to index
      %get3A_661 = tpu.vector_load %arg9[%get3A_660] {strides = array<i32>} : memref<512xf32, #tpu.memory_space<vmem>>, vector<16xf32>,
      %get3A_662 = vector.shape_cast %get3A_661 : vector<16xf32> to vector<16xf32>
      %get3A_663 = arith.index_cast %mul3A_659 : i32 to index
      %get3A_664 = tpu.vector_load %arg6[%get3A_663] {strides = array<i32>} : memref<512xi32, #tpu.memory_space<vmem>>, vector<16xi32>,
      %get3A_665 = vector.shape_cast %get3A_664 : vector<16xi32> to vector<16xi32>
      %shift_right_logical3A_666 = arith.constant 14 : i32
      %shift_right_logical3A_667 = vector.broadcast %shift_right_logical3A_666 : i32 to vector<16xi32>
      %shift_right_logical3A_668 = arith.shrui %get3A_665, %shift_right_logical3A_667 : vector<16xi32>
      %and3A_669 = arith.constant 1 : i32
      %and3A_670 = vector.broadcast %and3A_669 : i32 to vector<16xi32>
      %and3A_671 = arith.andi %shift_right_logical3A_668, %and3A_670 : vector<16xi32>
      %shift_left3A_672 = arith.constant 6 : i32
      %shift_left3A_673 = vector.broadcast %shift_left3A_672 : i32 to vector<16xi32>
      %shift_left3A_674 = arith.shli %and3A_671, %shift_left3A_673 : vector<16xi32>
      %slice3A = vector.extract_strided_slice %get3A_662 {offsets = [0], sizes = [1], strides = [1]} : vector<16xf32> to vector<1xf32>
      %squeeze3A = vector.extract %slice3A[0] : f32 from vector<1xf32>
      %slice3A_675 = vector.extract_strided_slice %shift_left3A_674 {offsets = [0], sizes = [1], strides = [1]} : vector<16xi32> to vector<1xi32>
      %squeeze3A_676 = vector.extract %slice3A_675[0] : i32 from vector<1xi32>
      %add3A_677 = arith.constant 0 : i32
      %add3A_678 = arith.addi %mul3A_659, %add3A_677 : i32
      %add3A_679 = arith.constant 0 : i32
      %add3A_680 = arith.addi %squeeze3A_676, %add3A_679 : i32
      %get3A_681 = arith.index_cast %add3A_678 : i32 to index
      %get3A_682 = arith.index_cast %add3A_680 : i32 to index
      %get3A_683 = tpu.vector_load %arg8[%get3A_681, %get3A_682] {strides = array<i32>} : memref<512x128xf32, #tpu.memory_space<vmem>>, vector<1x16xf32>,
      %get3A_684 = vector.shape_cast %get3A_683 : vector<1x16xf32> to vector<16xf32>
      %add3A_685 = arith.constant 0x4B400000 : f32
      %add3A_686 = vector.broadcast %add3A_685 : f32 to vector<16xf32>
      %add3A_687 = arith.addf %get3A_684, %add3A_686 : vector<16xf32>
      %sub3A = arith.constant 0x4B400000 : f32
      %sub3A_688 = vector.broadcast %sub3A : f32 to vector<16xf32>
      %sub3A_689 = arith.subf %add3A_687, %sub3A_688 : vector<16xf32>
      %max3A = arith.constant -1.280000e+02 : f32
      %max3A_690 = vector.broadcast %max3A : f32 to vector<16xf32>
      %max3A_691 = arith.maximumf %sub3A_689, %max3A_690 : vector<16xf32>
      %min3A = arith.constant 1.270000e+02 : f32
      %min3A_692 = vector.broadcast %min3A : f32 to vector<16xf32>
      %min3A_693 = arith.minimumf %max3A_691, %min3A_692 : vector<16xf32>
      %mul3A_694 = vector.broadcast %squeeze3A : f32 to vector<16xf32>
      %mul3A_695 = arith.mulf %min3A_693, %mul3A_694 : vector<16xf32>
      %add3A_696 = arith.constant 0 : i32
      %add3A_697 = arith.addi %mul3A_659, %add3A_696 : i32
      %swap3A_698 = arith.index_cast %add3A_697 : i32 to index
      %swap3A_699 = arith.constant 0 : index
      %swap3A_700 = tpu.vector_load %arg10[%swap3A_698, %swap3A_699] {strides = array<i32>} : memref<512x64xf32, #tpu.memory_space<vmem>>, vector<1x16xf32>,
      %swap3A_701 = vector.shape_cast %swap3A_700 : vector<1x16xf32> to vector<16xf32>
      %swap3A_702 = vector.shape_cast %mul3A_695 : vector<16xf32> to vector<1x16xf32>
      tpu.vector_store %arg10[%swap3A_698, %swap3A_699], %swap3A_702 {strides = array<i32>} : memref<512x64xf32, #tpu.memory_space<vmem>>, vector<1x16xf32>,
      %add3A_703 = arith.constant 0 : i32
      %add3A_704 = arith.addi %mul3A_659, %add3A_703 : i32
      %add3A_705 = arith.constant 16 : i32
      %add3A_706 = arith.addi %squeeze3A_676, %add3A_705 : i32
      %get3A_707 = arith.index_cast %add3A_704 : i32 to index
      %get3A_708 = arith.index_cast %add3A_706 : i32 to index
      %get3A_709 = tpu.vector_load %arg8[%get3A_707, %get3A_708] {strides = array<i32>} : memref<512x128xf32, #tpu.memory_space<vmem>>, vector<1x16xf32>,
      %get3A_710 = vector.shape_cast %get3A_709 : vector<1x16xf32> to vector<16xf32>
      %add3A_711 = arith.constant 0x4B400000 : f32
      %add3A_712 = vector.broadcast %add3A_711 : f32 to vector<16xf32>
      %add3A_713 = arith.addf %get3A_710, %add3A_712 : vector<16xf32>
      %sub3A_714 = arith.constant 0x4B400000 : f32
      %sub3A_715 = vector.broadcast %sub3A_714 : f32 to vector<16xf32>
      %sub3A_716 = arith.subf %add3A_713, %sub3A_715 : vector<16xf32>
      %max3A_717 = arith.constant -1.280000e+02 : f32
      %max3A_718 = vector.broadcast %max3A_717 : f32 to vector<16xf32>
      %max3A_719 = arith.maximumf %sub3A_716, %max3A_718 : vector<16xf32>
      %min3A_720 = arith.constant 1.270000e+02 : f32
      %min3A_721 = vector.broadcast %min3A_720 : f32 to vector<16xf32>
      %min3A_722 = arith.minimumf %max3A_719, %min3A_721 : vector<16xf32>
      %mul3A_723 = vector.broadcast %squeeze3A : f32 to vector<16xf32>
      %mul3A_724 = arith.mulf %min3A_722, %mul3A_723 : vector<16xf32>
      %add3A_725 = arith.constant 0 : i32
      %add3A_726 = arith.addi %mul3A_659, %add3A_725 : i32
      %swap3A_727 = arith.index_cast %add3A_726 : i32 to index
      %swap3A_728 = arith.constant 16 : index
      %swap3A_729 = tpu.vector_load %arg10[%swap3A_727, %swap3A_728] {strides = array<i32>} : memref<512x64xf32, #tpu.memory_space<vmem>>, vector<1x16xf32>,
      %swap3A_730 = vector.shape_cast %swap3A_729 : vector<1x16xf32> to vector<16xf32>
      %swap3A_731 = vector.shape_cast %mul3A_724 : vector<16xf32> to vector<1x16xf32>
      tpu.vector_store %arg10[%swap3A_727, %swap3A_728], %swap3A_731 {strides = array<i32>} : memref<512x64xf32, #tpu.memory_space<vmem>>, vector<1x16xf32>,
      %add3A_732 = arith.constant 0 : i32
      %add3A_733 = arith.addi %mul3A_659, %add3A_732 : i32
      %add3A_734 = arith.constant 32 : i32
      %add3A_735 = arith.addi %squeeze3A_676, %add3A_734 : i32
      %get3A_736 = arith.index_cast %add3A_733 : i32 to index
      %get3A_737 = arith.index_cast %add3A_735 : i32 to index
      %get3A_738 = tpu.vector_load %arg8[%get3A_736, %get3A_737] {strides = array<i32>} : memref<512x128xf32, #tpu.memory_space<vmem>>, vector<1x16xf32>,
      %get3A_739 = vector.shape_cast %get3A_738 : vector<1x16xf32> to vector<16xf32>
      %add3A_740 = arith.constant 0x4B400000 : f32
      %add3A_741 = vector.broadcast %add3A_740 : f32 to vector<16xf32>
      %add3A_742 = arith.addf %get3A_739, %add3A_741 : vector<16xf32>
      %sub3A_743 = arith.constant 0x4B400000 : f32
      %sub3A_744 = vector.broadcast %sub3A_743 : f32 to vector<16xf32>
      %sub3A_745 = arith.subf %add3A_742, %sub3A_744 : vector<16xf32>
      %max3A_746 = arith.constant -1.280000e+02 : f32
      %max3A_747 = vector.broadcast %max3A_746 : f32 to vector<16xf32>
      %max3A_748 = arith.maximumf %sub3A_745, %max3A_747 : vector<16xf32>
      %min3A_749 = arith.constant 1.270000e+02 : f32
      %min3A_750 = vector.broadcast %min3A_749 : f32 to vector<16xf32>
      %min3A_751 = arith.minimumf %max3A_748, %min3A_750 : vector<16xf32>
      %mul3A_752 = vector.broadcast %squeeze3A : f32 to vector<16xf32>
      %mul3A_753 = arith.mulf %min3A_751, %mul3A_752 : vector<16xf32>
      %add3A_754 = arith.constant 0 : i32
      %add3A_755 = arith.addi %mul3A_659, %add3A_754 : i32
      %swap3A_756 = arith.index_cast %add3A_755 : i32 to index
      %swap3A_757 = arith.constant 32 : index
      %swap3A_758 = tpu.vector_load %arg10[%swap3A_756, %swap3A_757] {strides = array<i32>} : memref<512x64xf32, #tpu.memory_space<vmem>>, vector<1x16xf32>,
      %swap3A_759 = vector.shape_cast %swap3A_758 : vector<1x16xf32> to vector<16xf32>
      %swap3A_760 = vector.shape_cast %mul3A_753 : vector<16xf32> to vector<1x16xf32>
      tpu.vector_store %arg10[%swap3A_756, %swap3A_757], %swap3A_760 {strides = array<i32>} : memref<512x64xf32, #tpu.memory_space<vmem>>, vector<1x16xf32>,
      %add3A_761 = arith.constant 0 : i32
      %add3A_762 = arith.addi %mul3A_659, %add3A_761 : i32
      %add3A_763 = arith.constant 48 : i32
      %add3A_764 = arith.addi %squeeze3A_676, %add3A_763 : i32
      %get3A_765 = arith.index_cast %add3A_762 : i32 to index
      %get3A_766 = arith.index_cast %add3A_764 : i32 to index
      %get3A_767 = tpu.vector_load %arg8[%get3A_765, %get3A_766] {strides = array<i32>} : memref<512x128xf32, #tpu.memory_space<vmem>>, vector<1x16xf32>,
      %get3A_768 = vector.shape_cast %get3A_767 : vector<1x16xf32> to vector<16xf32>
      %add3A_769 = arith.constant 0x4B400000 : f32
      %add3A_770 = vector.broadcast %add3A_769 : f32 to vector<16xf32>
      %add3A_771 = arith.addf %get3A_768, %add3A_770 : vector<16xf32>
      %sub3A_772 = arith.constant 0x4B400000 : f32
      %sub3A_773 = vector.broadcast %sub3A_772 : f32 to vector<16xf32>
      %sub3A_774 = arith.subf %add3A_771, %sub3A_773 : vector<16xf32>
      %max3A_775 = arith.constant -1.280000e+02 : f32
      %max3A_776 = vector.broadcast %max3A_775 : f32 to vector<16xf32>
      %max3A_777 = arith.maximumf %sub3A_774, %max3A_776 : vector<16xf32>
      %min3A_778 = arith.constant 1.270000e+02 : f32
      %min3A_779 = vector.broadcast %min3A_778 : f32 to vector<16xf32>
      %min3A_780 = arith.minimumf %max3A_777, %min3A_779 : vector<16xf32>
      %mul3A_781 = vector.broadcast %squeeze3A : f32 to vector<16xf32>
      %mul3A_782 = arith.mulf %min3A_780, %mul3A_781 : vector<16xf32>
      %add3A_783 = arith.constant 0 : i32
      %add3A_784 = arith.addi %mul3A_659, %add3A_783 : i32
      %swap3A_785 = arith.index_cast %add3A_784 : i32 to index
      %swap3A_786 = arith.constant 48 : index
      %swap3A_787 = tpu.vector_load %arg10[%swap3A_785, %swap3A_786] {strides = array<i32>} : memref<512x64xf32, #tpu.memory_space<vmem>>, vector<1x16xf32>,
      %swap3A_788 = vector.shape_cast %swap3A_787 : vector<1x16xf32> to vector<16xf32>
      %swap3A_789 = vector.shape_cast %mul3A_782 : vector<16xf32> to vector<1x16xf32>
      tpu.vector_store %arg10[%swap3A_785, %swap3A_786], %swap3A_789 {strides = array<i32>} : memref<512x64xf32, #tpu.memory_space<vmem>>, vector<1x16xf32>,
      %slice3A_790 = vector.extract_strided_slice %get3A_662 {offsets = [1], sizes = [1], strides = [1]} : vector<16xf32> to vector<1xf32>
      %squeeze3A_791 = vector.extract %slice3A_790[0] : f32 from vector<1xf32>
      %slice3A_792 = vector.extract_strided_slice %shift_left3A_674 {offsets = [1], sizes = [1], strides = [1]} : vector<16xi32> to vector<1xi32>
      %squeeze3A_793 = vector.extract %slice3A_792[0] : i32 from vector<1xi32>
      %add3A_794 = arith.constant 1 : i32
      %add3A_795 = arith.addi %mul3A_659, %add3A_794 : i32
      %add3A_796 = arith.constant 0 : i32
      %add3A_797 = arith.addi %squeeze3A_793, %add3A_796 : i32
      %get3A_798 = arith.index_cast %add3A_795 : i32 to index
      %get3A_799 = arith.index_cast %add3A_797 : i32 to index
      %get3A_800 = tpu.vector_load %arg8[%get3A_798, %get3A_799] {strides = array<i32>} : memref<512x128xf32, #tpu.memory_space<vmem>>, vector<1x16xf32>,
      %get3A_801 = vector.shape_cast %get3A_800 : vector<1x16xf32> to vector<16xf32>
      %add3A_802 = arith.constant 0x4B400000 : f32
      %add3A_803 = vector.broadcast %add3A_802 : f32 to vector<16xf32>
      %add3A_804 = arith.addf %get3A_801, %add3A_803 : vector<16xf32>
      %sub3A_805 = arith.constant 0x4B400000 : f32
      %sub3A_806 = vector.broadcast %sub3A_805 : f32 to vector<16xf32>
      %sub3A_807 = arith.subf %add3A_804, %sub3A_806 : vector<16xf32>
      %max3A_808 = arith.constant -1.280000e+02 : f32
      %max3A_809 = vector.broadcast %max3A_808 : f32 to vector<16xf32>
      %max3A_810 = arith.maximumf %sub3A_807, %max3A_809 : vector<16xf32>
      %min3A_811 = arith.constant 1.270000e+02 : f32
      %min3A_812 = vector.broadcast %min3A_811 : f32 to vector<16xf32>
      %min3A_813 = arith.minimumf %max3A_810, %min3A_812 : vector<16xf32>
      %mul3A_814 = vector.broadcast %squeeze3A_791 : f32 to vector<16xf32>
      %mul3A_815 = arith.mulf %min3A_813, %mul3A_814 : vector<16xf32>
      %add3A_816 = arith.constant 1 : i32
      %add3A_817 = arith.addi %mul3A_659, %add3A_816 : i32
      %swap3A_818 = arith.index_cast %add3A_817 : i32 to index
      %swap3A_819 = arith.constant 0 : index
      %swap3A_820 = tpu.vector_load %arg10[%swap3A_818, %swap3A_819] {strides = array<i32>} : memref<512x64xf32, #tpu.memory_space<vmem>>, vector<1x16xf32>,
      %swap3A_821 = vector.shape_cast %swap3A_820 : vector<1x16xf32> to vector<16xf32>
      %swap3A_822 = vector.shape_cast %mul3A_815 : vector<16xf32> to vector<1x16xf32>
      tpu.vector_store %arg10[%swap3A_818, %swap3A_819], %swap3A_822 {strides = array<i32>} : memref<512x64xf32, #tpu.memory_space<vmem>>, vector<1x16xf32>,
      %add3A_823 = arith.constant 1 : i32
      %add3A_824 = arith.addi %mul3A_659, %add3A_823 : i32
      %add3A_825 = arith.constant 16 : i32
      %add3A_826 = arith.addi %squeeze3A_793, %add3A_825 : i32
      %get3A_827 = arith.index_cast %add3A_824 : i32 to index
      %get3A_828 = arith.index_cast %add3A_826 : i32 to index
      %get3A_829 = tpu.vector_load %arg8[%get3A_827, %get3A_828] {strides = array<i32>} : memref<512x128xf32, #tpu.memory_space<vmem>>, vector<1x16xf32>,
      %get3A_830 = vector.shape_cast %get3A_829 : vector<1x16xf32> to vector<16xf32>
      %add3A_831 = arith.constant 0x4B400000 : f32
      %add3A_832 = vector.broadcast %add3A_831 : f32 to vector<16xf32>
      %add3A_833 = arith.addf %get3A_830, %add3A_832 : vector<16xf32>
      %sub3A_834 = arith.constant 0x4B400000 : f32
      %sub3A_835 = vector.broadcast %sub3A_834 : f32 to vector<16xf32>
      %sub3A_836 = arith.subf %add3A_833, %sub3A_835 : vector<16xf32>
      %max3A_837 = arith.constant -1.280000e+02 : f32
      %max3A_838 = vector.broadcast %max3A_837 : f32 to vector<16xf32>
      %max3A_839 = arith.maximumf %sub3A_836, %max3A_838 : vector<16xf32>
      %min3A_840 = arith.constant 1.270000e+02 : f32
      %min3A_841 = vector.broadcast %min3A_840 : f32 to vector<16xf32>
      %min3A_842 = arith.minimumf %max3A_839, %min3A_841 : vector<16xf32>
      %mul3A_843 = vector.broadcast %squeeze3A_791 : f32 to vector<16xf32>
      %mul3A_844 = arith.mulf %min3A_842, %mul3A_843 : vector<16xf32>
      %add3A_845 = arith.constant 1 : i32
      %add3A_846 = arith.addi %mul3A_659, %add3A_845 : i32
      %swap3A_847 = arith.index_cast %add3A_846 : i32 to index
      %swap3A_848 = arith.constant 16 : index
      %swap3A_849 = tpu.vector_load %arg10[%swap3A_847, %swap3A_848] {strides = array<i32>} : memref<512x64xf32, #tpu.memory_space<vmem>>, vector<1x16xf32>,
      %swap3A_850 = vector.shape_cast %swap3A_849 : vector<1x16xf32> to vector<16xf32>
      %swap3A_851 = vector.shape_cast %mul3A_844 : vector<16xf32> to vector<1x16xf32>
      tpu.vector_store %arg10[%swap3A_847, %swap3A_848], %swap3A_851 {strides = array<i32>} : memref<512x64xf32, #tpu.memory_space<vmem>>, vector<1x16xf32>,
      %add3A_852 = arith.constant 1 : i32
      %add3A_853 = arith.addi %mul3A_659, %add3A_852 : i32
      %add3A_854 = arith.constant 32 : i32
      %add3A_855 = arith.addi %squeeze3A_793, %add3A_854 : i32
      %get3A_856 = arith.index_cast %add3A_853 : i32 to index
      %get3A_857 = arith.index_cast %add3A_855 : i32 to index
      %get3A_858 = tpu.vector_load %arg8[%get3A_856, %get3A_857] {strides = array<i32>} : memref<512x128xf32, #tpu.memory_space<vmem>>, vector<1x16xf32>,
      %get3A_859 = vector.shape_cast %get3A_858 : vector<1x16xf32> to vector<16xf32>
      %add3A_860 = arith.constant 0x4B400000 : f32
      %add3A_861 = vector.broadcast %add3A_860 : f32 to vector<16xf32>
      %add3A_862 = arith.addf %get3A_859, %add3A_861 : vector<16xf32>
      %sub3A_863 = arith.constant 0x4B400000 : f32
      %sub3A_864 = vector.broadcast %sub3A_863 : f32 to vector<16xf32>
      %sub3A_865 = arith.subf %add3A_862, %sub3A_864 : vector<16xf32>
      %max3A_866 = arith.constant -1.280000e+02 : f32
      %max3A_867 = vector.broadcast %max3A_866 : f32 to vector<16xf32>
      %max3A_868 = arith.maximumf %sub3A_865, %max3A_867 : vector<16xf32>
      %min3A_869 = arith.constant 1.270000e+02 : f32
      %min3A_870 = vector.broadcast %min3A_869 : f32 to vector<16xf32>
      %min3A_871 = arith.minimumf %max3A_868, %min3A_870 : vector<16xf32>
      %mul3A_872 = vector.broadcast %squeeze3A_791 : f32 to vector<16xf32>
      %mul3A_873 = arith.mulf %min3A_871, %mul3A_872 : vector<16xf32>
      %add3A_874 = arith.constant 1 : i32
      %add3A_875 = arith.addi %mul3A_659, %add3A_874 : i32
      %swap3A_876 = arith.index_cast %add3A_875 : i32 to index
      %swap3A_877 = arith.constant 32 : index
      %swap3A_878 = tpu.vector_load %arg10[%swap3A_876, %swap3A_877] {strides = array<i32>} : memref<512x64xf32, #tpu.memory_space<vmem>>, vector<1x16xf32>,
      %swap3A_879 = vector.shape_cast %swap3A_878 : vector<1x16xf32> to vector<16xf32>
      %swap3A_880 = vector.shape_cast %mul3A_873 : vector<16xf32> to vector<1x16xf32>
      tpu.vector_store %arg10[%swap3A_876, %swap3A_877], %swap3A_880 {strides = array<i32>} : memref<512x64xf32, #tpu.memory_space<vmem>>, vector<1x16xf32>,
      %add3A_881 = arith.constant 1 : i32
      %add3A_882 = arith.addi %mul3A_659, %add3A_881 : i32
      %add3A_883 = arith.constant 48 : i32
      %add3A_884 = arith.addi %squeeze3A_793, %add3A_883 : i32
      %get3A_885 = arith.index_cast %add3A_882 : i32 to index
      %get3A_886 = arith.index_cast %add3A_884 : i32 to index
      %get3A_887 = tpu.vector_load %arg8[%get3A_885, %get3A_886] {strides = array<i32>} : memref<512x128xf32, #tpu.memory_space<vmem>>, vector<1x16xf32>,
      %get3A_888 = vector.shape_cast %get3A_887 : vector<1x16xf32> to vector<16xf32>
      %add3A_889 = arith.constant 0x4B400000 : f32
      %add3A_890 = vector.broadcast %add3A_889 : f32 to vector<16xf32>
      %add3A_891 = arith.addf %get3A_888, %add3A_890 : vector<16xf32>
      %sub3A_892 = arith.constant 0x4B400000 : f32
      %sub3A_893 = vector.broadcast %sub3A_892 : f32 to vector<16xf32>
      %sub3A_894 = arith.subf %add3A_891, %sub3A_893 : vector<16xf32>
      %max3A_895 = arith.constant -1.280000e+02 : f32
      %max3A_896 = vector.broadcast %max3A_895 : f32 to vector<16xf32>
      %max3A_897 = arith.maximumf %sub3A_894, %max3A_896 : vector<16xf32>
      %min3A_898 = arith.constant 1.270000e+02 : f32
      %min3A_899 = vector.broadcast %min3A_898 : f32 to vector<16xf32>
      %min3A_900 = arith.minimumf %max3A_897, %min3A_899 : vector<16xf32>
      %mul3A_901 = vector.broadcast %squeeze3A_791 : f32 to vector<16xf32>
      %mul3A_902 = arith.mulf %min3A_900, %mul3A_901 : vector<16xf32>
      %add3A_903 = arith.constant 1 : i32
      %add3A_904 = arith.addi %mul3A_659, %add3A_903 : i32
      %swap3A_905 = arith.index_cast %add3A_904 : i32 to index
      %swap3A_906 = arith.constant 48 : index
      %swap3A_907 = tpu.vector_load %arg10[%swap3A_905, %swap3A_906] {strides = array<i32>} : memref<512x64xf32, #tpu.memory_space<vmem>>, vector<1x16xf32>,
      %swap3A_908 = vector.shape_cast %swap3A_907 : vector<1x16xf32> to vector<16xf32>
      %swap3A_909 = vector.shape_cast %mul3A_902 : vector<16xf32> to vector<1x16xf32>
      tpu.vector_store %arg10[%swap3A_905, %swap3A_906], %swap3A_909 {strides = array<i32>} : memref<512x64xf32, #tpu.memory_space<vmem>>, vector<1x16xf32>,
      %slice3A_910 = vector.extract_strided_slice %get3A_662 {offsets = [2], sizes = [1], strides = [1]} : vector<16xf32> to vector<1xf32>
      %squeeze3A_911 = vector.extract %slice3A_910[0] : f32 from vector<1xf32>
      %slice3A_912 = vector.extract_strided_slice %shift_left3A_674 {offsets = [2], sizes = [1], strides = [1]} : vector<16xi32> to vector<1xi32>
      %squeeze3A_913 = vector.extract %slice3A_912[0] : i32 from vector<1xi32>
      %add3A_914 = arith.constant 2 : i32
      %add3A_915 = arith.addi %mul3A_659, %add3A_914 : i32
      %add3A_916 = arith.constant 0 : i32
      %add3A_917 = arith.addi %squeeze3A_913, %add3A_916 : i32
      %get3A_918 = arith.index_cast %add3A_915 : i32 to index
      %get3A_919 = arith.index_cast %add3A_917 : i32 to index
      %get3A_920 = tpu.vector_load %arg8[%get3A_918, %get3A_919] {strides = array<i32>} : memref<512x128xf32, #tpu.memory_space<vmem>>, vector<1x16xf32>,
      %get3A_921 = vector.shape_cast %get3A_920 : vector<1x16xf32> to vector<16xf32>
      %add3A_922 = arith.constant 0x4B400000 : f32
      %add3A_923 = vector.broadcast %add3A_922 : f32 to vector<16xf32>
      %add3A_924 = arith.addf %get3A_921, %add3A_923 : vector<16xf32>
      %sub3A_925 = arith.constant 0x4B400000 : f32
      %sub3A_926 = vector.broadcast %sub3A_925 : f32 to vector<16xf32>
      %sub3A_927 = arith.subf %add3A_924, %sub3A_926 : vector<16xf32>
      %max3A_928 = arith.constant -1.280000e+02 : f32
      %max3A_929 = vector.broadcast %max3A_928 : f32 to vector<16xf32>
      %max3A_930 = arith.maximumf %sub3A_927, %max3A_929 : vector<16xf32>
      %min3A_931 = arith.constant 1.270000e+02 : f32
      %min3A_932 = vector.broadcast %min3A_931 : f32 to vector<16xf32>
      %min3A_933 = arith.minimumf %max3A_930, %min3A_932 : vector<16xf32>
      %mul3A_934 = vector.broadcast %squeeze3A_911 : f32 to vector<16xf32>
      %mul3A_935 = arith.mulf %min3A_933, %mul3A_934 : vector<16xf32>
      %add3A_936 = arith.constant 2 : i32
      %add3A_937 = arith.addi %mul3A_659, %add3A_936 : i32
      %swap3A_938 = arith.index_cast %add3A_937 : i32 to index
      %swap3A_939 = arith.constant 0 : index
      %swap3A_940 = tpu.vector_load %arg10[%swap3A_938, %swap3A_939] {strides = array<i32>} : memref<512x64xf32, #tpu.memory_space<vmem>>, vector<1x16xf32>,
      %swap3A_941 = vector.shape_cast %swap3A_940 : vector<1x16xf32> to vector<16xf32>
      %swap3A_942 = vector.shape_cast %mul3A_935 : vector<16xf32> to vector<1x16xf32>
      tpu.vector_store %arg10[%swap3A_938, %swap3A_939], %swap3A_942 {strides = array<i32>} : memref<512x64xf32, #tpu.memory_space<vmem>>, vector<1x16xf32>,
      %add3A_943 = arith.constant 2 : i32
      %add3A_944 = arith.addi %mul3A_659, %add3A_943 : i32
      %add3A_945 = arith.constant 16 : i32
      %add3A_946 = arith.addi %squeeze3A_913, %add3A_945 : i32
      %get3A_947 = arith.index_cast %add3A_944 : i32 to index
      %get3A_948 = arith.index_cast %add3A_946 : i32 to index
      %get3A_949 = tpu.vector_load %arg8[%get3A_947, %get3A_948] {strides = array<i32>} : memref<512x128xf32, #tpu.memory_space<vmem>>, vector<1x16xf32>,
      %get3A_950 = vector.shape_cast %get3A_949 : vector<1x16xf32> to vector<16xf32>
      %add3A_951 = arith.constant 0x4B400000 : f32
      %add3A_952 = vector.broadcast %add3A_951 : f32 to vector<16xf32>
      %add3A_953 = arith.addf %get3A_950, %add3A_952 : vector<16xf32>
      %sub3A_954 = arith.constant 0x4B400000 : f32
      %sub3A_955 = vector.broadcast %sub3A_954 : f32 to vector<16xf32>
      %sub3A_956 = arith.subf %add3A_953, %sub3A_955 : vector<16xf32>
      %max3A_957 = arith.constant -1.280000e+02 : f32
      %max3A_958 = vector.broadcast %max3A_957 : f32 to vector<16xf32>
      %max3A_959 = arith.maximumf %sub3A_956, %max3A_958 : vector<16xf32>
      %min3A_960 = arith.constant 1.270000e+02 : f32
      %min3A_961 = vector.broadcast %min3A_960 : f32 to vector<16xf32>
      %min3A_962 = arith.minimumf %max3A_959, %min3A_961 : vector<16xf32>
      %mul3A_963 = vector.broadcast %squeeze3A_911 : f32 to vector<16xf32>
      %mul3A_964 = arith.mulf %min3A_962, %mul3A_963 : vector<16xf32>
      %add3A_965 = arith.constant 2 : i32
      %add3A_966 = arith.addi %mul3A_659, %add3A_965 : i32
      %swap3A_967 = arith.index_cast %add3A_966 : i32 to index
      %swap3A_968 = arith.constant 16 : index
      %swap3A_969 = tpu.vector_load %arg10[%swap3A_967, %swap3A_968] {strides = array<i32>} : memref<512x64xf32, #tpu.memory_space<vmem>>, vector<1x16xf32>,
      %swap3A_970 = vector.shape_cast %swap3A_969 : vector<1x16xf32> to vector<16xf32>
      %swap3A_971 = vector.shape_cast %mul3A_964 : vector<16xf32> to vector<1x16xf32>
      tpu.vector_store %arg10[%swap3A_967, %swap3A_968], %swap3A_971 {strides = array<i32>} : memref<512x64xf32, #tpu.memory_space<vmem>>, vector<1x16xf32>,
      %add3A_972 = arith.constant 2 : i32
      %add3A_973 = arith.addi %mul3A_659, %add3A_972 : i32
      %add3A_974 = arith.constant 32 : i32
      %add3A_975 = arith.addi %squeeze3A_913, %add3A_974 : i32
      %get3A_976 = arith.index_cast %add3A_973 : i32 to index
      %get3A_977 = arith.index_cast %add3A_975 : i32 to index
      %get3A_978 = tpu.vector_load %arg8[%get3A_976, %get3A_977] {strides = array<i32>} : memref<512x128xf32, #tpu.memory_space<vmem>>, vector<1x16xf32>,
      %get3A_979 = vector.shape_cast %get3A_978 : vector<1x16xf32> to vector<16xf32>
      %add3A_980 = arith.constant 0x4B400000 : f32
      %add3A_981 = vector.broadcast %add3A_980 : f32 to vector<16xf32>
      %add3A_982 = arith.addf %get3A_979, %add3A_981 : vector<16xf32>
      %sub3A_983 = arith.constant 0x4B400000 : f32
      %sub3A_984 = vector.broadcast %sub3A_983 : f32 to vector<16xf32>
      %sub3A_985 = arith.subf %add3A_982, %sub3A_984 : vector<16xf32>
      %max3A_986 = arith.constant -1.280000e+02 : f32
      %max3A_987 = vector.broadcast %max3A_986 : f32 to vector<16xf32>
      %max3A_988 = arith.maximumf %sub3A_985, %max3A_987 : vector<16xf32>
      %min3A_989 = arith.constant 1.270000e+02 : f32
      %min3A_990 = vector.broadcast %min3A_989 : f32 to vector<16xf32>
      %min3A_991 = arith.minimumf %max3A_988, %min3A_990 : vector<16xf32>
      %mul3A_992 = vector.broadcast %squeeze3A_911 : f32 to vector<16xf32>
      %mul3A_993 = arith.mulf %min3A_991, %mul3A_992 : vector<16xf32>
      %add3A_994 = arith.constant 2 : i32
      %add3A_995 = arith.addi %mul3A_659, %add3A_994 : i32
      %swap3A_996 = arith.index_cast %add3A_995 : i32 to index
      %swap3A_997 = arith.constant 32 : index
      %swap3A_998 = tpu.vector_load %arg10[%swap3A_996, %swap3A_997] {strides = array<i32>} : memref<512x64xf32, #tpu.memory_space<vmem>>, vector<1x16xf32>,
      %swap3A_999 = vector.shape_cast %swap3A_998 : vector<1x16xf32> to vector<16xf32>
      %swap3A_1000 = vector.shape_cast %mul3A_993 : vector<16xf32> to vector<1x16xf32>
      tpu.vector_store %arg10[%swap3A_996, %swap3A_997], %swap3A_1000 {strides = array<i32>} : memref<512x64xf32, #tpu.memory_space<vmem>>, vector<1x16xf32>,
      %add3A_1001 = arith.constant 2 : i32
      %add3A_1002 = arith.addi %mul3A_659, %add3A_1001 : i32
      %add3A_1003 = arith.constant 48 : i32
      %add3A_1004 = arith.addi %squeeze3A_913, %add3A_1003 : i32
      %get3A_1005 = arith.index_cast %add3A_1002 : i32 to index
      %get3A_1006 = arith.index_cast %add3A_1004 : i32 to index
      %get3A_1007 = tpu.vector_load %arg8[%get3A_1005, %get3A_1006] {strides = array<i32>} : memref<512x128xf32, #tpu.memory_space<vmem>>, vector<1x16xf32>,
      %get3A_1008 = vector.shape_cast %get3A_1007 : vector<1x16xf32> to vector<16xf32>
      %add3A_1009 = arith.constant 0x4B400000 : f32
      %add3A_1010 = vector.broadcast %add3A_1009 : f32 to vector<16xf32>
      %add3A_1011 = arith.addf %get3A_1008, %add3A_1010 : vector<16xf32>
      %sub3A_1012 = arith.constant 0x4B400000 : f32
      %sub3A_1013 = vector.broadcast %sub3A_1012 : f32 to vector<16xf32>
      %sub3A_1014 = arith.subf %add3A_1011, %sub3A_1013 : vector<16xf32>
      %max3A_1015 = arith.constant -1.280000e+02 : f32
      %max3A_1016 = vector.broadcast %max3A_1015 : f32 to vector<16xf32>
      %max3A_1017 = arith.maximumf %sub3A_1014, %max3A_1016 : vector<16xf32>
      %min3A_1018 = arith.constant 1.270000e+02 : f32
      %min3A_1019 = vector.broadcast %min3A_1018 : f32 to vector<16xf32>
      %min3A_1020 = arith.minimumf %max3A_1017, %min3A_1019 : vector<16xf32>
      %mul3A_1021 = vector.broadcast %squeeze3A_911 : f32 to vector<16xf32>
      %mul3A_1022 = arith.mulf %min3A_1020, %mul3A_1021 : vector<16xf32>
      %add3A_1023 = arith.constant 2 : i32
      %add3A_1024 = arith.addi %mul3A_659, %add3A_1023 : i32
      %swap3A_1025 = arith.index_cast %add3A_1024 : i32 to index
      %swap3A_1026 = arith.constant 48 : index
      %swap3A_1027 = tpu.vector_load %arg10[%swap3A_1025, %swap3A_1026] {strides = array<i32>} : memref<512x64xf32, #tpu.memory_space<vmem>>, vector<1x16xf32>,
      %swap3A_1028 = vector.shape_cast %swap3A_1027 : vector<1x16xf32> to vector<16xf32>
      %swap3A_1029 = vector.shape_cast %mul3A_1022 : vector<16xf32> to vector<1x16xf32>
      tpu.vector_store %arg10[%swap3A_1025, %swap3A_1026], %swap3A_1029 {strides = array<i32>} : memref<512x64xf32, #tpu.memory_space<vmem>>, vector<1x16xf32>,
      %slice3A_1030 = vector.extract_strided_slice %get3A_662 {offsets = [3], sizes = [1], strides = [1]} : vector<16xf32> to vector<1xf32>
      %squeeze3A_1031 = vector.extract %slice3A_1030[0] : f32 from vector<1xf32>
      %slice3A_1032 = vector.extract_strided_slice %shift_left3A_674 {offsets = [3], sizes = [1], strides = [1]} : vector<16xi32> to vector<1xi32>
      %squeeze3A_1033 = vector.extract %slice3A_1032[0] : i32 from vector<1xi32>
      %add3A_1034 = arith.constant 3 : i32
      %add3A_1035 = arith.addi %mul3A_659, %add3A_1034 : i32
      %add3A_1036 = arith.constant 0 : i32
      %add3A_1037 = arith.addi %squeeze3A_1033, %add3A_1036 : i32
      %get3A_1038 = arith.index_cast %add3A_1035 : i32 to index
      %get3A_1039 = arith.index_cast %add3A_1037 : i32 to index
      %get3A_1040 = tpu.vector_load %arg8[%get3A_1038, %get3A_1039] {strides = array<i32>} : memref<512x128xf32, #tpu.memory_space<vmem>>, vector<1x16xf32>,
      %get3A_1041 = vector.shape_cast %get3A_1040 : vector<1x16xf32> to vector<16xf32>
      %add3A_1042 = arith.constant 0x4B400000 : f32
      %add3A_1043 = vector.broadcast %add3A_1042 : f32 to vector<16xf32>
      %add3A_1044 = arith.addf %get3A_1041, %add3A_1043 : vector<16xf32>
      %sub3A_1045 = arith.constant 0x4B400000 : f32
      %sub3A_1046 = vector.broadcast %sub3A_1045 : f32 to vector<16xf32>
      %sub3A_1047 = arith.subf %add3A_1044, %sub3A_1046 : vector<16xf32>
      %max3A_1048 = arith.constant -1.280000e+02 : f32
      %max3A_1049 = vector.broadcast %max3A_1048 : f32 to vector<16xf32>
      %max3A_1050 = arith.maximumf %sub3A_1047, %max3A_1049 : vector<16xf32>
      %min3A_1051 = arith.constant 1.270000e+02 : f32
      %min3A_1052 = vector.broadcast %min3A_1051 : f32 to vector<16xf32>
      %min3A_1053 = arith.minimumf %max3A_1050, %min3A_1052 : vector<16xf32>
      %mul3A_1054 = vector.broadcast %squeeze3A_1031 : f32 to vector<16xf32>
      %mul3A_1055 = arith.mulf %min3A_1053, %mul3A_1054 : vector<16xf32>
      %add3A_1056 = arith.constant 3 : i32
      %add3A_1057 = arith.addi %mul3A_659, %add3A_1056 : i32
      %swap3A_1058 = arith.index_cast %add3A_1057 : i32 to index
      %swap3A_1059 = arith.constant 0 : index
      %swap3A_1060 = tpu.vector_load %arg10[%swap3A_1058, %swap3A_1059] {strides = array<i32>} : memref<512x64xf32, #tpu.memory_space<vmem>>, vector<1x16xf32>,
      %swap3A_1061 = vector.shape_cast %swap3A_1060 : vector<1x16xf32> to vector<16xf32>
      %swap3A_1062 = vector.shape_cast %mul3A_1055 : vector<16xf32> to vector<1x16xf32>
      tpu.vector_store %arg10[%swap3A_1058, %swap3A_1059], %swap3A_1062 {strides = array<i32>} : memref<512x64xf32, #tpu.memory_space<vmem>>, vector<1x16xf32>,
      %add3A_1063 = arith.constant 3 : i32
      %add3A_1064 = arith.addi %mul3A_659, %add3A_1063 : i32
      %add3A_1065 = arith.constant 16 : i32
      %add3A_1066 = arith.addi %squeeze3A_1033, %add3A_1065 : i32
      %get3A_1067 = arith.index_cast %add3A_1064 : i32 to index
      %get3A_1068 = arith.index_cast %add3A_1066 : i32 to index
      %get3A_1069 = tpu.vector_load %arg8[%get3A_1067, %get3A_1068] {strides = array<i32>} : memref<512x128xf32, #tpu.memory_space<vmem>>, vector<1x16xf32>,
      %get3A_1070 = vector.shape_cast %get3A_1069 : vector<1x16xf32> to vector<16xf32>
      %add3A_1071 = arith.constant 0x4B400000 : f32
      %add3A_1072 = vector.broadcast %add3A_1071 : f32 to vector<16xf32>
      %add3A_1073 = arith.addf %get3A_1070, %add3A_1072 : vector<16xf32>
      %sub3A_1074 = arith.constant 0x4B400000 : f32
      %sub3A_1075 = vector.broadcast %sub3A_1074 : f32 to vector<16xf32>
      %sub3A_1076 = arith.subf %add3A_1073, %sub3A_1075 : vector<16xf32>
      %max3A_1077 = arith.constant -1.280000e+02 : f32
      %max3A_1078 = vector.broadcast %max3A_1077 : f32 to vector<16xf32>
      %max3A_1079 = arith.maximumf %sub3A_1076, %max3A_1078 : vector<16xf32>
      %min3A_1080 = arith.constant 1.270000e+02 : f32
      %min3A_1081 = vector.broadcast %min3A_1080 : f32 to vector<16xf32>
      %min3A_1082 = arith.minimumf %max3A_1079, %min3A_1081 : vector<16xf32>
      %mul3A_1083 = vector.broadcast %squeeze3A_1031 : f32 to vector<16xf32>
      %mul3A_1084 = arith.mulf %min3A_1082, %mul3A_1083 : vector<16xf32>
      %add3A_1085 = arith.constant 3 : i32
      %add3A_1086 = arith.addi %mul3A_659, %add3A_1085 : i32
      %swap3A_1087 = arith.index_cast %add3A_1086 : i32 to index
      %swap3A_1088 = arith.constant 16 : index
      %swap3A_1089 = tpu.vector_load %arg10[%swap3A_1087, %swap3A_1088] {strides = array<i32>} : memref<512x64xf32, #tpu.memory_space<vmem>>, vector<1x16xf32>,
      %swap3A_1090 = vector.shape_cast %swap3A_1089 : vector<1x16xf32> to vector<16xf32>
      %swap3A_1091 = vector.shape_cast %mul3A_1084 : vector<16xf32> to vector<1x16xf32>
      tpu.vector_store %arg10[%swap3A_1087, %swap3A_1088], %swap3A_1091 {strides = array<i32>} : memref<512x64xf32, #tpu.memory_space<vmem>>, vector<1x16xf32>,
      %add3A_1092 = arith.constant 3 : i32
      %add3A_1093 = arith.addi %mul3A_659, %add3A_1092 : i32
      %add3A_1094 = arith.constant 32 : i32
      %add3A_1095 = arith.addi %squeeze3A_1033, %add3A_1094 : i32
      %get3A_1096 = arith.index_cast %add3A_1093 : i32 to index
      %get3A_1097 = arith.index_cast %add3A_1095 : i32 to index
      %get3A_1098 = tpu.vector_load %arg8[%get3A_1096, %get3A_1097] {strides = array<i32>} : memref<512x128xf32, #tpu.memory_space<vmem>>, vector<1x16xf32>,
      %get3A_1099 = vector.shape_cast %get3A_1098 : vector<1x16xf32> to vector<16xf32>
      %add3A_1100 = arith.constant 0x4B400000 : f32
      %add3A_1101 = vector.broadcast %add3A_1100 : f32 to vector<16xf32>
      %add3A_1102 = arith.addf %get3A_1099, %add3A_1101 : vector<16xf32>
      %sub3A_1103 = arith.constant 0x4B400000 : f32
      %sub3A_1104 = vector.broadcast %sub3A_1103 : f32 to vector<16xf32>
      %sub3A_1105 = arith.subf %add3A_1102, %sub3A_1104 : vector<16xf32>
      %max3A_1106 = arith.constant -1.280000e+02 : f32
      %max3A_1107 = vector.broadcast %max3A_1106 : f32 to vector<16xf32>
      %max3A_1108 = arith.maximumf %sub3A_1105, %max3A_1107 : vector<16xf32>
      %min3A_1109 = arith.constant 1.270000e+02 : f32
      %min3A_1110 = vector.broadcast %min3A_1109 : f32 to vector<16xf32>
      %min3A_1111 = arith.minimumf %max3A_1108, %min3A_1110 : vector<16xf32>
      %mul3A_1112 = vector.broadcast %squeeze3A_1031 : f32 to vector<16xf32>
      %mul3A_1113 = arith.mulf %min3A_1111, %mul3A_1112 : vector<16xf32>
      %add3A_1114 = arith.constant 3 : i32
      %add3A_1115 = arith.addi %mul3A_659, %add3A_1114 : i32
      %swap3A_1116 = arith.index_cast %add3A_1115 : i32 to index
      %swap3A_1117 = arith.constant 32 : index
      %swap3A_1118 = tpu.vector_load %arg10[%swap3A_1116, %swap3A_1117] {strides = array<i32>} : memref<512x64xf32, #tpu.memory_space<vmem>>, vector<1x16xf32>,
      %swap3A_1119 = vector.shape_cast %swap3A_1118 : vector<1x16xf32> to vector<16xf32>
      %swap3A_1120 = vector.shape_cast %mul3A_1113 : vector<16xf32> to vector<1x16xf32>
      tpu.vector_store %arg10[%swap3A_1116, %swap3A_1117], %swap3A_1120 {strides = array<i32>} : memref<512x64xf32, #tpu.memory_space<vmem>>, vector<1x16xf32>,
      %add3A_1121 = arith.constant 3 : i32
      %add3A_1122 = arith.addi %mul3A_659, %add3A_1121 : i32
      %add3A_1123 = arith.constant 48 : i32
      %add3A_1124 = arith.addi %squeeze3A_1033, %add3A_1123 : i32
      %get3A_1125 = arith.index_cast %add3A_1122 : i32 to index
      %get3A_1126 = arith.index_cast %add3A_1124 : i32 to index
      %get3A_1127 = tpu.vector_load %arg8[%get3A_1125, %get3A_1126] {strides = array<i32>} : memref<512x128xf32, #tpu.memory_space<vmem>>, vector<1x16xf32>,
      %get3A_1128 = vector.shape_cast %get3A_1127 : vector<1x16xf32> to vector<16xf32>
      %add3A_1129 = arith.constant 0x4B400000 : f32
      %add3A_1130 = vector.broadcast %add3A_1129 : f32 to vector<16xf32>
      %add3A_1131 = arith.addf %get3A_1128, %add3A_1130 : vector<16xf32>
      %sub3A_1132 = arith.constant 0x4B400000 : f32
      %sub3A_1133 = vector.broadcast %sub3A_1132 : f32 to vector<16xf32>
      %sub3A_1134 = arith.subf %add3A_1131, %sub3A_1133 : vector<16xf32>
      %max3A_1135 = arith.constant -1.280000e+02 : f32
      %max3A_1136 = vector.broadcast %max3A_1135 : f32 to vector<16xf32>
      %max3A_1137 = arith.maximumf %sub3A_1134, %max3A_1136 : vector<16xf32>
      %min3A_1138 = arith.constant 1.270000e+02 : f32
      %min3A_1139 = vector.broadcast %min3A_1138 : f32 to vector<16xf32>
      %min3A_1140 = arith.minimumf %max3A_1137, %min3A_1139 : vector<16xf32>
      %mul3A_1141 = vector.broadcast %squeeze3A_1031 : f32 to vector<16xf32>
      %mul3A_1142 = arith.mulf %min3A_1140, %mul3A_1141 : vector<16xf32>
      %add3A_1143 = arith.constant 3 : i32
      %add3A_1144 = arith.addi %mul3A_659, %add3A_1143 : i32
      %swap3A_1145 = arith.index_cast %add3A_1144 : i32 to index
      %swap3A_1146 = arith.constant 48 : index
      %swap3A_1147 = tpu.vector_load %arg10[%swap3A_1145, %swap3A_1146] {strides = array<i32>} : memref<512x64xf32, #tpu.memory_space<vmem>>, vector<1x16xf32>,
      %swap3A_1148 = vector.shape_cast %swap3A_1147 : vector<1x16xf32> to vector<16xf32>
      %swap3A_1149 = vector.shape_cast %mul3A_1142 : vector<16xf32> to vector<1x16xf32>
      tpu.vector_store %arg10[%swap3A_1145, %swap3A_1146], %swap3A_1149 {strides = array<i32>} : memref<512x64xf32, #tpu.memory_space<vmem>>, vector<1x16xf32>,
      %slice3A_1150 = vector.extract_strided_slice %get3A_662 {offsets = [4], sizes = [1], strides = [1]} : vector<16xf32> to vector<1xf32>
      %squeeze3A_1151 = vector.extract %slice3A_1150[0] : f32 from vector<1xf32>
      %slice3A_1152 = vector.extract_strided_slice %shift_left3A_674 {offsets = [4], sizes = [1], strides = [1]} : vector<16xi32> to vector<1xi32>
      %squeeze3A_1153 = vector.extract %slice3A_1152[0] : i32 from vector<1xi32>
      %add3A_1154 = arith.constant 4 : i32
      %add3A_1155 = arith.addi %mul3A_659, %add3A_1154 : i32
      %add3A_1156 = arith.constant 0 : i32
      %add3A_1157 = arith.addi %squeeze3A_1153, %add3A_1156 : i32
      %get3A_1158 = arith.index_cast %add3A_1155 : i32 to index
      %get3A_1159 = arith.index_cast %add3A_1157 : i32 to index
      %get3A_1160 = tpu.vector_load %arg8[%get3A_1158, %get3A_1159] {strides = array<i32>} : memref<512x128xf32, #tpu.memory_space<vmem>>, vector<1x16xf32>,
      %get3A_1161 = vector.shape_cast %get3A_1160 : vector<1x16xf32> to vector<16xf32>
      %add3A_1162 = arith.constant 0x4B400000 : f32
      %add3A_1163 = vector.broadcast %add3A_1162 : f32 to vector<16xf32>
      %add3A_1164 = arith.addf %get3A_1161, %add3A_1163 : vector<16xf32>
      %sub3A_1165 = arith.constant 0x4B400000 : f32
      %sub3A_1166 = vector.broadcast %sub3A_1165 : f32 to vector<16xf32>
      %sub3A_1167 = arith.subf %add3A_1164, %sub3A_1166 : vector<16xf32>
      %max3A_1168 = arith.constant -1.280000e+02 : f32
      %max3A_1169 = vector.broadcast %max3A_1168 : f32 to vector<16xf32>
      %max3A_1170 = arith.maximumf %sub3A_1167, %max3A_1169 : vector<16xf32>
      %min3A_1171 = arith.constant 1.270000e+02 : f32
      %min3A_1172 = vector.broadcast %min3A_1171 : f32 to vector<16xf32>
      %min3A_1173 = arith.minimumf %max3A_1170, %min3A_1172 : vector<16xf32>
      %mul3A_1174 = vector.broadcast %squeeze3A_1151 : f32 to vector<16xf32>
      %mul3A_1175 = arith.mulf %min3A_1173, %mul3A_1174 : vector<16xf32>
      %add3A_1176 = arith.constant 4 : i32
      %add3A_1177 = arith.addi %mul3A_659, %add3A_1176 : i32
      %swap3A_1178 = arith.index_cast %add3A_1177 : i32 to index
      %swap3A_1179 = arith.constant 0 : index
      %swap3A_1180 = tpu.vector_load %arg10[%swap3A_1178, %swap3A_1179] {strides = array<i32>} : memref<512x64xf32, #tpu.memory_space<vmem>>, vector<1x16xf32>,
      %swap3A_1181 = vector.shape_cast %swap3A_1180 : vector<1x16xf32> to vector<16xf32>
      %swap3A_1182 = vector.shape_cast %mul3A_1175 : vector<16xf32> to vector<1x16xf32>
      tpu.vector_store %arg10[%swap3A_1178, %swap3A_1179], %swap3A_1182 {strides = array<i32>} : memref<512x64xf32, #tpu.memory_space<vmem>>, vector<1x16xf32>,
      %add3A_1183 = arith.constant 4 : i32
      %add3A_1184 = arith.addi %mul3A_659, %add3A_1183 : i32
      %add3A_1185 = arith.constant 16 : i32
      %add3A_1186 = arith.addi %squeeze3A_1153, %add3A_1185 : i32
      %get3A_1187 = arith.index_cast %add3A_1184 : i32 to index
      %get3A_1188 = arith.index_cast %add3A_1186 : i32 to index
      %get3A_1189 = tpu.vector_load %arg8[%get3A_1187, %get3A_1188] {strides = array<i32>} : memref<512x128xf32, #tpu.memory_space<vmem>>, vector<1x16xf32>,
      %get3A_1190 = vector.shape_cast %get3A_1189 : vector<1x16xf32> to vector<16xf32>
      %add3A_1191 = arith.constant 0x4B400000 : f32
      %add3A_1192 = vector.broadcast %add3A_1191 : f32 to vector<16xf32>
      %add3A_1193 = arith.addf %get3A_1190, %add3A_1192 : vector<16xf32>
      %sub3A_1194 = arith.constant 0x4B400000 : f32
      %sub3A_1195 = vector.broadcast %sub3A_1194 : f32 to vector<16xf32>
      %sub3A_1196 = arith.subf %add3A_1193, %sub3A_1195 : vector<16xf32>
      %max3A_1197 = arith.constant -1.280000e+02 : f32
      %max3A_1198 = vector.broadcast %max3A_1197 : f32 to vector<16xf32>
      %max3A_1199 = arith.maximumf %sub3A_1196, %max3A_1198 : vector<16xf32>
      %min3A_1200 = arith.constant 1.270000e+02 : f32
      %min3A_1201 = vector.broadcast %min3A_1200 : f32 to vector<16xf32>
      %min3A_1202 = arith.minimumf %max3A_1199, %min3A_1201 : vector<16xf32>
      %mul3A_1203 = vector.broadcast %squeeze3A_1151 : f32 to vector<16xf32>
      %mul3A_1204 = arith.mulf %min3A_1202, %mul3A_1203 : vector<16xf32>
      %add3A_1205 = arith.constant 4 : i32
      %add3A_1206 = arith.addi %mul3A_659, %add3A_1205 : i32
      %swap3A_1207 = arith.index_cast %add3A_1206 : i32 to index
      %swap3A_1208 = arith.constant 16 : index
      %swap3A_1209 = tpu.vector_load %arg10[%swap3A_1207, %swap3A_1208] {strides = array<i32>} : memref<512x64xf32, #tpu.memory_space<vmem>>, vector<1x16xf32>,
      %swap3A_1210 = vector.shape_cast %swap3A_1209 : vector<1x16xf32> to vector<16xf32>
      %swap3A_1211 = vector.shape_cast %mul3A_1204 : vector<16xf32> to vector<1x16xf32>
      tpu.vector_store %arg10[%swap3A_1207, %swap3A_1208], %swap3A_1211 {strides = array<i32>} : memref<512x64xf32, #tpu.memory_space<vmem>>, vector<1x16xf32>,
      %add3A_1212 = arith.constant 4 : i32
      %add3A_1213 = arith.addi %mul3A_659, %add3A_1212 : i32
      %add3A_1214 = arith.constant 32 : i32
      %add3A_1215 = arith.addi %squeeze3A_1153, %add3A_1214 : i32
      %get3A_1216 = arith.index_cast %add3A_1213 : i32 to index
      %get3A_1217 = arith.index_cast %add3A_1215 : i32 to index
      %get3A_1218 = tpu.vector_load %arg8[%get3A_1216, %get3A_1217] {strides = array<i32>} : memref<512x128xf32, #tpu.memory_space<vmem>>, vector<1x16xf32>,
      %get3A_1219 = vector.shape_cast %get3A_1218 : vector<1x16xf32> to vector<16xf32>
      %add3A_1220 = arith.constant 0x4B400000 : f32
      %add3A_1221 = vector.broadcast %add3A_1220 : f32 to vector<16xf32>
      %add3A_1222 = arith.addf %get3A_1219, %add3A_1221 : vector<16xf32>
      %sub3A_1223 = arith.constant 0x4B400000 : f32
      %sub3A_1224 = vector.broadcast %sub3A_1223 : f32 to vector<16xf32>
      %sub3A_1225 = arith.subf %add3A_1222, %sub3A_1224 : vector<16xf32>
      %max3A_1226 = arith.constant -1.280000e+02 : f32
      %max3A_1227 = vector.broadcast %max3A_1226 : f32 to vector<16xf32>
      %max3A_1228 = arith.maximumf %sub3A_1225, %max3A_1227 : vector<16xf32>
      %min3A_1229 = arith.constant 1.270000e+02 : f32
      %min3A_1230 = vector.broadcast %min3A_1229 : f32 to vector<16xf32>
      %min3A_1231 = arith.minimumf %max3A_1228, %min3A_1230 : vector<16xf32>
      %mul3A_1232 = vector.broadcast %squeeze3A_1151 : f32 to vector<16xf32>
      %mul3A_1233 = arith.mulf %min3A_1231, %mul3A_1232 : vector<16xf32>
      %add3A_1234 = arith.constant 4 : i32
      %add3A_1235 = arith.addi %mul3A_659, %add3A_1234 : i32
      %swap3A_1236 = arith.index_cast %add3A_1235 : i32 to index
      %swap3A_1237 = arith.constant 32 : index
      %swap3A_1238 = tpu.vector_load %arg10[%swap3A_1236, %swap3A_1237] {strides = array<i32>} : memref<512x64xf32, #tpu.memory_space<vmem>>, vector<1x16xf32>,
      %swap3A_1239 = vector.shape_cast %swap3A_1238 : vector<1x16xf32> to vector<16xf32>
      %swap3A_1240 = vector.shape_cast %mul3A_1233 : vector<16xf32> to vector<1x16xf32>
      tpu.vector_store %arg10[%swap3A_1236, %swap3A_1237], %swap3A_1240 {strides = array<i32>} : memref<512x64xf32, #tpu.memory_space<vmem>>, vector<1x16xf32>,
      %add3A_1241 = arith.constant 4 : i32
      %add3A_1242 = arith.addi %mul3A_659, %add3A_1241 : i32
      %add3A_1243 = arith.constant 48 : i32
      %add3A_1244 = arith.addi %squeeze3A_1153, %add3A_1243 : i32
      %get3A_1245 = arith.index_cast %add3A_1242 : i32 to index
      %get3A_1246 = arith.index_cast %add3A_1244 : i32 to index
      %get3A_1247 = tpu.vector_load %arg8[%get3A_1245, %get3A_1246] {strides = array<i32>} : memref<512x128xf32, #tpu.memory_space<vmem>>, vector<1x16xf32>,
      %get3A_1248 = vector.shape_cast %get3A_1247 : vector<1x16xf32> to vector<16xf32>
      %add3A_1249 = arith.constant 0x4B400000 : f32
      %add3A_1250 = vector.broadcast %add3A_1249 : f32 to vector<16xf32>
      %add3A_1251 = arith.addf %get3A_1248, %add3A_1250 : vector<16xf32>
      %sub3A_1252 = arith.constant 0x4B400000 : f32
      %sub3A_1253 = vector.broadcast %sub3A_1252 : f32 to vector<16xf32>
      %sub3A_1254 = arith.subf %add3A_1251, %sub3A_1253 : vector<16xf32>
      %max3A_1255 = arith.constant -1.280000e+02 : f32
      %max3A_1256 = vector.broadcast %max3A_1255 : f32 to vector<16xf32>
      %max3A_1257 = arith.maximumf %sub3A_1254, %max3A_1256 : vector<16xf32>
      %min3A_1258 = arith.constant 1.270000e+02 : f32
      %min3A_1259 = vector.broadcast %min3A_1258 : f32 to vector<16xf32>
      %min3A_1260 = arith.minimumf %max3A_1257, %min3A_1259 : vector<16xf32>
      %mul3A_1261 = vector.broadcast %squeeze3A_1151 : f32 to vector<16xf32>
      %mul3A_1262 = arith.mulf %min3A_1260, %mul3A_1261 : vector<16xf32>
      %add3A_1263 = arith.constant 4 : i32
      %add3A_1264 = arith.addi %mul3A_659, %add3A_1263 : i32
      %swap3A_1265 = arith.index_cast %add3A_1264 : i32 to index
      %swap3A_1266 = arith.constant 48 : index
      %swap3A_1267 = tpu.vector_load %arg10[%swap3A_1265, %swap3A_1266] {strides = array<i32>} : memref<512x64xf32, #tpu.memory_space<vmem>>, vector<1x16xf32>,
      %swap3A_1268 = vector.shape_cast %swap3A_1267 : vector<1x16xf32> to vector<16xf32>
      %swap3A_1269 = vector.shape_cast %mul3A_1262 : vector<16xf32> to vector<1x16xf32>
      tpu.vector_store %arg10[%swap3A_1265, %swap3A_1266], %swap3A_1269 {strides = array<i32>} : memref<512x64xf32, #tpu.memory_space<vmem>>, vector<1x16xf32>,
      %slice3A_1270 = vector.extract_strided_slice %get3A_662 {offsets = [5], sizes = [1], strides = [1]} : vector<16xf32> to vector<1xf32>
      %squeeze3A_1271 = vector.extract %slice3A_1270[0] : f32 from vector<1xf32>
      %slice3A_1272 = vector.extract_strided_slice %shift_left3A_674 {offsets = [5], sizes = [1], strides = [1]} : vector<16xi32> to vector<1xi32>
      %squeeze3A_1273 = vector.extract %slice3A_1272[0] : i32 from vector<1xi32>
      %add3A_1274 = arith.constant 5 : i32
      %add3A_1275 = arith.addi %mul3A_659, %add3A_1274 : i32
      %add3A_1276 = arith.constant 0 : i32
      %add3A_1277 = arith.addi %squeeze3A_1273, %add3A_1276 : i32
      %get3A_1278 = arith.index_cast %add3A_1275 : i32 to index
      %get3A_1279 = arith.index_cast %add3A_1277 : i32 to index
      %get3A_1280 = tpu.vector_load %arg8[%get3A_1278, %get3A_1279] {strides = array<i32>} : memref<512x128xf32, #tpu.memory_space<vmem>>, vector<1x16xf32>,
      %get3A_1281 = vector.shape_cast %get3A_1280 : vector<1x16xf32> to vector<16xf32>
      %add3A_1282 = arith.constant 0x4B400000 : f32
      %add3A_1283 = vector.broadcast %add3A_1282 : f32 to vector<16xf32>
      %add3A_1284 = arith.addf %get3A_1281, %add3A_1283 : vector<16xf32>
      %sub3A_1285 = arith.constant 0x4B400000 : f32
      %sub3A_1286 = vector.broadcast %sub3A_1285 : f32 to vector<16xf32>
      %sub3A_1287 = arith.subf %add3A_1284, %sub3A_1286 : vector<16xf32>
      %max3A_1288 = arith.constant -1.280000e+02 : f32
      %max3A_1289 = vector.broadcast %max3A_1288 : f32 to vector<16xf32>
      %max3A_1290 = arith.maximumf %sub3A_1287, %max3A_1289 : vector<16xf32>
      %min3A_1291 = arith.constant 1.270000e+02 : f32
      %min3A_1292 = vector.broadcast %min3A_1291 : f32 to vector<16xf32>
      %min3A_1293 = arith.minimumf %max3A_1290, %min3A_1292 : vector<16xf32>
      %mul3A_1294 = vector.broadcast %squeeze3A_1271 : f32 to vector<16xf32>
      %mul3A_1295 = arith.mulf %min3A_1293, %mul3A_1294 : vector<16xf32>
      %add3A_1296 = arith.constant 5 : i32
      %add3A_1297 = arith.addi %mul3A_659, %add3A_1296 : i32
      %swap3A_1298 = arith.index_cast %add3A_1297 : i32 to index
      %swap3A_1299 = arith.constant 0 : index
      %swap3A_1300 = tpu.vector_load %arg10[%swap3A_1298, %swap3A_1299] {strides = array<i32>} : memref<512x64xf32, #tpu.memory_space<vmem>>, vector<1x16xf32>,
      %swap3A_1301 = vector.shape_cast %swap3A_1300 : vector<1x16xf32> to vector<16xf32>
      %swap3A_1302 = vector.shape_cast %mul3A_1295 : vector<16xf32> to vector<1x16xf32>
      tpu.vector_store %arg10[%swap3A_1298, %swap3A_1299], %swap3A_1302 {strides = array<i32>} : memref<512x64xf32, #tpu.memory_space<vmem>>, vector<1x16xf32>,
      %add3A_1303 = arith.constant 5 : i32
      %add3A_1304 = arith.addi %mul3A_659, %add3A_1303 : i32
      %add3A_1305 = arith.constant 16 : i32
      %add3A_1306 = arith.addi %squeeze3A_1273, %add3A_1305 : i32
      %get3A_1307 = arith.index_cast %add3A_1304 : i32 to index
      %get3A_1308 = arith.index_cast %add3A_1306 : i32 to index
      %get3A_1309 = tpu.vector_load %arg8[%get3A_1307, %get3A_1308] {strides = array<i32>} : memref<512x128xf32, #tpu.memory_space<vmem>>, vector<1x16xf32>,
      %get3A_1310 = vector.shape_cast %get3A_1309 : vector<1x16xf32> to vector<16xf32>
      %add3A_1311 = arith.constant 0x4B400000 : f32
      %add3A_1312 = vector.broadcast %add3A_1311 : f32 to vector<16xf32>
      %add3A_1313 = arith.addf %get3A_1310, %add3A_1312 : vector<16xf32>
      %sub3A_1314 = arith.constant 0x4B400000 : f32
      %sub3A_1315 = vector.broadcast %sub3A_1314 : f32 to vector<16xf32>
      %sub3A_1316 = arith.subf %add3A_1313, %sub3A_1315 : vector<16xf32>
      %max3A_1317 = arith.constant -1.280000e+02 : f32
      %max3A_1318 = vector.broadcast %max3A_1317 : f32 to vector<16xf32>
      %max3A_1319 = arith.maximumf %sub3A_1316, %max3A_1318 : vector<16xf32>
      %min3A_1320 = arith.constant 1.270000e+02 : f32
      %min3A_1321 = vector.broadcast %min3A_1320 : f32 to vector<16xf32>
      %min3A_1322 = arith.minimumf %max3A_1319, %min3A_1321 : vector<16xf32>
      %mul3A_1323 = vector.broadcast %squeeze3A_1271 : f32 to vector<16xf32>
      %mul3A_1324 = arith.mulf %min3A_1322, %mul3A_1323 : vector<16xf32>
      %add3A_1325 = arith.constant 5 : i32
      %add3A_1326 = arith.addi %mul3A_659, %add3A_1325 : i32
      %swap3A_1327 = arith.index_cast %add3A_1326 : i32 to index
      %swap3A_1328 = arith.constant 16 : index
      %swap3A_1329 = tpu.vector_load %arg10[%swap3A_1327, %swap3A_1328] {strides = array<i32>} : memref<512x64xf32, #tpu.memory_space<vmem>>, vector<1x16xf32>,
      %swap3A_1330 = vector.shape_cast %swap3A_1329 : vector<1x16xf32> to vector<16xf32>
      %swap3A_1331 = vector.shape_cast %mul3A_1324 : vector<16xf32> to vector<1x16xf32>
      tpu.vector_store %arg10[%swap3A_1327, %swap3A_1328], %swap3A_1331 {strides = array<i32>} : memref<512x64xf32, #tpu.memory_space<vmem>>, vector<1x16xf32>,
      %add3A_1332 = arith.constant 5 : i32
      %add3A_1333 = arith.addi %mul3A_659, %add3A_1332 : i32
      %add3A_1334 = arith.constant 32 : i32
      %add3A_1335 = arith.addi %squeeze3A_1273, %add3A_1334 : i32
      %get3A_1336 = arith.index_cast %add3A_1333 : i32 to index
      %get3A_1337 = arith.index_cast %add3A_1335 : i32 to index
      %get3A_1338 = tpu.vector_load %arg8[%get3A_1336, %get3A_1337] {strides = array<i32>} : memref<512x128xf32, #tpu.memory_space<vmem>>, vector<1x16xf32>,
      %get3A_1339 = vector.shape_cast %get3A_1338 : vector<1x16xf32> to vector<16xf32>
      %add3A_1340 = arith.constant 0x4B400000 : f32
      %add3A_1341 = vector.broadcast %add3A_1340 : f32 to vector<16xf32>
      %add3A_1342 = arith.addf %get3A_1339, %add3A_1341 : vector<16xf32>
      %sub3A_1343 = arith.constant 0x4B400000 : f32
      %sub3A_1344 = vector.broadcast %sub3A_1343 : f32 to vector<16xf32>
      %sub3A_1345 = arith.subf %add3A_1342, %sub3A_1344 : vector<16xf32>
      %max3A_1346 = arith.constant -1.280000e+02 : f32
      %max3A_1347 = vector.broadcast %max3A_1346 : f32 to vector<16xf32>
      %max3A_1348 = arith.maximumf %sub3A_1345, %max3A_1347 : vector<16xf32>
      %min3A_1349 = arith.constant 1.270000e+02 : f32
      %min3A_1350 = vector.broadcast %min3A_1349 : f32 to vector<16xf32>
      %min3A_1351 = arith.minimumf %max3A_1348, %min3A_1350 : vector<16xf32>
      %mul3A_1352 = vector.broadcast %squeeze3A_1271 : f32 to vector<16xf32>
      %mul3A_1353 = arith.mulf %min3A_1351, %mul3A_1352 : vector<16xf32>
      %add3A_1354 = arith.constant 5 : i32
      %add3A_1355 = arith.addi %mul3A_659, %add3A_1354 : i32
      %swap3A_1356 = arith.index_cast %add3A_1355 : i32 to index
      %swap3A_1357 = arith.constant 32 : index
      %swap3A_1358 = tpu.vector_load %arg10[%swap3A_1356, %swap3A_1357] {strides = array<i32>} : memref<512x64xf32, #tpu.memory_space<vmem>>, vector<1x16xf32>,
      %swap3A_1359 = vector.shape_cast %swap3A_1358 : vector<1x16xf32> to vector<16xf32>
      %swap3A_1360 = vector.shape_cast %mul3A_1353 : vector<16xf32> to vector<1x16xf32>
      tpu.vector_store %arg10[%swap3A_1356, %swap3A_1357], %swap3A_1360 {strides = array<i32>} : memref<512x64xf32, #tpu.memory_space<vmem>>, vector<1x16xf32>,
      %add3A_1361 = arith.constant 5 : i32
      %add3A_1362 = arith.addi %mul3A_659, %add3A_1361 : i32
      %add3A_1363 = arith.constant 48 : i32
      %add3A_1364 = arith.addi %squeeze3A_1273, %add3A_1363 : i32
      %get3A_1365 = arith.index_cast %add3A_1362 : i32 to index
      %get3A_1366 = arith.index_cast %add3A_1364 : i32 to index
      %get3A_1367 = tpu.vector_load %arg8[%get3A_1365, %get3A_1366] {strides = array<i32>} : memref<512x128xf32, #tpu.memory_space<vmem>>, vector<1x16xf32>,
      %get3A_1368 = vector.shape_cast %get3A_1367 : vector<1x16xf32> to vector<16xf32>
      %add3A_1369 = arith.constant 0x4B400000 : f32
      %add3A_1370 = vector.broadcast %add3A_1369 : f32 to vector<16xf32>
      %add3A_1371 = arith.addf %get3A_1368, %add3A_1370 : vector<16xf32>
      %sub3A_1372 = arith.constant 0x4B400000 : f32
      %sub3A_1373 = vector.broadcast %sub3A_1372 : f32 to vector<16xf32>
      %sub3A_1374 = arith.subf %add3A_1371, %sub3A_1373 : vector<16xf32>
      %max3A_1375 = arith.constant -1.280000e+02 : f32
      %max3A_1376 = vector.broadcast %max3A_1375 : f32 to vector<16xf32>
      %max3A_1377 = arith.maximumf %sub3A_1374, %max3A_1376 : vector<16xf32>
      %min3A_1378 = arith.constant 1.270000e+02 : f32
      %min3A_1379 = vector.broadcast %min3A_1378 : f32 to vector<16xf32>
      %min3A_1380 = arith.minimumf %max3A_1377, %min3A_1379 : vector<16xf32>
      %mul3A_1381 = vector.broadcast %squeeze3A_1271 : f32 to vector<16xf32>
      %mul3A_1382 = arith.mulf %min3A_1380, %mul3A_1381 : vector<16xf32>
      %add3A_1383 = arith.constant 5 : i32
      %add3A_1384 = arith.addi %mul3A_659, %add3A_1383 : i32
      %swap3A_1385 = arith.index_cast %add3A_1384 : i32 to index
      %swap3A_1386 = arith.constant 48 : index
      %swap3A_1387 = tpu.vector_load %arg10[%swap3A_1385, %swap3A_1386] {strides = array<i32>} : memref<512x64xf32, #tpu.memory_space<vmem>>, vector<1x16xf32>,
      %swap3A_1388 = vector.shape_cast %swap3A_1387 : vector<1x16xf32> to vector<16xf32>
      %swap3A_1389 = vector.shape_cast %mul3A_1382 : vector<16xf32> to vector<1x16xf32>
      tpu.vector_store %arg10[%swap3A_1385, %swap3A_1386], %swap3A_1389 {strides = array<i32>} : memref<512x64xf32, #tpu.memory_space<vmem>>, vector<1x16xf32>,
      %slice3A_1390 = vector.extract_strided_slice %get3A_662 {offsets = [6], sizes = [1], strides = [1]} : vector<16xf32> to vector<1xf32>
      %squeeze3A_1391 = vector.extract %slice3A_1390[0] : f32 from vector<1xf32>
      %slice3A_1392 = vector.extract_strided_slice %shift_left3A_674 {offsets = [6], sizes = [1], strides = [1]} : vector<16xi32> to vector<1xi32>
      %squeeze3A_1393 = vector.extract %slice3A_1392[0] : i32 from vector<1xi32>
      %add3A_1394 = arith.constant 6 : i32
      %add3A_1395 = arith.addi %mul3A_659, %add3A_1394 : i32
      %add3A_1396 = arith.constant 0 : i32
      %add3A_1397 = arith.addi %squeeze3A_1393, %add3A_1396 : i32
      %get3A_1398 = arith.index_cast %add3A_1395 : i32 to index
      %get3A_1399 = arith.index_cast %add3A_1397 : i32 to index
      %get3A_1400 = tpu.vector_load %arg8[%get3A_1398, %get3A_1399] {strides = array<i32>} : memref<512x128xf32, #tpu.memory_space<vmem>>, vector<1x16xf32>,
      %get3A_1401 = vector.shape_cast %get3A_1400 : vector<1x16xf32> to vector<16xf32>
      %add3A_1402 = arith.constant 0x4B400000 : f32
      %add3A_1403 = vector.broadcast %add3A_1402 : f32 to vector<16xf32>
      %add3A_1404 = arith.addf %get3A_1401, %add3A_1403 : vector<16xf32>
      %sub3A_1405 = arith.constant 0x4B400000 : f32
      %sub3A_1406 = vector.broadcast %sub3A_1405 : f32 to vector<16xf32>
      %sub3A_1407 = arith.subf %add3A_1404, %sub3A_1406 : vector<16xf32>
      %max3A_1408 = arith.constant -1.280000e+02 : f32
      %max3A_1409 = vector.broadcast %max3A_1408 : f32 to vector<16xf32>
      %max3A_1410 = arith.maximumf %sub3A_1407, %max3A_1409 : vector<16xf32>
      %min3A_1411 = arith.constant 1.270000e+02 : f32
      %min3A_1412 = vector.broadcast %min3A_1411 : f32 to vector<16xf32>
      %min3A_1413 = arith.minimumf %max3A_1410, %min3A_1412 : vector<16xf32>
      %mul3A_1414 = vector.broadcast %squeeze3A_1391 : f32 to vector<16xf32>
      %mul3A_1415 = arith.mulf %min3A_1413, %mul3A_1414 : vector<16xf32>
      %add3A_1416 = arith.constant 6 : i32
      %add3A_1417 = arith.addi %mul3A_659, %add3A_1416 : i32
      %swap3A_1418 = arith.index_cast %add3A_1417 : i32 to index
      %swap3A_1419 = arith.constant 0 : index
      %swap3A_1420 = tpu.vector_load %arg10[%swap3A_1418, %swap3A_1419] {strides = array<i32>} : memref<512x64xf32, #tpu.memory_space<vmem>>, vector<1x16xf32>,
      %swap3A_1421 = vector.shape_cast %swap3A_1420 : vector<1x16xf32> to vector<16xf32>
      %swap3A_1422 = vector.shape_cast %mul3A_1415 : vector<16xf32> to vector<1x16xf32>
      tpu.vector_store %arg10[%swap3A_1418, %swap3A_1419], %swap3A_1422 {strides = array<i32>} : memref<512x64xf32, #tpu.memory_space<vmem>>, vector<1x16xf32>,
      %add3A_1423 = arith.constant 6 : i32
      %add3A_1424 = arith.addi %mul3A_659, %add3A_1423 : i32
      %add3A_1425 = arith.constant 16 : i32
      %add3A_1426 = arith.addi %squeeze3A_1393, %add3A_1425 : i32
      %get3A_1427 = arith.index_cast %add3A_1424 : i32 to index
      %get3A_1428 = arith.index_cast %add3A_1426 : i32 to index
      %get3A_1429 = tpu.vector_load %arg8[%get3A_1427, %get3A_1428] {strides = array<i32>} : memref<512x128xf32, #tpu.memory_space<vmem>>, vector<1x16xf32>,
      %get3A_1430 = vector.shape_cast %get3A_1429 : vector<1x16xf32> to vector<16xf32>
      %add3A_1431 = arith.constant 0x4B400000 : f32
      %add3A_1432 = vector.broadcast %add3A_1431 : f32 to vector<16xf32>
      %add3A_1433 = arith.addf %get3A_1430, %add3A_1432 : vector<16xf32>
      %sub3A_1434 = arith.constant 0x4B400000 : f32
      %sub3A_1435 = vector.broadcast %sub3A_1434 : f32 to vector<16xf32>
      %sub3A_1436 = arith.subf %add3A_1433, %sub3A_1435 : vector<16xf32>
      %max3A_1437 = arith.constant -1.280000e+02 : f32
      %max3A_1438 = vector.broadcast %max3A_1437 : f32 to vector<16xf32>
      %max3A_1439 = arith.maximumf %sub3A_1436, %max3A_1438 : vector<16xf32>
      %min3A_1440 = arith.constant 1.270000e+02 : f32
      %min3A_1441 = vector.broadcast %min3A_1440 : f32 to vector<16xf32>
      %min3A_1442 = arith.minimumf %max3A_1439, %min3A_1441 : vector<16xf32>
      %mul3A_1443 = vector.broadcast %squeeze3A_1391 : f32 to vector<16xf32>
      %mul3A_1444 = arith.mulf %min3A_1442, %mul3A_1443 : vector<16xf32>
      %add3A_1445 = arith.constant 6 : i32
      %add3A_1446 = arith.addi %mul3A_659, %add3A_1445 : i32
      %swap3A_1447 = arith.index_cast %add3A_1446 : i32 to index
      %swap3A_1448 = arith.constant 16 : index
      %swap3A_1449 = tpu.vector_load %arg10[%swap3A_1447, %swap3A_1448] {strides = array<i32>} : memref<512x64xf32, #tpu.memory_space<vmem>>, vector<1x16xf32>,
      %swap3A_1450 = vector.shape_cast %swap3A_1449 : vector<1x16xf32> to vector<16xf32>
      %swap3A_1451 = vector.shape_cast %mul3A_1444 : vector<16xf32> to vector<1x16xf32>
      tpu.vector_store %arg10[%swap3A_1447, %swap3A_1448], %swap3A_1451 {strides = array<i32>} : memref<512x64xf32, #tpu.memory_space<vmem>>, vector<1x16xf32>,
      %add3A_1452 = arith.constant 6 : i32
      %add3A_1453 = arith.addi %mul3A_659, %add3A_1452 : i32
      %add3A_1454 = arith.constant 32 : i32
      %add3A_1455 = arith.addi %squeeze3A_1393, %add3A_1454 : i32
      %get3A_1456 = arith.index_cast %add3A_1453 : i32 to index
      %get3A_1457 = arith.index_cast %add3A_1455 : i32 to index
      %get3A_1458 = tpu.vector_load %arg8[%get3A_1456, %get3A_1457] {strides = array<i32>} : memref<512x128xf32, #tpu.memory_space<vmem>>, vector<1x16xf32>,
      %get3A_1459 = vector.shape_cast %get3A_1458 : vector<1x16xf32> to vector<16xf32>
      %add3A_1460 = arith.constant 0x4B400000 : f32
      %add3A_1461 = vector.broadcast %add3A_1460 : f32 to vector<16xf32>
      %add3A_1462 = arith.addf %get3A_1459, %add3A_1461 : vector<16xf32>
      %sub3A_1463 = arith.constant 0x4B400000 : f32
      %sub3A_1464 = vector.broadcast %sub3A_1463 : f32 to vector<16xf32>
      %sub3A_1465 = arith.subf %add3A_1462, %sub3A_1464 : vector<16xf32>
      %max3A_1466 = arith.constant -1.280000e+02 : f32
      %max3A_1467 = vector.broadcast %max3A_1466 : f32 to vector<16xf32>
      %max3A_1468 = arith.maximumf %sub3A_1465, %max3A_1467 : vector<16xf32>
      %min3A_1469 = arith.constant 1.270000e+02 : f32
      %min3A_1470 = vector.broadcast %min3A_1469 : f32 to vector<16xf32>
      %min3A_1471 = arith.minimumf %max3A_1468, %min3A_1470 : vector<16xf32>
      %mul3A_1472 = vector.broadcast %squeeze3A_1391 : f32 to vector<16xf32>
      %mul3A_1473 = arith.mulf %min3A_1471, %mul3A_1472 : vector<16xf32>
      %add3A_1474 = arith.constant 6 : i32
      %add3A_1475 = arith.addi %mul3A_659, %add3A_1474 : i32
      %swap3A_1476 = arith.index_cast %add3A_1475 : i32 to index
      %swap3A_1477 = arith.constant 32 : index
      %swap3A_1478 = tpu.vector_load %arg10[%swap3A_1476, %swap3A_1477] {strides = array<i32>} : memref<512x64xf32, #tpu.memory_space<vmem>>, vector<1x16xf32>,
      %swap3A_1479 = vector.shape_cast %swap3A_1478 : vector<1x16xf32> to vector<16xf32>
      %swap3A_1480 = vector.shape_cast %mul3A_1473 : vector<16xf32> to vector<1x16xf32>
      tpu.vector_store %arg10[%swap3A_1476, %swap3A_1477], %swap3A_1480 {strides = array<i32>} : memref<512x64xf32, #tpu.memory_space<vmem>>, vector<1x16xf32>,
      %add3A_1481 = arith.constant 6 : i32
      %add3A_1482 = arith.addi %mul3A_659, %add3A_1481 : i32
      %add3A_1483 = arith.constant 48 : i32
      %add3A_1484 = arith.addi %squeeze3A_1393, %add3A_1483 : i32
      %get3A_1485 = arith.index_cast %add3A_1482 : i32 to index
      %get3A_1486 = arith.index_cast %add3A_1484 : i32 to index
      %get3A_1487 = tpu.vector_load %arg8[%get3A_1485, %get3A_1486] {strides = array<i32>} : memref<512x128xf32, #tpu.memory_space<vmem>>, vector<1x16xf32>,
      %get3A_1488 = vector.shape_cast %get3A_1487 : vector<1x16xf32> to vector<16xf32>
      %add3A_1489 = arith.constant 0x4B400000 : f32
      %add3A_1490 = vector.broadcast %add3A_1489 : f32 to vector<16xf32>
      %add3A_1491 = arith.addf %get3A_1488, %add3A_1490 : vector<16xf32>
      %sub3A_1492 = arith.constant 0x4B400000 : f32
      %sub3A_1493 = vector.broadcast %sub3A_1492 : f32 to vector<16xf32>
      %sub3A_1494 = arith.subf %add3A_1491, %sub3A_1493 : vector<16xf32>
      %max3A_1495 = arith.constant -1.280000e+02 : f32
      %max3A_1496 = vector.broadcast %max3A_1495 : f32 to vector<16xf32>
      %max3A_1497 = arith.maximumf %sub3A_1494, %max3A_1496 : vector<16xf32>
      %min3A_1498 = arith.constant 1.270000e+02 : f32
      %min3A_1499 = vector.broadcast %min3A_1498 : f32 to vector<16xf32>
      %min3A_1500 = arith.minimumf %max3A_1497, %min3A_1499 : vector<16xf32>
      %mul3A_1501 = vector.broadcast %squeeze3A_1391 : f32 to vector<16xf32>
      %mul3A_1502 = arith.mulf %min3A_1500, %mul3A_1501 : vector<16xf32>
      %add3A_1503 = arith.constant 6 : i32
      %add3A_1504 = arith.addi %mul3A_659, %add3A_1503 : i32
      %swap3A_1505 = arith.index_cast %add3A_1504 : i32 to index
      %swap3A_1506 = arith.constant 48 : index
      %swap3A_1507 = tpu.vector_load %arg10[%swap3A_1505, %swap3A_1506] {strides = array<i32>} : memref<512x64xf32, #tpu.memory_space<vmem>>, vector<1x16xf32>,
      %swap3A_1508 = vector.shape_cast %swap3A_1507 : vector<1x16xf32> to vector<16xf32>
      %swap3A_1509 = vector.shape_cast %mul3A_1502 : vector<16xf32> to vector<1x16xf32>
      tpu.vector_store %arg10[%swap3A_1505, %swap3A_1506], %swap3A_1509 {strides = array<i32>} : memref<512x64xf32, #tpu.memory_space<vmem>>, vector<1x16xf32>,
      %slice3A_1510 = vector.extract_strided_slice %get3A_662 {offsets = [7], sizes = [1], strides = [1]} : vector<16xf32> to vector<1xf32>
      %squeeze3A_1511 = vector.extract %slice3A_1510[0] : f32 from vector<1xf32>
      %slice3A_1512 = vector.extract_strided_slice %shift_left3A_674 {offsets = [7], sizes = [1], strides = [1]} : vector<16xi32> to vector<1xi32>
      %squeeze3A_1513 = vector.extract %slice3A_1512[0] : i32 from vector<1xi32>
      %add3A_1514 = arith.constant 7 : i32
      %add3A_1515 = arith.addi %mul3A_659, %add3A_1514 : i32
      %add3A_1516 = arith.constant 0 : i32
      %add3A_1517 = arith.addi %squeeze3A_1513, %add3A_1516 : i32
      %get3A_1518 = arith.index_cast %add3A_1515 : i32 to index
      %get3A_1519 = arith.index_cast %add3A_1517 : i32 to index
      %get3A_1520 = tpu.vector_load %arg8[%get3A_1518, %get3A_1519] {strides = array<i32>} : memref<512x128xf32, #tpu.memory_space<vmem>>, vector<1x16xf32>,
      %get3A_1521 = vector.shape_cast %get3A_1520 : vector<1x16xf32> to vector<16xf32>
      %add3A_1522 = arith.constant 0x4B400000 : f32
      %add3A_1523 = vector.broadcast %add3A_1522 : f32 to vector<16xf32>
      %add3A_1524 = arith.addf %get3A_1521, %add3A_1523 : vector<16xf32>
      %sub3A_1525 = arith.constant 0x4B400000 : f32
      %sub3A_1526 = vector.broadcast %sub3A_1525 : f32 to vector<16xf32>
      %sub3A_1527 = arith.subf %add3A_1524, %sub3A_1526 : vector<16xf32>
      %max3A_1528 = arith.constant -1.280000e+02 : f32
      %max3A_1529 = vector.broadcast %max3A_1528 : f32 to vector<16xf32>
      %max3A_1530 = arith.maximumf %sub3A_1527, %max3A_1529 : vector<16xf32>
      %min3A_1531 = arith.constant 1.270000e+02 : f32
      %min3A_1532 = vector.broadcast %min3A_1531 : f32 to vector<16xf32>
      %min3A_1533 = arith.minimumf %max3A_1530, %min3A_1532 : vector<16xf32>
      %mul3A_1534 = vector.broadcast %squeeze3A_1511 : f32 to vector<16xf32>
      %mul3A_1535 = arith.mulf %min3A_1533, %mul3A_1534 : vector<16xf32>
      %add3A_1536 = arith.constant 7 : i32
      %add3A_1537 = arith.addi %mul3A_659, %add3A_1536 : i32
      %swap3A_1538 = arith.index_cast %add3A_1537 : i32 to index
      %swap3A_1539 = arith.constant 0 : index
      %swap3A_1540 = tpu.vector_load %arg10[%swap3A_1538, %swap3A_1539] {strides = array<i32>} : memref<512x64xf32, #tpu.memory_space<vmem>>, vector<1x16xf32>,
      %swap3A_1541 = vector.shape_cast %swap3A_1540 : vector<1x16xf32> to vector<16xf32>
      %swap3A_1542 = vector.shape_cast %mul3A_1535 : vector<16xf32> to vector<1x16xf32>
      tpu.vector_store %arg10[%swap3A_1538, %swap3A_1539], %swap3A_1542 {strides = array<i32>} : memref<512x64xf32, #tpu.memory_space<vmem>>, vector<1x16xf32>,
      %add3A_1543 = arith.constant 7 : i32
      %add3A_1544 = arith.addi %mul3A_659, %add3A_1543 : i32
      %add3A_1545 = arith.constant 16 : i32
      %add3A_1546 = arith.addi %squeeze3A_1513, %add3A_1545 : i32
      %get3A_1547 = arith.index_cast %add3A_1544 : i32 to index
      %get3A_1548 = arith.index_cast %add3A_1546 : i32 to index
      %get3A_1549 = tpu.vector_load %arg8[%get3A_1547, %get3A_1548] {strides = array<i32>} : memref<512x128xf32, #tpu.memory_space<vmem>>, vector<1x16xf32>,
      %get3A_1550 = vector.shape_cast %get3A_1549 : vector<1x16xf32> to vector<16xf32>
      %add3A_1551 = arith.constant 0x4B400000 : f32
      %add3A_1552 = vector.broadcast %add3A_1551 : f32 to vector<16xf32>
      %add3A_1553 = arith.addf %get3A_1550, %add3A_1552 : vector<16xf32>
      %sub3A_1554 = arith.constant 0x4B400000 : f32
      %sub3A_1555 = vector.broadcast %sub3A_1554 : f32 to vector<16xf32>
      %sub3A_1556 = arith.subf %add3A_1553, %sub3A_1555 : vector<16xf32>
      %max3A_1557 = arith.constant -1.280000e+02 : f32
      %max3A_1558 = vector.broadcast %max3A_1557 : f32 to vector<16xf32>
      %max3A_1559 = arith.maximumf %sub3A_1556, %max3A_1558 : vector<16xf32>
      %min3A_1560 = arith.constant 1.270000e+02 : f32
      %min3A_1561 = vector.broadcast %min3A_1560 : f32 to vector<16xf32>
      %min3A_1562 = arith.minimumf %max3A_1559, %min3A_1561 : vector<16xf32>
      %mul3A_1563 = vector.broadcast %squeeze3A_1511 : f32 to vector<16xf32>
      %mul3A_1564 = arith.mulf %min3A_1562, %mul3A_1563 : vector<16xf32>
      %add3A_1565 = arith.constant 7 : i32
      %add3A_1566 = arith.addi %mul3A_659, %add3A_1565 : i32
      %swap3A_1567 = arith.index_cast %add3A_1566 : i32 to index
      %swap3A_1568 = arith.constant 16 : index
      %swap3A_1569 = tpu.vector_load %arg10[%swap3A_1567, %swap3A_1568] {strides = array<i32>} : memref<512x64xf32, #tpu.memory_space<vmem>>, vector<1x16xf32>,
      %swap3A_1570 = vector.shape_cast %swap3A_1569 : vector<1x16xf32> to vector<16xf32>
      %swap3A_1571 = vector.shape_cast %mul3A_1564 : vector<16xf32> to vector<1x16xf32>
      tpu.vector_store %arg10[%swap3A_1567, %swap3A_1568], %swap3A_1571 {strides = array<i32>} : memref<512x64xf32, #tpu.memory_space<vmem>>, vector<1x16xf32>,
      %add3A_1572 = arith.constant 7 : i32
      %add3A_1573 = arith.addi %mul3A_659, %add3A_1572 : i32
      %add3A_1574 = arith.constant 32 : i32
      %add3A_1575 = arith.addi %squeeze3A_1513, %add3A_1574 : i32
      %get3A_1576 = arith.index_cast %add3A_1573 : i32 to index
      %get3A_1577 = arith.index_cast %add3A_1575 : i32 to index
      %get3A_1578 = tpu.vector_load %arg8[%get3A_1576, %get3A_1577] {strides = array<i32>} : memref<512x128xf32, #tpu.memory_space<vmem>>, vector<1x16xf32>,
      %get3A_1579 = vector.shape_cast %get3A_1578 : vector<1x16xf32> to vector<16xf32>
      %add3A_1580 = arith.constant 0x4B400000 : f32
      %add3A_1581 = vector.broadcast %add3A_1580 : f32 to vector<16xf32>
      %add3A_1582 = arith.addf %get3A_1579, %add3A_1581 : vector<16xf32>
      %sub3A_1583 = arith.constant 0x4B400000 : f32
      %sub3A_1584 = vector.broadcast %sub3A_1583 : f32 to vector<16xf32>
      %sub3A_1585 = arith.subf %add3A_1582, %sub3A_1584 : vector<16xf32>
      %max3A_1586 = arith.constant -1.280000e+02 : f32
      %max3A_1587 = vector.broadcast %max3A_1586 : f32 to vector<16xf32>
      %max3A_1588 = arith.maximumf %sub3A_1585, %max3A_1587 : vector<16xf32>
      %min3A_1589 = arith.constant 1.270000e+02 : f32
      %min3A_1590 = vector.broadcast %min3A_1589 : f32 to vector<16xf32>
      %min3A_1591 = arith.minimumf %max3A_1588, %min3A_1590 : vector<16xf32>
      %mul3A_1592 = vector.broadcast %squeeze3A_1511 : f32 to vector<16xf32>
      %mul3A_1593 = arith.mulf %min3A_1591, %mul3A_1592 : vector<16xf32>
      %add3A_1594 = arith.constant 7 : i32
      %add3A_1595 = arith.addi %mul3A_659, %add3A_1594 : i32
      %swap3A_1596 = arith.index_cast %add3A_1595 : i32 to index
      %swap3A_1597 = arith.constant 32 : index
      %swap3A_1598 = tpu.vector_load %arg10[%swap3A_1596, %swap3A_1597] {strides = array<i32>} : memref<512x64xf32, #tpu.memory_space<vmem>>, vector<1x16xf32>,
      %swap3A_1599 = vector.shape_cast %swap3A_1598 : vector<1x16xf32> to vector<16xf32>
      %swap3A_1600 = vector.shape_cast %mul3A_1593 : vector<16xf32> to vector<1x16xf32>
      tpu.vector_store %arg10[%swap3A_1596, %swap3A_1597], %swap3A_1600 {strides = array<i32>} : memref<512x64xf32, #tpu.memory_space<vmem>>, vector<1x16xf32>,
      %add3A_1601 = arith.constant 7 : i32
      %add3A_1602 = arith.addi %mul3A_659, %add3A_1601 : i32
      %add3A_1603 = arith.constant 48 : i32
      %add3A_1604 = arith.addi %squeeze3A_1513, %add3A_1603 : i32
      %get3A_1605 = arith.index_cast %add3A_1602 : i32 to index
      %get3A_1606 = arith.index_cast %add3A_1604 : i32 to index
      %get3A_1607 = tpu.vector_load %arg8[%get3A_1605, %get3A_1606] {strides = array<i32>} : memref<512x128xf32, #tpu.memory_space<vmem>>, vector<1x16xf32>,
      %get3A_1608 = vector.shape_cast %get3A_1607 : vector<1x16xf32> to vector<16xf32>
      %add3A_1609 = arith.constant 0x4B400000 : f32
      %add3A_1610 = vector.broadcast %add3A_1609 : f32 to vector<16xf32>
      %add3A_1611 = arith.addf %get3A_1608, %add3A_1610 : vector<16xf32>
      %sub3A_1612 = arith.constant 0x4B400000 : f32
      %sub3A_1613 = vector.broadcast %sub3A_1612 : f32 to vector<16xf32>
      %sub3A_1614 = arith.subf %add3A_1611, %sub3A_1613 : vector<16xf32>
      %max3A_1615 = arith.constant -1.280000e+02 : f32
      %max3A_1616 = vector.broadcast %max3A_1615 : f32 to vector<16xf32>
      %max3A_1617 = arith.maximumf %sub3A_1614, %max3A_1616 : vector<16xf32>
      %min3A_1618 = arith.constant 1.270000e+02 : f32
      %min3A_1619 = vector.broadcast %min3A_1618 : f32 to vector<16xf32>
      %min3A_1620 = arith.minimumf %max3A_1617, %min3A_1619 : vector<16xf32>
      %mul3A_1621 = vector.broadcast %squeeze3A_1511 : f32 to vector<16xf32>
      %mul3A_1622 = arith.mulf %min3A_1620, %mul3A_1621 : vector<16xf32>
      %add3A_1623 = arith.constant 7 : i32
      %add3A_1624 = arith.addi %mul3A_659, %add3A_1623 : i32
      %swap3A_1625 = arith.index_cast %add3A_1624 : i32 to index
      %swap3A_1626 = arith.constant 48 : index
      %swap3A_1627 = tpu.vector_load %arg10[%swap3A_1625, %swap3A_1626] {strides = array<i32>} : memref<512x64xf32, #tpu.memory_space<vmem>>, vector<1x16xf32>,
      %swap3A_1628 = vector.shape_cast %swap3A_1627 : vector<1x16xf32> to vector<16xf32>
      %swap3A_1629 = vector.shape_cast %mul3A_1622 : vector<16xf32> to vector<1x16xf32>
      tpu.vector_store %arg10[%swap3A_1625, %swap3A_1626], %swap3A_1629 {strides = array<i32>} : memref<512x64xf32, #tpu.memory_space<vmem>>, vector<1x16xf32>,
      %slice3A_1630 = vector.extract_strided_slice %get3A_662 {offsets = [8], sizes = [1], strides = [1]} : vector<16xf32> to vector<1xf32>
      %squeeze3A_1631 = vector.extract %slice3A_1630[0] : f32 from vector<1xf32>
      %slice3A_1632 = vector.extract_strided_slice %shift_left3A_674 {offsets = [8], sizes = [1], strides = [1]} : vector<16xi32> to vector<1xi32>
      %squeeze3A_1633 = vector.extract %slice3A_1632[0] : i32 from vector<1xi32>
      %add3A_1634 = arith.constant 8 : i32
      %add3A_1635 = arith.addi %mul3A_659, %add3A_1634 : i32
      %add3A_1636 = arith.constant 0 : i32
      %add3A_1637 = arith.addi %squeeze3A_1633, %add3A_1636 : i32
      %get3A_1638 = arith.index_cast %add3A_1635 : i32 to index
      %get3A_1639 = arith.index_cast %add3A_1637 : i32 to index
      %get3A_1640 = tpu.vector_load %arg8[%get3A_1638, %get3A_1639] {strides = array<i32>} : memref<512x128xf32, #tpu.memory_space<vmem>>, vector<1x16xf32>,
      %get3A_1641 = vector.shape_cast %get3A_1640 : vector<1x16xf32> to vector<16xf32>
      %add3A_1642 = arith.constant 0x4B400000 : f32
      %add3A_1643 = vector.broadcast %add3A_1642 : f32 to vector<16xf32>
      %add3A_1644 = arith.addf %get3A_1641, %add3A_1643 : vector<16xf32>
      %sub3A_1645 = arith.constant 0x4B400000 : f32
      %sub3A_1646 = vector.broadcast %sub3A_1645 : f32 to vector<16xf32>
      %sub3A_1647 = arith.subf %add3A_1644, %sub3A_1646 : vector<16xf32>
      %max3A_1648 = arith.constant -1.280000e+02 : f32
      %max3A_1649 = vector.broadcast %max3A_1648 : f32 to vector<16xf32>
      %max3A_1650 = arith.maximumf %sub3A_1647, %max3A_1649 : vector<16xf32>
      %min3A_1651 = arith.constant 1.270000e+02 : f32
      %min3A_1652 = vector.broadcast %min3A_1651 : f32 to vector<16xf32>
      %min3A_1653 = arith.minimumf %max3A_1650, %min3A_1652 : vector<16xf32>
      %mul3A_1654 = vector.broadcast %squeeze3A_1631 : f32 to vector<16xf32>
      %mul3A_1655 = arith.mulf %min3A_1653, %mul3A_1654 : vector<16xf32>
      %add3A_1656 = arith.constant 8 : i32
      %add3A_1657 = arith.addi %mul3A_659, %add3A_1656 : i32
      %swap3A_1658 = arith.index_cast %add3A_1657 : i32 to index
      %swap3A_1659 = arith.constant 0 : index
      %swap3A_1660 = tpu.vector_load %arg10[%swap3A_1658, %swap3A_1659] {strides = array<i32>} : memref<512x64xf32, #tpu.memory_space<vmem>>, vector<1x16xf32>,
      %swap3A_1661 = vector.shape_cast %swap3A_1660 : vector<1x16xf32> to vector<16xf32>
      %swap3A_1662 = vector.shape_cast %mul3A_1655 : vector<16xf32> to vector<1x16xf32>
      tpu.vector_store %arg10[%swap3A_1658, %swap3A_1659], %swap3A_1662 {strides = array<i32>} : memref<512x64xf32, #tpu.memory_space<vmem>>, vector<1x16xf32>,
      %add3A_1663 = arith.constant 8 : i32
      %add3A_1664 = arith.addi %mul3A_659, %add3A_1663 : i32
      %add3A_1665 = arith.constant 16 : i32
      %add3A_1666 = arith.addi %squeeze3A_1633, %add3A_1665 : i32
      %get3A_1667 = arith.index_cast %add3A_1664 : i32 to index
      %get3A_1668 = arith.index_cast %add3A_1666 : i32 to index
      %get3A_1669 = tpu.vector_load %arg8[%get3A_1667, %get3A_1668] {strides = array<i32>} : memref<512x128xf32, #tpu.memory_space<vmem>>, vector<1x16xf32>,
      %get3A_1670 = vector.shape_cast %get3A_1669 : vector<1x16xf32> to vector<16xf32>
      %add3A_1671 = arith.constant 0x4B400000 : f32
      %add3A_1672 = vector.broadcast %add3A_1671 : f32 to vector<16xf32>
      %add3A_1673 = arith.addf %get3A_1670, %add3A_1672 : vector<16xf32>
      %sub3A_1674 = arith.constant 0x4B400000 : f32
      %sub3A_1675 = vector.broadcast %sub3A_1674 : f32 to vector<16xf32>
      %sub3A_1676 = arith.subf %add3A_1673, %sub3A_1675 : vector<16xf32>
      %max3A_1677 = arith.constant -1.280000e+02 : f32
      %max3A_1678 = vector.broadcast %max3A_1677 : f32 to vector<16xf32>
      %max3A_1679 = arith.maximumf %sub3A_1676, %max3A_1678 : vector<16xf32>
      %min3A_1680 = arith.constant 1.270000e+02 : f32
      %min3A_1681 = vector.broadcast %min3A_1680 : f32 to vector<16xf32>
      %min3A_1682 = arith.minimumf %max3A_1679, %min3A_1681 : vector<16xf32>
      %mul3A_1683 = vector.broadcast %squeeze3A_1631 : f32 to vector<16xf32>
      %mul3A_1684 = arith.mulf %min3A_1682, %mul3A_1683 : vector<16xf32>
      %add3A_1685 = arith.constant 8 : i32
      %add3A_1686 = arith.addi %mul3A_659, %add3A_1685 : i32
      %swap3A_1687 = arith.index_cast %add3A_1686 : i32 to index
      %swap3A_1688 = arith.constant 16 : index
      %swap3A_1689 = tpu.vector_load %arg10[%swap3A_1687, %swap3A_1688] {strides = array<i32>} : memref<512x64xf32, #tpu.memory_space<vmem>>, vector<1x16xf32>,
      %swap3A_1690 = vector.shape_cast %swap3A_1689 : vector<1x16xf32> to vector<16xf32>
      %swap3A_1691 = vector.shape_cast %mul3A_1684 : vector<16xf32> to vector<1x16xf32>
      tpu.vector_store %arg10[%swap3A_1687, %swap3A_1688], %swap3A_1691 {strides = array<i32>} : memref<512x64xf32, #tpu.memory_space<vmem>>, vector<1x16xf32>,
      %add3A_1692 = arith.constant 8 : i32
      %add3A_1693 = arith.addi %mul3A_659, %add3A_1692 : i32
      %add3A_1694 = arith.constant 32 : i32
      %add3A_1695 = arith.addi %squeeze3A_1633, %add3A_1694 : i32
      %get3A_1696 = arith.index_cast %add3A_1693 : i32 to index
      %get3A_1697 = arith.index_cast %add3A_1695 : i32 to index
      %get3A_1698 = tpu.vector_load %arg8[%get3A_1696, %get3A_1697] {strides = array<i32>} : memref<512x128xf32, #tpu.memory_space<vmem>>, vector<1x16xf32>,
      %get3A_1699 = vector.shape_cast %get3A_1698 : vector<1x16xf32> to vector<16xf32>
      %add3A_1700 = arith.constant 0x4B400000 : f32
      %add3A_1701 = vector.broadcast %add3A_1700 : f32 to vector<16xf32>
      %add3A_1702 = arith.addf %get3A_1699, %add3A_1701 : vector<16xf32>
      %sub3A_1703 = arith.constant 0x4B400000 : f32
      %sub3A_1704 = vector.broadcast %sub3A_1703 : f32 to vector<16xf32>
      %sub3A_1705 = arith.subf %add3A_1702, %sub3A_1704 : vector<16xf32>
      %max3A_1706 = arith.constant -1.280000e+02 : f32
      %max3A_1707 = vector.broadcast %max3A_1706 : f32 to vector<16xf32>
      %max3A_1708 = arith.maximumf %sub3A_1705, %max3A_1707 : vector<16xf32>
      %min3A_1709 = arith.constant 1.270000e+02 : f32
      %min3A_1710 = vector.broadcast %min3A_1709 : f32 to vector<16xf32>
      %min3A_1711 = arith.minimumf %max3A_1708, %min3A_1710 : vector<16xf32>
      %mul3A_1712 = vector.broadcast %squeeze3A_1631 : f32 to vector<16xf32>
      %mul3A_1713 = arith.mulf %min3A_1711, %mul3A_1712 : vector<16xf32>
      %add3A_1714 = arith.constant 8 : i32
      %add3A_1715 = arith.addi %mul3A_659, %add3A_1714 : i32
      %swap3A_1716 = arith.index_cast %add3A_1715 : i32 to index
      %swap3A_1717 = arith.constant 32 : index
      %swap3A_1718 = tpu.vector_load %arg10[%swap3A_1716, %swap3A_1717] {strides = array<i32>} : memref<512x64xf32, #tpu.memory_space<vmem>>, vector<1x16xf32>,
      %swap3A_1719 = vector.shape_cast %swap3A_1718 : vector<1x16xf32> to vector<16xf32>
      %swap3A_1720 = vector.shape_cast %mul3A_1713 : vector<16xf32> to vector<1x16xf32>
      tpu.vector_store %arg10[%swap3A_1716, %swap3A_1717], %swap3A_1720 {strides = array<i32>} : memref<512x64xf32, #tpu.memory_space<vmem>>, vector<1x16xf32>,
      %add3A_1721 = arith.constant 8 : i32
      %add3A_1722 = arith.addi %mul3A_659, %add3A_1721 : i32
      %add3A_1723 = arith.constant 48 : i32
      %add3A_1724 = arith.addi %squeeze3A_1633, %add3A_1723 : i32
      %get3A_1725 = arith.index_cast %add3A_1722 : i32 to index
      %get3A_1726 = arith.index_cast %add3A_1724 : i32 to index
      %get3A_1727 = tpu.vector_load %arg8[%get3A_1725, %get3A_1726] {strides = array<i32>} : memref<512x128xf32, #tpu.memory_space<vmem>>, vector<1x16xf32>,
      %get3A_1728 = vector.shape_cast %get3A_1727 : vector<1x16xf32> to vector<16xf32>
      %add3A_1729 = arith.constant 0x4B400000 : f32
      %add3A_1730 = vector.broadcast %add3A_1729 : f32 to vector<16xf32>
      %add3A_1731 = arith.addf %get3A_1728, %add3A_1730 : vector<16xf32>
      %sub3A_1732 = arith.constant 0x4B400000 : f32
      %sub3A_1733 = vector.broadcast %sub3A_1732 : f32 to vector<16xf32>
      %sub3A_1734 = arith.subf %add3A_1731, %sub3A_1733 : vector<16xf32>
      %max3A_1735 = arith.constant -1.280000e+02 : f32
      %max3A_1736 = vector.broadcast %max3A_1735 : f32 to vector<16xf32>
      %max3A_1737 = arith.maximumf %sub3A_1734, %max3A_1736 : vector<16xf32>
      %min3A_1738 = arith.constant 1.270000e+02 : f32
      %min3A_1739 = vector.broadcast %min3A_1738 : f32 to vector<16xf32>
      %min3A_1740 = arith.minimumf %max3A_1737, %min3A_1739 : vector<16xf32>
      %mul3A_1741 = vector.broadcast %squeeze3A_1631 : f32 to vector<16xf32>
      %mul3A_1742 = arith.mulf %min3A_1740, %mul3A_1741 : vector<16xf32>
      %add3A_1743 = arith.constant 8 : i32
      %add3A_1744 = arith.addi %mul3A_659, %add3A_1743 : i32
      %swap3A_1745 = arith.index_cast %add3A_1744 : i32 to index
      %swap3A_1746 = arith.constant 48 : index
      %swap3A_1747 = tpu.vector_load %arg10[%swap3A_1745, %swap3A_1746] {strides = array<i32>} : memref<512x64xf32, #tpu.memory_space<vmem>>, vector<1x16xf32>,
      %swap3A_1748 = vector.shape_cast %swap3A_1747 : vector<1x16xf32> to vector<16xf32>
      %swap3A_1749 = vector.shape_cast %mul3A_1742 : vector<16xf32> to vector<1x16xf32>
      tpu.vector_store %arg10[%swap3A_1745, %swap3A_1746], %swap3A_1749 {strides = array<i32>} : memref<512x64xf32, #tpu.memory_space<vmem>>, vector<1x16xf32>,
      %slice3A_1750 = vector.extract_strided_slice %get3A_662 {offsets = [9], sizes = [1], strides = [1]} : vector<16xf32> to vector<1xf32>
      %squeeze3A_1751 = vector.extract %slice3A_1750[0] : f32 from vector<1xf32>
      %slice3A_1752 = vector.extract_strided_slice %shift_left3A_674 {offsets = [9], sizes = [1], strides = [1]} : vector<16xi32> to vector<1xi32>
      %squeeze3A_1753 = vector.extract %slice3A_1752[0] : i32 from vector<1xi32>
      %add3A_1754 = arith.constant 9 : i32
      %add3A_1755 = arith.addi %mul3A_659, %add3A_1754 : i32
      %add3A_1756 = arith.constant 0 : i32
      %add3A_1757 = arith.addi %squeeze3A_1753, %add3A_1756 : i32
      %get3A_1758 = arith.index_cast %add3A_1755 : i32 to index
      %get3A_1759 = arith.index_cast %add3A_1757 : i32 to index
      %get3A_1760 = tpu.vector_load %arg8[%get3A_1758, %get3A_1759] {strides = array<i32>} : memref<512x128xf32, #tpu.memory_space<vmem>>, vector<1x16xf32>,
      %get3A_1761 = vector.shape_cast %get3A_1760 : vector<1x16xf32> to vector<16xf32>
      %add3A_1762 = arith.constant 0x4B400000 : f32
      %add3A_1763 = vector.broadcast %add3A_1762 : f32 to vector<16xf32>
      %add3A_1764 = arith.addf %get3A_1761, %add3A_1763 : vector<16xf32>
      %sub3A_1765 = arith.constant 0x4B400000 : f32
      %sub3A_1766 = vector.broadcast %sub3A_1765 : f32 to vector<16xf32>
      %sub3A_1767 = arith.subf %add3A_1764, %sub3A_1766 : vector<16xf32>
      %max3A_1768 = arith.constant -1.280000e+02 : f32
      %max3A_1769 = vector.broadcast %max3A_1768 : f32 to vector<16xf32>
      %max3A_1770 = arith.maximumf %sub3A_1767, %max3A_1769 : vector<16xf32>
      %min3A_1771 = arith.constant 1.270000e+02 : f32
      %min3A_1772 = vector.broadcast %min3A_1771 : f32 to vector<16xf32>
      %min3A_1773 = arith.minimumf %max3A_1770, %min3A_1772 : vector<16xf32>
      %mul3A_1774 = vector.broadcast %squeeze3A_1751 : f32 to vector<16xf32>
      %mul3A_1775 = arith.mulf %min3A_1773, %mul3A_1774 : vector<16xf32>
      %add3A_1776 = arith.constant 9 : i32
      %add3A_1777 = arith.addi %mul3A_659, %add3A_1776 : i32
      %swap3A_1778 = arith.index_cast %add3A_1777 : i32 to index
      %swap3A_1779 = arith.constant 0 : index
      %swap3A_1780 = tpu.vector_load %arg10[%swap3A_1778, %swap3A_1779] {strides = array<i32>} : memref<512x64xf32, #tpu.memory_space<vmem>>, vector<1x16xf32>,
      %swap3A_1781 = vector.shape_cast %swap3A_1780 : vector<1x16xf32> to vector<16xf32>
      %swap3A_1782 = vector.shape_cast %mul3A_1775 : vector<16xf32> to vector<1x16xf32>
      tpu.vector_store %arg10[%swap3A_1778, %swap3A_1779], %swap3A_1782 {strides = array<i32>} : memref<512x64xf32, #tpu.memory_space<vmem>>, vector<1x16xf32>,
      %add3A_1783 = arith.constant 9 : i32
      %add3A_1784 = arith.addi %mul3A_659, %add3A_1783 : i32
      %add3A_1785 = arith.constant 16 : i32
      %add3A_1786 = arith.addi %squeeze3A_1753, %add3A_1785 : i32
      %get3A_1787 = arith.index_cast %add3A_1784 : i32 to index
      %get3A_1788 = arith.index_cast %add3A_1786 : i32 to index
      %get3A_1789 = tpu.vector_load %arg8[%get3A_1787, %get3A_1788] {strides = array<i32>} : memref<512x128xf32, #tpu.memory_space<vmem>>, vector<1x16xf32>,
      %get3A_1790 = vector.shape_cast %get3A_1789 : vector<1x16xf32> to vector<16xf32>
      %add3A_1791 = arith.constant 0x4B400000 : f32
      %add3A_1792 = vector.broadcast %add3A_1791 : f32 to vector<16xf32>
      %add3A_1793 = arith.addf %get3A_1790, %add3A_1792 : vector<16xf32>
      %sub3A_1794 = arith.constant 0x4B400000 : f32
      %sub3A_1795 = vector.broadcast %sub3A_1794 : f32 to vector<16xf32>
      %sub3A_1796 = arith.subf %add3A_1793, %sub3A_1795 : vector<16xf32>
      %max3A_1797 = arith.constant -1.280000e+02 : f32
      %max3A_1798 = vector.broadcast %max3A_1797 : f32 to vector<16xf32>
      %max3A_1799 = arith.maximumf %sub3A_1796, %max3A_1798 : vector<16xf32>
      %min3A_1800 = arith.constant 1.270000e+02 : f32
      %min3A_1801 = vector.broadcast %min3A_1800 : f32 to vector<16xf32>
      %min3A_1802 = arith.minimumf %max3A_1799, %min3A_1801 : vector<16xf32>
      %mul3A_1803 = vector.broadcast %squeeze3A_1751 : f32 to vector<16xf32>
      %mul3A_1804 = arith.mulf %min3A_1802, %mul3A_1803 : vector<16xf32>
      %add3A_1805 = arith.constant 9 : i32
      %add3A_1806 = arith.addi %mul3A_659, %add3A_1805 : i32
      %swap3A_1807 = arith.index_cast %add3A_1806 : i32 to index
      %swap3A_1808 = arith.constant 16 : index
      %swap3A_1809 = tpu.vector_load %arg10[%swap3A_1807, %swap3A_1808] {strides = array<i32>} : memref<512x64xf32, #tpu.memory_space<vmem>>, vector<1x16xf32>,
      %swap3A_1810 = vector.shape_cast %swap3A_1809 : vector<1x16xf32> to vector<16xf32>
      %swap3A_1811 = vector.shape_cast %mul3A_1804 : vector<16xf32> to vector<1x16xf32>
      tpu.vector_store %arg10[%swap3A_1807, %swap3A_1808], %swap3A_1811 {strides = array<i32>} : memref<512x64xf32, #tpu.memory_space<vmem>>, vector<1x16xf32>,
      %add3A_1812 = arith.constant 9 : i32
      %add3A_1813 = arith.addi %mul3A_659, %add3A_1812 : i32
      %add3A_1814 = arith.constant 32 : i32
      %add3A_1815 = arith.addi %squeeze3A_1753, %add3A_1814 : i32
      %get3A_1816 = arith.index_cast %add3A_1813 : i32 to index
      %get3A_1817 = arith.index_cast %add3A_1815 : i32 to index
      %get3A_1818 = tpu.vector_load %arg8[%get3A_1816, %get3A_1817] {strides = array<i32>} : memref<512x128xf32, #tpu.memory_space<vmem>>, vector<1x16xf32>,
      %get3A_1819 = vector.shape_cast %get3A_1818 : vector<1x16xf32> to vector<16xf32>
      %add3A_1820 = arith.constant 0x4B400000 : f32
      %add3A_1821 = vector.broadcast %add3A_1820 : f32 to vector<16xf32>
      %add3A_1822 = arith.addf %get3A_1819, %add3A_1821 : vector<16xf32>
      %sub3A_1823 = arith.constant 0x4B400000 : f32
      %sub3A_1824 = vector.broadcast %sub3A_1823 : f32 to vector<16xf32>
      %sub3A_1825 = arith.subf %add3A_1822, %sub3A_1824 : vector<16xf32>
      %max3A_1826 = arith.constant -1.280000e+02 : f32
      %max3A_1827 = vector.broadcast %max3A_1826 : f32 to vector<16xf32>
      %max3A_1828 = arith.maximumf %sub3A_1825, %max3A_1827 : vector<16xf32>
      %min3A_1829 = arith.constant 1.270000e+02 : f32
      %min3A_1830 = vector.broadcast %min3A_1829 : f32 to vector<16xf32>
      %min3A_1831 = arith.minimumf %max3A_1828, %min3A_1830 : vector<16xf32>
      %mul3A_1832 = vector.broadcast %squeeze3A_1751 : f32 to vector<16xf32>
      %mul3A_1833 = arith.mulf %min3A_1831, %mul3A_1832 : vector<16xf32>
      %add3A_1834 = arith.constant 9 : i32
      %add3A_1835 = arith.addi %mul3A_659, %add3A_1834 : i32
      %swap3A_1836 = arith.index_cast %add3A_1835 : i32 to index
      %swap3A_1837 = arith.constant 32 : index
      %swap3A_1838 = tpu.vector_load %arg10[%swap3A_1836, %swap3A_1837] {strides = array<i32>} : memref<512x64xf32, #tpu.memory_space<vmem>>, vector<1x16xf32>,
      %swap3A_1839 = vector.shape_cast %swap3A_1838 : vector<1x16xf32> to vector<16xf32>
      %swap3A_1840 = vector.shape_cast %mul3A_1833 : vector<16xf32> to vector<1x16xf32>
      tpu.vector_store %arg10[%swap3A_1836, %swap3A_1837], %swap3A_1840 {strides = array<i32>} : memref<512x64xf32, #tpu.memory_space<vmem>>, vector<1x16xf32>,
      %add3A_1841 = arith.constant 9 : i32
      %add3A_1842 = arith.addi %mul3A_659, %add3A_1841 : i32
      %add3A_1843 = arith.constant 48 : i32
      %add3A_1844 = arith.addi %squeeze3A_1753, %add3A_1843 : i32
      %get3A_1845 = arith.index_cast %add3A_1842 : i32 to index
      %get3A_1846 = arith.index_cast %add3A_1844 : i32 to index
      %get3A_1847 = tpu.vector_load %arg8[%get3A_1845, %get3A_1846] {strides = array<i32>} : memref<512x128xf32, #tpu.memory_space<vmem>>, vector<1x16xf32>,
      %get3A_1848 = vector.shape_cast %get3A_1847 : vector<1x16xf32> to vector<16xf32>
      %add3A_1849 = arith.constant 0x4B400000 : f32
      %add3A_1850 = vector.broadcast %add3A_1849 : f32 to vector<16xf32>
      %add3A_1851 = arith.addf %get3A_1848, %add3A_1850 : vector<16xf32>
      %sub3A_1852 = arith.constant 0x4B400000 : f32
      %sub3A_1853 = vector.broadcast %sub3A_1852 : f32 to vector<16xf32>
      %sub3A_1854 = arith.subf %add3A_1851, %sub3A_1853 : vector<16xf32>
      %max3A_1855 = arith.constant -1.280000e+02 : f32
      %max3A_1856 = vector.broadcast %max3A_1855 : f32 to vector<16xf32>
      %max3A_1857 = arith.maximumf %sub3A_1854, %max3A_1856 : vector<16xf32>
      %min3A_1858 = arith.constant 1.270000e+02 : f32
      %min3A_1859 = vector.broadcast %min3A_1858 : f32 to vector<16xf32>
      %min3A_1860 = arith.minimumf %max3A_1857, %min3A_1859 : vector<16xf32>
      %mul3A_1861 = vector.broadcast %squeeze3A_1751 : f32 to vector<16xf32>
      %mul3A_1862 = arith.mulf %min3A_1860, %mul3A_1861 : vector<16xf32>
      %add3A_1863 = arith.constant 9 : i32
      %add3A_1864 = arith.addi %mul3A_659, %add3A_1863 : i32
      %swap3A_1865 = arith.index_cast %add3A_1864 : i32 to index
      %swap3A_1866 = arith.constant 48 : index
      %swap3A_1867 = tpu.vector_load %arg10[%swap3A_1865, %swap3A_1866] {strides = array<i32>} : memref<512x64xf32, #tpu.memory_space<vmem>>, vector<1x16xf32>,
      %swap3A_1868 = vector.shape_cast %swap3A_1867 : vector<1x16xf32> to vector<16xf32>
      %swap3A_1869 = vector.shape_cast %mul3A_1862 : vector<16xf32> to vector<1x16xf32>
      tpu.vector_store %arg10[%swap3A_1865, %swap3A_1866], %swap3A_1869 {strides = array<i32>} : memref<512x64xf32, #tpu.memory_space<vmem>>, vector<1x16xf32>,
      %slice3A_1870 = vector.extract_strided_slice %get3A_662 {offsets = [10], sizes = [1], strides = [1]} : vector<16xf32> to vector<1xf32>
      %squeeze3A_1871 = vector.extract %slice3A_1870[0] : f32 from vector<1xf32>
      %slice3A_1872 = vector.extract_strided_slice %shift_left3A_674 {offsets = [10], sizes = [1], strides = [1]} : vector<16xi32> to vector<1xi32>
      %squeeze3A_1873 = vector.extract %slice3A_1872[0] : i32 from vector<1xi32>
      %add3A_1874 = arith.constant 10 : i32
      %add3A_1875 = arith.addi %mul3A_659, %add3A_1874 : i32
      %add3A_1876 = arith.constant 0 : i32
      %add3A_1877 = arith.addi %squeeze3A_1873, %add3A_1876 : i32
      %get3A_1878 = arith.index_cast %add3A_1875 : i32 to index
      %get3A_1879 = arith.index_cast %add3A_1877 : i32 to index
      %get3A_1880 = tpu.vector_load %arg8[%get3A_1878, %get3A_1879] {strides = array<i32>} : memref<512x128xf32, #tpu.memory_space<vmem>>, vector<1x16xf32>,
      %get3A_1881 = vector.shape_cast %get3A_1880 : vector<1x16xf32> to vector<16xf32>
      %add3A_1882 = arith.constant 0x4B400000 : f32
      %add3A_1883 = vector.broadcast %add3A_1882 : f32 to vector<16xf32>
      %add3A_1884 = arith.addf %get3A_1881, %add3A_1883 : vector<16xf32>
      %sub3A_1885 = arith.constant 0x4B400000 : f32
      %sub3A_1886 = vector.broadcast %sub3A_1885 : f32 to vector<16xf32>
      %sub3A_1887 = arith.subf %add3A_1884, %sub3A_1886 : vector<16xf32>
      %max3A_1888 = arith.constant -1.280000e+02 : f32
      %max3A_1889 = vector.broadcast %max3A_1888 : f32 to vector<16xf32>
      %max3A_1890 = arith.maximumf %sub3A_1887, %max3A_1889 : vector<16xf32>
      %min3A_1891 = arith.constant 1.270000e+02 : f32
      %min3A_1892 = vector.broadcast %min3A_1891 : f32 to vector<16xf32>
      %min3A_1893 = arith.minimumf %max3A_1890, %min3A_1892 : vector<16xf32>
      %mul3A_1894 = vector.broadcast %squeeze3A_1871 : f32 to vector<16xf32>
      %mul3A_1895 = arith.mulf %min3A_1893, %mul3A_1894 : vector<16xf32>
      %add3A_1896 = arith.constant 10 : i32
      %add3A_1897 = arith.addi %mul3A_659, %add3A_1896 : i32
      %swap3A_1898 = arith.index_cast %add3A_1897 : i32 to index
      %swap3A_1899 = arith.constant 0 : index
      %swap3A_1900 = tpu.vector_load %arg10[%swap3A_1898, %swap3A_1899] {strides = array<i32>} : memref<512x64xf32, #tpu.memory_space<vmem>>, vector<1x16xf32>,
      %swap3A_1901 = vector.shape_cast %swap3A_1900 : vector<1x16xf32> to vector<16xf32>
      %swap3A_1902 = vector.shape_cast %mul3A_1895 : vector<16xf32> to vector<1x16xf32>
      tpu.vector_store %arg10[%swap3A_1898, %swap3A_1899], %swap3A_1902 {strides = array<i32>} : memref<512x64xf32, #tpu.memory_space<vmem>>, vector<1x16xf32>,
      %add3A_1903 = arith.constant 10 : i32
      %add3A_1904 = arith.addi %mul3A_659, %add3A_1903 : i32
      %add3A_1905 = arith.constant 16 : i32
      %add3A_1906 = arith.addi %squeeze3A_1873, %add3A_1905 : i32
      %get3A_1907 = arith.index_cast %add3A_1904 : i32 to index
      %get3A_1908 = arith.index_cast %add3A_1906 : i32 to index
      %get3A_1909 = tpu.vector_load %arg8[%get3A_1907, %get3A_1908] {strides = array<i32>} : memref<512x128xf32, #tpu.memory_space<vmem>>, vector<1x16xf32>,
      %get3A_1910 = vector.shape_cast %get3A_1909 : vector<1x16xf32> to vector<16xf32>
      %add3A_1911 = arith.constant 0x4B400000 : f32
      %add3A_1912 = vector.broadcast %add3A_1911 : f32 to vector<16xf32>
      %add3A_1913 = arith.addf %get3A_1910, %add3A_1912 : vector<16xf32>
      %sub3A_1914 = arith.constant 0x4B400000 : f32
      %sub3A_1915 = vector.broadcast %sub3A_1914 : f32 to vector<16xf32>
      %sub3A_1916 = arith.subf %add3A_1913, %sub3A_1915 : vector<16xf32>
      %max3A_1917 = arith.constant -1.280000e+02 : f32
      %max3A_1918 = vector.broadcast %max3A_1917 : f32 to vector<16xf32>
      %max3A_1919 = arith.maximumf %sub3A_1916, %max3A_1918 : vector<16xf32>
      %min3A_1920 = arith.constant 1.270000e+02 : f32
      %min3A_1921 = vector.broadcast %min3A_1920 : f32 to vector<16xf32>
      %min3A_1922 = arith.minimumf %max3A_1919, %min3A_1921 : vector<16xf32>
      %mul3A_1923 = vector.broadcast %squeeze3A_1871 : f32 to vector<16xf32>
      %mul3A_1924 = arith.mulf %min3A_1922, %mul3A_1923 : vector<16xf32>
      %add3A_1925 = arith.constant 10 : i32
      %add3A_1926 = arith.addi %mul3A_659, %add3A_1925 : i32
      %swap3A_1927 = arith.index_cast %add3A_1926 : i32 to index
      %swap3A_1928 = arith.constant 16 : index
      %swap3A_1929 = tpu.vector_load %arg10[%swap3A_1927, %swap3A_1928] {strides = array<i32>} : memref<512x64xf32, #tpu.memory_space<vmem>>, vector<1x16xf32>,
      %swap3A_1930 = vector.shape_cast %swap3A_1929 : vector<1x16xf32> to vector<16xf32>
      %swap3A_1931 = vector.shape_cast %mul3A_1924 : vector<16xf32> to vector<1x16xf32>
      tpu.vector_store %arg10[%swap3A_1927, %swap3A_1928], %swap3A_1931 {strides = array<i32>} : memref<512x64xf32, #tpu.memory_space<vmem>>, vector<1x16xf32>,
      %add3A_1932 = arith.constant 10 : i32
      %add3A_1933 = arith.addi %mul3A_659, %add3A_1932 : i32
      %add3A_1934 = arith.constant 32 : i32
      %add3A_1935 = arith.addi %squeeze3A_1873, %add3A_1934 : i32
      %get3A_1936 = arith.index_cast %add3A_1933 : i32 to index
      %get3A_1937 = arith.index_cast %add3A_1935 : i32 to index
      %get3A_1938 = tpu.vector_load %arg8[%get3A_1936, %get3A_1937] {strides = array<i32>} : memref<512x128xf32, #tpu.memory_space<vmem>>, vector<1x16xf32>,
      %get3A_1939 = vector.shape_cast %get3A_1938 : vector<1x16xf32> to vector<16xf32>
      %add3A_1940 = arith.constant 0x4B400000 : f32
      %add3A_1941 = vector.broadcast %add3A_1940 : f32 to vector<16xf32>
      %add3A_1942 = arith.addf %get3A_1939, %add3A_1941 : vector<16xf32>
      %sub3A_1943 = arith.constant 0x4B400000 : f32
      %sub3A_1944 = vector.broadcast %sub3A_1943 : f32 to vector<16xf32>
      %sub3A_1945 = arith.subf %add3A_1942, %sub3A_1944 : vector<16xf32>
      %max3A_1946 = arith.constant -1.280000e+02 : f32
      %max3A_1947 = vector.broadcast %max3A_1946 : f32 to vector<16xf32>
      %max3A_1948 = arith.maximumf %sub3A_1945, %max3A_1947 : vector<16xf32>
      %min3A_1949 = arith.constant 1.270000e+02 : f32
      %min3A_1950 = vector.broadcast %min3A_1949 : f32 to vector<16xf32>
      %min3A_1951 = arith.minimumf %max3A_1948, %min3A_1950 : vector<16xf32>
      %mul3A_1952 = vector.broadcast %squeeze3A_1871 : f32 to vector<16xf32>
      %mul3A_1953 = arith.mulf %min3A_1951, %mul3A_1952 : vector<16xf32>
      %add3A_1954 = arith.constant 10 : i32
      %add3A_1955 = arith.addi %mul3A_659, %add3A_1954 : i32
      %swap3A_1956 = arith.index_cast %add3A_1955 : i32 to index
      %swap3A_1957 = arith.constant 32 : index
      %swap3A_1958 = tpu.vector_load %arg10[%swap3A_1956, %swap3A_1957] {strides = array<i32>} : memref<512x64xf32, #tpu.memory_space<vmem>>, vector<1x16xf32>,
      %swap3A_1959 = vector.shape_cast %swap3A_1958 : vector<1x16xf32> to vector<16xf32>
      %swap3A_1960 = vector.shape_cast %mul3A_1953 : vector<16xf32> to vector<1x16xf32>
      tpu.vector_store %arg10[%swap3A_1956, %swap3A_1957], %swap3A_1960 {strides = array<i32>} : memref<512x64xf32, #tpu.memory_space<vmem>>, vector<1x16xf32>,
      %add3A_1961 = arith.constant 10 : i32
      %add3A_1962 = arith.addi %mul3A_659, %add3A_1961 : i32
      %add3A_1963 = arith.constant 48 : i32
      %add3A_1964 = arith.addi %squeeze3A_1873, %add3A_1963 : i32
      %get3A_1965 = arith.index_cast %add3A_1962 : i32 to index
      %get3A_1966 = arith.index_cast %add3A_1964 : i32 to index
      %get3A_1967 = tpu.vector_load %arg8[%get3A_1965, %get3A_1966] {strides = array<i32>} : memref<512x128xf32, #tpu.memory_space<vmem>>, vector<1x16xf32>,
      %get3A_1968 = vector.shape_cast %get3A_1967 : vector<1x16xf32> to vector<16xf32>
      %add3A_1969 = arith.constant 0x4B400000 : f32
      %add3A_1970 = vector.broadcast %add3A_1969 : f32 to vector<16xf32>
      %add3A_1971 = arith.addf %get3A_1968, %add3A_1970 : vector<16xf32>
      %sub3A_1972 = arith.constant 0x4B400000 : f32
      %sub3A_1973 = vector.broadcast %sub3A_1972 : f32 to vector<16xf32>
      %sub3A_1974 = arith.subf %add3A_1971, %sub3A_1973 : vector<16xf32>
      %max3A_1975 = arith.constant -1.280000e+02 : f32
      %max3A_1976 = vector.broadcast %max3A_1975 : f32 to vector<16xf32>
      %max3A_1977 = arith.maximumf %sub3A_1974, %max3A_1976 : vector<16xf32>
      %min3A_1978 = arith.constant 1.270000e+02 : f32
      %min3A_1979 = vector.broadcast %min3A_1978 : f32 to vector<16xf32>
      %min3A_1980 = arith.minimumf %max3A_1977, %min3A_1979 : vector<16xf32>
      %mul3A_1981 = vector.broadcast %squeeze3A_1871 : f32 to vector<16xf32>
      %mul3A_1982 = arith.mulf %min3A_1980, %mul3A_1981 : vector<16xf32>
      %add3A_1983 = arith.constant 10 : i32
      %add3A_1984 = arith.addi %mul3A_659, %add3A_1983 : i32
      %swap3A_1985 = arith.index_cast %add3A_1984 : i32 to index
      %swap3A_1986 = arith.constant 48 : index
      %swap3A_1987 = tpu.vector_load %arg10[%swap3A_1985, %swap3A_1986] {strides = array<i32>} : memref<512x64xf32, #tpu.memory_space<vmem>>, vector<1x16xf32>,
      %swap3A_1988 = vector.shape_cast %swap3A_1987 : vector<1x16xf32> to vector<16xf32>
      %swap3A_1989 = vector.shape_cast %mul3A_1982 : vector<16xf32> to vector<1x16xf32>
      tpu.vector_store %arg10[%swap3A_1985, %swap3A_1986], %swap3A_1989 {strides = array<i32>} : memref<512x64xf32, #tpu.memory_space<vmem>>, vector<1x16xf32>,
      %slice3A_1990 = vector.extract_strided_slice %get3A_662 {offsets = [11], sizes = [1], strides = [1]} : vector<16xf32> to vector<1xf32>
      %squeeze3A_1991 = vector.extract %slice3A_1990[0] : f32 from vector<1xf32>
      %slice3A_1992 = vector.extract_strided_slice %shift_left3A_674 {offsets = [11], sizes = [1], strides = [1]} : vector<16xi32> to vector<1xi32>
      %squeeze3A_1993 = vector.extract %slice3A_1992[0] : i32 from vector<1xi32>
      %add3A_1994 = arith.constant 11 : i32
      %add3A_1995 = arith.addi %mul3A_659, %add3A_1994 : i32
      %add3A_1996 = arith.constant 0 : i32
      %add3A_1997 = arith.addi %squeeze3A_1993, %add3A_1996 : i32
      %get3A_1998 = arith.index_cast %add3A_1995 : i32 to index
      %get3A_1999 = arith.index_cast %add3A_1997 : i32 to index
      %get3A_2000 = tpu.vector_load %arg8[%get3A_1998, %get3A_1999] {strides = array<i32>} : memref<512x128xf32, #tpu.memory_space<vmem>>, vector<1x16xf32>,
      %get3A_2001 = vector.shape_cast %get3A_2000 : vector<1x16xf32> to vector<16xf32>
      %add3A_2002 = arith.constant 0x4B400000 : f32
      %add3A_2003 = vector.broadcast %add3A_2002 : f32 to vector<16xf32>
      %add3A_2004 = arith.addf %get3A_2001, %add3A_2003 : vector<16xf32>
      %sub3A_2005 = arith.constant 0x4B400000 : f32
      %sub3A_2006 = vector.broadcast %sub3A_2005 : f32 to vector<16xf32>
      %sub3A_2007 = arith.subf %add3A_2004, %sub3A_2006 : vector<16xf32>
      %max3A_2008 = arith.constant -1.280000e+02 : f32
      %max3A_2009 = vector.broadcast %max3A_2008 : f32 to vector<16xf32>
      %max3A_2010 = arith.maximumf %sub3A_2007, %max3A_2009 : vector<16xf32>
      %min3A_2011 = arith.constant 1.270000e+02 : f32
      %min3A_2012 = vector.broadcast %min3A_2011 : f32 to vector<16xf32>
      %min3A_2013 = arith.minimumf %max3A_2010, %min3A_2012 : vector<16xf32>
      %mul3A_2014 = vector.broadcast %squeeze3A_1991 : f32 to vector<16xf32>
      %mul3A_2015 = arith.mulf %min3A_2013, %mul3A_2014 : vector<16xf32>
      %add3A_2016 = arith.constant 11 : i32
      %add3A_2017 = arith.addi %mul3A_659, %add3A_2016 : i32
      %swap3A_2018 = arith.index_cast %add3A_2017 : i32 to index
      %swap3A_2019 = arith.constant 0 : index
      %swap3A_2020 = tpu.vector_load %arg10[%swap3A_2018, %swap3A_2019] {strides = array<i32>} : memref<512x64xf32, #tpu.memory_space<vmem>>, vector<1x16xf32>,
      %swap3A_2021 = vector.shape_cast %swap3A_2020 : vector<1x16xf32> to vector<16xf32>
      %swap3A_2022 = vector.shape_cast %mul3A_2015 : vector<16xf32> to vector<1x16xf32>
      tpu.vector_store %arg10[%swap3A_2018, %swap3A_2019], %swap3A_2022 {strides = array<i32>} : memref<512x64xf32, #tpu.memory_space<vmem>>, vector<1x16xf32>,
      %add3A_2023 = arith.constant 11 : i32
      %add3A_2024 = arith.addi %mul3A_659, %add3A_2023 : i32
      %add3A_2025 = arith.constant 16 : i32
      %add3A_2026 = arith.addi %squeeze3A_1993, %add3A_2025 : i32
      %get3A_2027 = arith.index_cast %add3A_2024 : i32 to index
      %get3A_2028 = arith.index_cast %add3A_2026 : i32 to index
      %get3A_2029 = tpu.vector_load %arg8[%get3A_2027, %get3A_2028] {strides = array<i32>} : memref<512x128xf32, #tpu.memory_space<vmem>>, vector<1x16xf32>,
      %get3A_2030 = vector.shape_cast %get3A_2029 : vector<1x16xf32> to vector<16xf32>
      %add3A_2031 = arith.constant 0x4B400000 : f32
      %add3A_2032 = vector.broadcast %add3A_2031 : f32 to vector<16xf32>
      %add3A_2033 = arith.addf %get3A_2030, %add3A_2032 : vector<16xf32>
      %sub3A_2034 = arith.constant 0x4B400000 : f32
      %sub3A_2035 = vector.broadcast %sub3A_2034 : f32 to vector<16xf32>
      %sub3A_2036 = arith.subf %add3A_2033, %sub3A_2035 : vector<16xf32>
      %max3A_2037 = arith.constant -1.280000e+02 : f32
      %max3A_2038 = vector.broadcast %max3A_2037 : f32 to vector<16xf32>
      %max3A_2039 = arith.maximumf %sub3A_2036, %max3A_2038 : vector<16xf32>
      %min3A_2040 = arith.constant 1.270000e+02 : f32
      %min3A_2041 = vector.broadcast %min3A_2040 : f32 to vector<16xf32>
      %min3A_2042 = arith.minimumf %max3A_2039, %min3A_2041 : vector<16xf32>
      %mul3A_2043 = vector.broadcast %squeeze3A_1991 : f32 to vector<16xf32>
      %mul3A_2044 = arith.mulf %min3A_2042, %mul3A_2043 : vector<16xf32>
      %add3A_2045 = arith.constant 11 : i32
      %add3A_2046 = arith.addi %mul3A_659, %add3A_2045 : i32
      %swap3A_2047 = arith.index_cast %add3A_2046 : i32 to index
      %swap3A_2048 = arith.constant 16 : index
      %swap3A_2049 = tpu.vector_load %arg10[%swap3A_2047, %swap3A_2048] {strides = array<i32>} : memref<512x64xf32, #tpu.memory_space<vmem>>, vector<1x16xf32>,
      %swap3A_2050 = vector.shape_cast %swap3A_2049 : vector<1x16xf32> to vector<16xf32>
      %swap3A_2051 = vector.shape_cast %mul3A_2044 : vector<16xf32> to vector<1x16xf32>
      tpu.vector_store %arg10[%swap3A_2047, %swap3A_2048], %swap3A_2051 {strides = array<i32>} : memref<512x64xf32, #tpu.memory_space<vmem>>, vector<1x16xf32>,
      %add3A_2052 = arith.constant 11 : i32
      %add3A_2053 = arith.addi %mul3A_659, %add3A_2052 : i32
      %add3A_2054 = arith.constant 32 : i32
      %add3A_2055 = arith.addi %squeeze3A_1993, %add3A_2054 : i32
      %get3A_2056 = arith.index_cast %add3A_2053 : i32 to index
      %get3A_2057 = arith.index_cast %add3A_2055 : i32 to index
      %get3A_2058 = tpu.vector_load %arg8[%get3A_2056, %get3A_2057] {strides = array<i32>} : memref<512x128xf32, #tpu.memory_space<vmem>>, vector<1x16xf32>,
      %get3A_2059 = vector.shape_cast %get3A_2058 : vector<1x16xf32> to vector<16xf32>
      %add3A_2060 = arith.constant 0x4B400000 : f32
      %add3A_2061 = vector.broadcast %add3A_2060 : f32 to vector<16xf32>
      %add3A_2062 = arith.addf %get3A_2059, %add3A_2061 : vector<16xf32>
      %sub3A_2063 = arith.constant 0x4B400000 : f32
      %sub3A_2064 = vector.broadcast %sub3A_2063 : f32 to vector<16xf32>
      %sub3A_2065 = arith.subf %add3A_2062, %sub3A_2064 : vector<16xf32>
      %max3A_2066 = arith.constant -1.280000e+02 : f32
      %max3A_2067 = vector.broadcast %max3A_2066 : f32 to vector<16xf32>
      %max3A_2068 = arith.maximumf %sub3A_2065, %max3A_2067 : vector<16xf32>
      %min3A_2069 = arith.constant 1.270000e+02 : f32
      %min3A_2070 = vector.broadcast %min3A_2069 : f32 to vector<16xf32>
      %min3A_2071 = arith.minimumf %max3A_2068, %min3A_2070 : vector<16xf32>
      %mul3A_2072 = vector.broadcast %squeeze3A_1991 : f32 to vector<16xf32>
      %mul3A_2073 = arith.mulf %min3A_2071, %mul3A_2072 : vector<16xf32>
      %add3A_2074 = arith.constant 11 : i32
      %add3A_2075 = arith.addi %mul3A_659, %add3A_2074 : i32
      %swap3A_2076 = arith.index_cast %add3A_2075 : i32 to index
      %swap3A_2077 = arith.constant 32 : index
      %swap3A_2078 = tpu.vector_load %arg10[%swap3A_2076, %swap3A_2077] {strides = array<i32>} : memref<512x64xf32, #tpu.memory_space<vmem>>, vector<1x16xf32>,
      %swap3A_2079 = vector.shape_cast %swap3A_2078 : vector<1x16xf32> to vector<16xf32>
      %swap3A_2080 = vector.shape_cast %mul3A_2073 : vector<16xf32> to vector<1x16xf32>
      tpu.vector_store %arg10[%swap3A_2076, %swap3A_2077], %swap3A_2080 {strides = array<i32>} : memref<512x64xf32, #tpu.memory_space<vmem>>, vector<1x16xf32>,
      %add3A_2081 = arith.constant 11 : i32
      %add3A_2082 = arith.addi %mul3A_659, %add3A_2081 : i32
      %add3A_2083 = arith.constant 48 : i32
      %add3A_2084 = arith.addi %squeeze3A_1993, %add3A_2083 : i32
      %get3A_2085 = arith.index_cast %add3A_2082 : i32 to index
      %get3A_2086 = arith.index_cast %add3A_2084 : i32 to index
      %get3A_2087 = tpu.vector_load %arg8[%get3A_2085, %get3A_2086] {strides = array<i32>} : memref<512x128xf32, #tpu.memory_space<vmem>>, vector<1x16xf32>,
      %get3A_2088 = vector.shape_cast %get3A_2087 : vector<1x16xf32> to vector<16xf32>
      %add3A_2089 = arith.constant 0x4B400000 : f32
      %add3A_2090 = vector.broadcast %add3A_2089 : f32 to vector<16xf32>
      %add3A_2091 = arith.addf %get3A_2088, %add3A_2090 : vector<16xf32>
      %sub3A_2092 = arith.constant 0x4B400000 : f32
      %sub3A_2093 = vector.broadcast %sub3A_2092 : f32 to vector<16xf32>
      %sub3A_2094 = arith.subf %add3A_2091, %sub3A_2093 : vector<16xf32>
      %max3A_2095 = arith.constant -1.280000e+02 : f32
      %max3A_2096 = vector.broadcast %max3A_2095 : f32 to vector<16xf32>
      %max3A_2097 = arith.maximumf %sub3A_2094, %max3A_2096 : vector<16xf32>
      %min3A_2098 = arith.constant 1.270000e+02 : f32
      %min3A_2099 = vector.broadcast %min3A_2098 : f32 to vector<16xf32>
      %min3A_2100 = arith.minimumf %max3A_2097, %min3A_2099 : vector<16xf32>
      %mul3A_2101 = vector.broadcast %squeeze3A_1991 : f32 to vector<16xf32>
      %mul3A_2102 = arith.mulf %min3A_2100, %mul3A_2101 : vector<16xf32>
      %add3A_2103 = arith.constant 11 : i32
      %add3A_2104 = arith.addi %mul3A_659, %add3A_2103 : i32
      %swap3A_2105 = arith.index_cast %add3A_2104 : i32 to index
      %swap3A_2106 = arith.constant 48 : index
      %swap3A_2107 = tpu.vector_load %arg10[%swap3A_2105, %swap3A_2106] {strides = array<i32>} : memref<512x64xf32, #tpu.memory_space<vmem>>, vector<1x16xf32>,
      %swap3A_2108 = vector.shape_cast %swap3A_2107 : vector<1x16xf32> to vector<16xf32>
      %swap3A_2109 = vector.shape_cast %mul3A_2102 : vector<16xf32> to vector<1x16xf32>
      tpu.vector_store %arg10[%swap3A_2105, %swap3A_2106], %swap3A_2109 {strides = array<i32>} : memref<512x64xf32, #tpu.memory_space<vmem>>, vector<1x16xf32>,
      %slice3A_2110 = vector.extract_strided_slice %get3A_662 {offsets = [12], sizes = [1], strides = [1]} : vector<16xf32> to vector<1xf32>
      %squeeze3A_2111 = vector.extract %slice3A_2110[0] : f32 from vector<1xf32>
      %slice3A_2112 = vector.extract_strided_slice %shift_left3A_674 {offsets = [12], sizes = [1], strides = [1]} : vector<16xi32> to vector<1xi32>
      %squeeze3A_2113 = vector.extract %slice3A_2112[0] : i32 from vector<1xi32>
      %add3A_2114 = arith.constant 12 : i32
      %add3A_2115 = arith.addi %mul3A_659, %add3A_2114 : i32
      %add3A_2116 = arith.constant 0 : i32
      %add3A_2117 = arith.addi %squeeze3A_2113, %add3A_2116 : i32
      %get3A_2118 = arith.index_cast %add3A_2115 : i32 to index
      %get3A_2119 = arith.index_cast %add3A_2117 : i32 to index
      %get3A_2120 = tpu.vector_load %arg8[%get3A_2118, %get3A_2119] {strides = array<i32>} : memref<512x128xf32, #tpu.memory_space<vmem>>, vector<1x16xf32>,
      %get3A_2121 = vector.shape_cast %get3A_2120 : vector<1x16xf32> to vector<16xf32>
      %add3A_2122 = arith.constant 0x4B400000 : f32
      %add3A_2123 = vector.broadcast %add3A_2122 : f32 to vector<16xf32>
      %add3A_2124 = arith.addf %get3A_2121, %add3A_2123 : vector<16xf32>
      %sub3A_2125 = arith.constant 0x4B400000 : f32
      %sub3A_2126 = vector.broadcast %sub3A_2125 : f32 to vector<16xf32>
      %sub3A_2127 = arith.subf %add3A_2124, %sub3A_2126 : vector<16xf32>
      %max3A_2128 = arith.constant -1.280000e+02 : f32
      %max3A_2129 = vector.broadcast %max3A_2128 : f32 to vector<16xf32>
      %max3A_2130 = arith.maximumf %sub3A_2127, %max3A_2129 : vector<16xf32>
      %min3A_2131 = arith.constant 1.270000e+02 : f32
      %min3A_2132 = vector.broadcast %min3A_2131 : f32 to vector<16xf32>
      %min3A_2133 = arith.minimumf %max3A_2130, %min3A_2132 : vector<16xf32>
      %mul3A_2134 = vector.broadcast %squeeze3A_2111 : f32 to vector<16xf32>
      %mul3A_2135 = arith.mulf %min3A_2133, %mul3A_2134 : vector<16xf32>
      %add3A_2136 = arith.constant 12 : i32
      %add3A_2137 = arith.addi %mul3A_659, %add3A_2136 : i32
      %swap3A_2138 = arith.index_cast %add3A_2137 : i32 to index
      %swap3A_2139 = arith.constant 0 : index
      %swap3A_2140 = tpu.vector_load %arg10[%swap3A_2138, %swap3A_2139] {strides = array<i32>} : memref<512x64xf32, #tpu.memory_space<vmem>>, vector<1x16xf32>,
      %swap3A_2141 = vector.shape_cast %swap3A_2140 : vector<1x16xf32> to vector<16xf32>
      %swap3A_2142 = vector.shape_cast %mul3A_2135 : vector<16xf32> to vector<1x16xf32>
      tpu.vector_store %arg10[%swap3A_2138, %swap3A_2139], %swap3A_2142 {strides = array<i32>} : memref<512x64xf32, #tpu.memory_space<vmem>>, vector<1x16xf32>,
      %add3A_2143 = arith.constant 12 : i32
      %add3A_2144 = arith.addi %mul3A_659, %add3A_2143 : i32
      %add3A_2145 = arith.constant 16 : i32
      %add3A_2146 = arith.addi %squeeze3A_2113, %add3A_2145 : i32
      %get3A_2147 = arith.index_cast %add3A_2144 : i32 to index
      %get3A_2148 = arith.index_cast %add3A_2146 : i32 to index
      %get3A_2149 = tpu.vector_load %arg8[%get3A_2147, %get3A_2148] {strides = array<i32>} : memref<512x128xf32, #tpu.memory_space<vmem>>, vector<1x16xf32>,
      %get3A_2150 = vector.shape_cast %get3A_2149 : vector<1x16xf32> to vector<16xf32>
      %add3A_2151 = arith.constant 0x4B400000 : f32
      %add3A_2152 = vector.broadcast %add3A_2151 : f32 to vector<16xf32>
      %add3A_2153 = arith.addf %get3A_2150, %add3A_2152 : vector<16xf32>
      %sub3A_2154 = arith.constant 0x4B400000 : f32
      %sub3A_2155 = vector.broadcast %sub3A_2154 : f32 to vector<16xf32>
      %sub3A_2156 = arith.subf %add3A_2153, %sub3A_2155 : vector<16xf32>
      %max3A_2157 = arith.constant -1.280000e+02 : f32
      %max3A_2158 = vector.broadcast %max3A_2157 : f32 to vector<16xf32>
      %max3A_2159 = arith.maximumf %sub3A_2156, %max3A_2158 : vector<16xf32>
      %min3A_2160 = arith.constant 1.270000e+02 : f32
      %min3A_2161 = vector.broadcast %min3A_2160 : f32 to vector<16xf32>
      %min3A_2162 = arith.minimumf %max3A_2159, %min3A_2161 : vector<16xf32>
      %mul3A_2163 = vector.broadcast %squeeze3A_2111 : f32 to vector<16xf32>
      %mul3A_2164 = arith.mulf %min3A_2162, %mul3A_2163 : vector<16xf32>
      %add3A_2165 = arith.constant 12 : i32
      %add3A_2166 = arith.addi %mul3A_659, %add3A_2165 : i32
      %swap3A_2167 = arith.index_cast %add3A_2166 : i32 to index
      %swap3A_2168 = arith.constant 16 : index
      %swap3A_2169 = tpu.vector_load %arg10[%swap3A_2167, %swap3A_2168] {strides = array<i32>} : memref<512x64xf32, #tpu.memory_space<vmem>>, vector<1x16xf32>,
      %swap3A_2170 = vector.shape_cast %swap3A_2169 : vector<1x16xf32> to vector<16xf32>
      %swap3A_2171 = vector.shape_cast %mul3A_2164 : vector<16xf32> to vector<1x16xf32>
      tpu.vector_store %arg10[%swap3A_2167, %swap3A_2168], %swap3A_2171 {strides = array<i32>} : memref<512x64xf32, #tpu.memory_space<vmem>>, vector<1x16xf32>,
      %add3A_2172 = arith.constant 12 : i32
      %add3A_2173 = arith.addi %mul3A_659, %add3A_2172 : i32
      %add3A_2174 = arith.constant 32 : i32
      %add3A_2175 = arith.addi %squeeze3A_2113, %add3A_2174 : i32
      %get3A_2176 = arith.index_cast %add3A_2173 : i32 to index
      %get3A_2177 = arith.index_cast %add3A_2175 : i32 to index
      %get3A_2178 = tpu.vector_load %arg8[%get3A_2176, %get3A_2177] {strides = array<i32>} : memref<512x128xf32, #tpu.memory_space<vmem>>, vector<1x16xf32>,
      %get3A_2179 = vector.shape_cast %get3A_2178 : vector<1x16xf32> to vector<16xf32>
      %add3A_2180 = arith.constant 0x4B400000 : f32
      %add3A_2181 = vector.broadcast %add3A_2180 : f32 to vector<16xf32>
      %add3A_2182 = arith.addf %get3A_2179, %add3A_2181 : vector<16xf32>
      %sub3A_2183 = arith.constant 0x4B400000 : f32
      %sub3A_2184 = vector.broadcast %sub3A_2183 : f32 to vector<16xf32>
      %sub3A_2185 = arith.subf %add3A_2182, %sub3A_2184 : vector<16xf32>
      %max3A_2186 = arith.constant -1.280000e+02 : f32
      %max3A_2187 = vector.broadcast %max3A_2186 : f32 to vector<16xf32>
      %max3A_2188 = arith.maximumf %sub3A_2185, %max3A_2187 : vector<16xf32>
      %min3A_2189 = arith.constant 1.270000e+02 : f32
      %min3A_2190 = vector.broadcast %min3A_2189 : f32 to vector<16xf32>
      %min3A_2191 = arith.minimumf %max3A_2188, %min3A_2190 : vector<16xf32>
      %mul3A_2192 = vector.broadcast %squeeze3A_2111 : f32 to vector<16xf32>
      %mul3A_2193 = arith.mulf %min3A_2191, %mul3A_2192 : vector<16xf32>
      %add3A_2194 = arith.constant 12 : i32
      %add3A_2195 = arith.addi %mul3A_659, %add3A_2194 : i32
      %swap3A_2196 = arith.index_cast %add3A_2195 : i32 to index
      %swap3A_2197 = arith.constant 32 : index
      %swap3A_2198 = tpu.vector_load %arg10[%swap3A_2196, %swap3A_2197] {strides = array<i32>} : memref<512x64xf32, #tpu.memory_space<vmem>>, vector<1x16xf32>,
      %swap3A_2199 = vector.shape_cast %swap3A_2198 : vector<1x16xf32> to vector<16xf32>
      %swap3A_2200 = vector.shape_cast %mul3A_2193 : vector<16xf32> to vector<1x16xf32>
      tpu.vector_store %arg10[%swap3A_2196, %swap3A_2197], %swap3A_2200 {strides = array<i32>} : memref<512x64xf32, #tpu.memory_space<vmem>>, vector<1x16xf32>,
      %add3A_2201 = arith.constant 12 : i32
      %add3A_2202 = arith.addi %mul3A_659, %add3A_2201 : i32
      %add3A_2203 = arith.constant 48 : i32
      %add3A_2204 = arith.addi %squeeze3A_2113, %add3A_2203 : i32
      %get3A_2205 = arith.index_cast %add3A_2202 : i32 to index
      %get3A_2206 = arith.index_cast %add3A_2204 : i32 to index
      %get3A_2207 = tpu.vector_load %arg8[%get3A_2205, %get3A_2206] {strides = array<i32>} : memref<512x128xf32, #tpu.memory_space<vmem>>, vector<1x16xf32>,
      %get3A_2208 = vector.shape_cast %get3A_2207 : vector<1x16xf32> to vector<16xf32>
      %add3A_2209 = arith.constant 0x4B400000 : f32
      %add3A_2210 = vector.broadcast %add3A_2209 : f32 to vector<16xf32>
      %add3A_2211 = arith.addf %get3A_2208, %add3A_2210 : vector<16xf32>
      %sub3A_2212 = arith.constant 0x4B400000 : f32
      %sub3A_2213 = vector.broadcast %sub3A_2212 : f32 to vector<16xf32>
      %sub3A_2214 = arith.subf %add3A_2211, %sub3A_2213 : vector<16xf32>
      %max3A_2215 = arith.constant -1.280000e+02 : f32
      %max3A_2216 = vector.broadcast %max3A_2215 : f32 to vector<16xf32>
      %max3A_2217 = arith.maximumf %sub3A_2214, %max3A_2216 : vector<16xf32>
      %min3A_2218 = arith.constant 1.270000e+02 : f32
      %min3A_2219 = vector.broadcast %min3A_2218 : f32 to vector<16xf32>
      %min3A_2220 = arith.minimumf %max3A_2217, %min3A_2219 : vector<16xf32>
      %mul3A_2221 = vector.broadcast %squeeze3A_2111 : f32 to vector<16xf32>
      %mul3A_2222 = arith.mulf %min3A_2220, %mul3A_2221 : vector<16xf32>
      %add3A_2223 = arith.constant 12 : i32
      %add3A_2224 = arith.addi %mul3A_659, %add3A_2223 : i32
      %swap3A_2225 = arith.index_cast %add3A_2224 : i32 to index
      %swap3A_2226 = arith.constant 48 : index
      %swap3A_2227 = tpu.vector_load %arg10[%swap3A_2225, %swap3A_2226] {strides = array<i32>} : memref<512x64xf32, #tpu.memory_space<vmem>>, vector<1x16xf32>,
      %swap3A_2228 = vector.shape_cast %swap3A_2227 : vector<1x16xf32> to vector<16xf32>
      %swap3A_2229 = vector.shape_cast %mul3A_2222 : vector<16xf32> to vector<1x16xf32>
      tpu.vector_store %arg10[%swap3A_2225, %swap3A_2226], %swap3A_2229 {strides = array<i32>} : memref<512x64xf32, #tpu.memory_space<vmem>>, vector<1x16xf32>,
      %slice3A_2230 = vector.extract_strided_slice %get3A_662 {offsets = [13], sizes = [1], strides = [1]} : vector<16xf32> to vector<1xf32>
      %squeeze3A_2231 = vector.extract %slice3A_2230[0] : f32 from vector<1xf32>
      %slice3A_2232 = vector.extract_strided_slice %shift_left3A_674 {offsets = [13], sizes = [1], strides = [1]} : vector<16xi32> to vector<1xi32>
      %squeeze3A_2233 = vector.extract %slice3A_2232[0] : i32 from vector<1xi32>
      %add3A_2234 = arith.constant 13 : i32
      %add3A_2235 = arith.addi %mul3A_659, %add3A_2234 : i32
      %add3A_2236 = arith.constant 0 : i32
      %add3A_2237 = arith.addi %squeeze3A_2233, %add3A_2236 : i32
      %get3A_2238 = arith.index_cast %add3A_2235 : i32 to index
      %get3A_2239 = arith.index_cast %add3A_2237 : i32 to index
      %get3A_2240 = tpu.vector_load %arg8[%get3A_2238, %get3A_2239] {strides = array<i32>} : memref<512x128xf32, #tpu.memory_space<vmem>>, vector<1x16xf32>,
      %get3A_2241 = vector.shape_cast %get3A_2240 : vector<1x16xf32> to vector<16xf32>
      %add3A_2242 = arith.constant 0x4B400000 : f32
      %add3A_2243 = vector.broadcast %add3A_2242 : f32 to vector<16xf32>
      %add3A_2244 = arith.addf %get3A_2241, %add3A_2243 : vector<16xf32>
      %sub3A_2245 = arith.constant 0x4B400000 : f32
      %sub3A_2246 = vector.broadcast %sub3A_2245 : f32 to vector<16xf32>
      %sub3A_2247 = arith.subf %add3A_2244, %sub3A_2246 : vector<16xf32>
      %max3A_2248 = arith.constant -1.280000e+02 : f32
      %max3A_2249 = vector.broadcast %max3A_2248 : f32 to vector<16xf32>
      %max3A_2250 = arith.maximumf %sub3A_2247, %max3A_2249 : vector<16xf32>
      %min3A_2251 = arith.constant 1.270000e+02 : f32
      %min3A_2252 = vector.broadcast %min3A_2251 : f32 to vector<16xf32>
      %min3A_2253 = arith.minimumf %max3A_2250, %min3A_2252 : vector<16xf32>
      %mul3A_2254 = vector.broadcast %squeeze3A_2231 : f32 to vector<16xf32>
      %mul3A_2255 = arith.mulf %min3A_2253, %mul3A_2254 : vector<16xf32>
      %add3A_2256 = arith.constant 13 : i32
      %add3A_2257 = arith.addi %mul3A_659, %add3A_2256 : i32
      %swap3A_2258 = arith.index_cast %add3A_2257 : i32 to index
      %swap3A_2259 = arith.constant 0 : index
      %swap3A_2260 = tpu.vector_load %arg10[%swap3A_2258, %swap3A_2259] {strides = array<i32>} : memref<512x64xf32, #tpu.memory_space<vmem>>, vector<1x16xf32>,
      %swap3A_2261 = vector.shape_cast %swap3A_2260 : vector<1x16xf32> to vector<16xf32>
      %swap3A_2262 = vector.shape_cast %mul3A_2255 : vector<16xf32> to vector<1x16xf32>
      tpu.vector_store %arg10[%swap3A_2258, %swap3A_2259], %swap3A_2262 {strides = array<i32>} : memref<512x64xf32, #tpu.memory_space<vmem>>, vector<1x16xf32>,
      %add3A_2263 = arith.constant 13 : i32
      %add3A_2264 = arith.addi %mul3A_659, %add3A_2263 : i32
      %add3A_2265 = arith.constant 16 : i32
      %add3A_2266 = arith.addi %squeeze3A_2233, %add3A_2265 : i32
      %get3A_2267 = arith.index_cast %add3A_2264 : i32 to index
      %get3A_2268 = arith.index_cast %add3A_2266 : i32 to index
      %get3A_2269 = tpu.vector_load %arg8[%get3A_2267, %get3A_2268] {strides = array<i32>} : memref<512x128xf32, #tpu.memory_space<vmem>>, vector<1x16xf32>,
      %get3A_2270 = vector.shape_cast %get3A_2269 : vector<1x16xf32> to vector<16xf32>
      %add3A_2271 = arith.constant 0x4B400000 : f32
      %add3A_2272 = vector.broadcast %add3A_2271 : f32 to vector<16xf32>
      %add3A_2273 = arith.addf %get3A_2270, %add3A_2272 : vector<16xf32>
      %sub3A_2274 = arith.constant 0x4B400000 : f32
      %sub3A_2275 = vector.broadcast %sub3A_2274 : f32 to vector<16xf32>
      %sub3A_2276 = arith.subf %add3A_2273, %sub3A_2275 : vector<16xf32>
      %max3A_2277 = arith.constant -1.280000e+02 : f32
      %max3A_2278 = vector.broadcast %max3A_2277 : f32 to vector<16xf32>
      %max3A_2279 = arith.maximumf %sub3A_2276, %max3A_2278 : vector<16xf32>
      %min3A_2280 = arith.constant 1.270000e+02 : f32
      %min3A_2281 = vector.broadcast %min3A_2280 : f32 to vector<16xf32>
      %min3A_2282 = arith.minimumf %max3A_2279, %min3A_2281 : vector<16xf32>
      %mul3A_2283 = vector.broadcast %squeeze3A_2231 : f32 to vector<16xf32>
      %mul3A_2284 = arith.mulf %min3A_2282, %mul3A_2283 : vector<16xf32>
      %add3A_2285 = arith.constant 13 : i32
      %add3A_2286 = arith.addi %mul3A_659, %add3A_2285 : i32
      %swap3A_2287 = arith.index_cast %add3A_2286 : i32 to index
      %swap3A_2288 = arith.constant 16 : index
      %swap3A_2289 = tpu.vector_load %arg10[%swap3A_2287, %swap3A_2288] {strides = array<i32>} : memref<512x64xf32, #tpu.memory_space<vmem>>, vector<1x16xf32>,
      %swap3A_2290 = vector.shape_cast %swap3A_2289 : vector<1x16xf32> to vector<16xf32>
      %swap3A_2291 = vector.shape_cast %mul3A_2284 : vector<16xf32> to vector<1x16xf32>
      tpu.vector_store %arg10[%swap3A_2287, %swap3A_2288], %swap3A_2291 {strides = array<i32>} : memref<512x64xf32, #tpu.memory_space<vmem>>, vector<1x16xf32>,
      %add3A_2292 = arith.constant 13 : i32
      %add3A_2293 = arith.addi %mul3A_659, %add3A_2292 : i32
      %add3A_2294 = arith.constant 32 : i32
      %add3A_2295 = arith.addi %squeeze3A_2233, %add3A_2294 : i32
      %get3A_2296 = arith.index_cast %add3A_2293 : i32 to index
      %get3A_2297 = arith.index_cast %add3A_2295 : i32 to index
      %get3A_2298 = tpu.vector_load %arg8[%get3A_2296, %get3A_2297] {strides = array<i32>} : memref<512x128xf32, #tpu.memory_space<vmem>>, vector<1x16xf32>,
      %get3A_2299 = vector.shape_cast %get3A_2298 : vector<1x16xf32> to vector<16xf32>
      %add3A_2300 = arith.constant 0x4B400000 : f32
      %add3A_2301 = vector.broadcast %add3A_2300 : f32 to vector<16xf32>
      %add3A_2302 = arith.addf %get3A_2299, %add3A_2301 : vector<16xf32>
      %sub3A_2303 = arith.constant 0x4B400000 : f32
      %sub3A_2304 = vector.broadcast %sub3A_2303 : f32 to vector<16xf32>
      %sub3A_2305 = arith.subf %add3A_2302, %sub3A_2304 : vector<16xf32>
      %max3A_2306 = arith.constant -1.280000e+02 : f32
      %max3A_2307 = vector.broadcast %max3A_2306 : f32 to vector<16xf32>
      %max3A_2308 = arith.maximumf %sub3A_2305, %max3A_2307 : vector<16xf32>
      %min3A_2309 = arith.constant 1.270000e+02 : f32
      %min3A_2310 = vector.broadcast %min3A_2309 : f32 to vector<16xf32>
      %min3A_2311 = arith.minimumf %max3A_2308, %min3A_2310 : vector<16xf32>
      %mul3A_2312 = vector.broadcast %squeeze3A_2231 : f32 to vector<16xf32>
      %mul3A_2313 = arith.mulf %min3A_2311, %mul3A_2312 : vector<16xf32>
      %add3A_2314 = arith.constant 13 : i32
      %add3A_2315 = arith.addi %mul3A_659, %add3A_2314 : i32
      %swap3A_2316 = arith.index_cast %add3A_2315 : i32 to index
      %swap3A_2317 = arith.constant 32 : index
      %swap3A_2318 = tpu.vector_load %arg10[%swap3A_2316, %swap3A_2317] {strides = array<i32>} : memref<512x64xf32, #tpu.memory_space<vmem>>, vector<1x16xf32>,
      %swap3A_2319 = vector.shape_cast %swap3A_2318 : vector<1x16xf32> to vector<16xf32>
      %swap3A_2320 = vector.shape_cast %mul3A_2313 : vector<16xf32> to vector<1x16xf32>
      tpu.vector_store %arg10[%swap3A_2316, %swap3A_2317], %swap3A_2320 {strides = array<i32>} : memref<512x64xf32, #tpu.memory_space<vmem>>, vector<1x16xf32>,
      %add3A_2321 = arith.constant 13 : i32
      %add3A_2322 = arith.addi %mul3A_659, %add3A_2321 : i32
      %add3A_2323 = arith.constant 48 : i32
      %add3A_2324 = arith.addi %squeeze3A_2233, %add3A_2323 : i32
      %get3A_2325 = arith.index_cast %add3A_2322 : i32 to index
      %get3A_2326 = arith.index_cast %add3A_2324 : i32 to index
      %get3A_2327 = tpu.vector_load %arg8[%get3A_2325, %get3A_2326] {strides = array<i32>} : memref<512x128xf32, #tpu.memory_space<vmem>>, vector<1x16xf32>,
      %get3A_2328 = vector.shape_cast %get3A_2327 : vector<1x16xf32> to vector<16xf32>
      %add3A_2329 = arith.constant 0x4B400000 : f32
      %add3A_2330 = vector.broadcast %add3A_2329 : f32 to vector<16xf32>
      %add3A_2331 = arith.addf %get3A_2328, %add3A_2330 : vector<16xf32>
      %sub3A_2332 = arith.constant 0x4B400000 : f32
      %sub3A_2333 = vector.broadcast %sub3A_2332 : f32 to vector<16xf32>
      %sub3A_2334 = arith.subf %add3A_2331, %sub3A_2333 : vector<16xf32>
      %max3A_2335 = arith.constant -1.280000e+02 : f32
      %max3A_2336 = vector.broadcast %max3A_2335 : f32 to vector<16xf32>
      %max3A_2337 = arith.maximumf %sub3A_2334, %max3A_2336 : vector<16xf32>
      %min3A_2338 = arith.constant 1.270000e+02 : f32
      %min3A_2339 = vector.broadcast %min3A_2338 : f32 to vector<16xf32>
      %min3A_2340 = arith.minimumf %max3A_2337, %min3A_2339 : vector<16xf32>
      %mul3A_2341 = vector.broadcast %squeeze3A_2231 : f32 to vector<16xf32>
      %mul3A_2342 = arith.mulf %min3A_2340, %mul3A_2341 : vector<16xf32>
      %add3A_2343 = arith.constant 13 : i32
      %add3A_2344 = arith.addi %mul3A_659, %add3A_2343 : i32
      %swap3A_2345 = arith.index_cast %add3A_2344 : i32 to index
      %swap3A_2346 = arith.constant 48 : index
      %swap3A_2347 = tpu.vector_load %arg10[%swap3A_2345, %swap3A_2346] {strides = array<i32>} : memref<512x64xf32, #tpu.memory_space<vmem>>, vector<1x16xf32>,
      %swap3A_2348 = vector.shape_cast %swap3A_2347 : vector<1x16xf32> to vector<16xf32>
      %swap3A_2349 = vector.shape_cast %mul3A_2342 : vector<16xf32> to vector<1x16xf32>
      tpu.vector_store %arg10[%swap3A_2345, %swap3A_2346], %swap3A_2349 {strides = array<i32>} : memref<512x64xf32, #tpu.memory_space<vmem>>, vector<1x16xf32>,
      %slice3A_2350 = vector.extract_strided_slice %get3A_662 {offsets = [14], sizes = [1], strides = [1]} : vector<16xf32> to vector<1xf32>
      %squeeze3A_2351 = vector.extract %slice3A_2350[0] : f32 from vector<1xf32>
      %slice3A_2352 = vector.extract_strided_slice %shift_left3A_674 {offsets = [14], sizes = [1], strides = [1]} : vector<16xi32> to vector<1xi32>
      %squeeze3A_2353 = vector.extract %slice3A_2352[0] : i32 from vector<1xi32>
      %add3A_2354 = arith.constant 14 : i32
      %add3A_2355 = arith.addi %mul3A_659, %add3A_2354 : i32
      %add3A_2356 = arith.constant 0 : i32
      %add3A_2357 = arith.addi %squeeze3A_2353, %add3A_2356 : i32
      %get3A_2358 = arith.index_cast %add3A_2355 : i32 to index
      %get3A_2359 = arith.index_cast %add3A_2357 : i32 to index
      %get3A_2360 = tpu.vector_load %arg8[%get3A_2358, %get3A_2359] {strides = array<i32>} : memref<512x128xf32, #tpu.memory_space<vmem>>, vector<1x16xf32>,
      %get3A_2361 = vector.shape_cast %get3A_2360 : vector<1x16xf32> to vector<16xf32>
      %add3A_2362 = arith.constant 0x4B400000 : f32
      %add3A_2363 = vector.broadcast %add3A_2362 : f32 to vector<16xf32>
      %add3A_2364 = arith.addf %get3A_2361, %add3A_2363 : vector<16xf32>
      %sub3A_2365 = arith.constant 0x4B400000 : f32
      %sub3A_2366 = vector.broadcast %sub3A_2365 : f32 to vector<16xf32>
      %sub3A_2367 = arith.subf %add3A_2364, %sub3A_2366 : vector<16xf32>
      %max3A_2368 = arith.constant -1.280000e+02 : f32
      %max3A_2369 = vector.broadcast %max3A_2368 : f32 to vector<16xf32>
      %max3A_2370 = arith.maximumf %sub3A_2367, %max3A_2369 : vector<16xf32>
      %min3A_2371 = arith.constant 1.270000e+02 : f32
      %min3A_2372 = vector.broadcast %min3A_2371 : f32 to vector<16xf32>
      %min3A_2373 = arith.minimumf %max3A_2370, %min3A_2372 : vector<16xf32>
      %mul3A_2374 = vector.broadcast %squeeze3A_2351 : f32 to vector<16xf32>
      %mul3A_2375 = arith.mulf %min3A_2373, %mul3A_2374 : vector<16xf32>
      %add3A_2376 = arith.constant 14 : i32
      %add3A_2377 = arith.addi %mul3A_659, %add3A_2376 : i32
      %swap3A_2378 = arith.index_cast %add3A_2377 : i32 to index
      %swap3A_2379 = arith.constant 0 : index
      %swap3A_2380 = tpu.vector_load %arg10[%swap3A_2378, %swap3A_2379] {strides = array<i32>} : memref<512x64xf32, #tpu.memory_space<vmem>>, vector<1x16xf32>,
      %swap3A_2381 = vector.shape_cast %swap3A_2380 : vector<1x16xf32> to vector<16xf32>
      %swap3A_2382 = vector.shape_cast %mul3A_2375 : vector<16xf32> to vector<1x16xf32>
      tpu.vector_store %arg10[%swap3A_2378, %swap3A_2379], %swap3A_2382 {strides = array<i32>} : memref<512x64xf32, #tpu.memory_space<vmem>>, vector<1x16xf32>,
      %add3A_2383 = arith.constant 14 : i32
      %add3A_2384 = arith.addi %mul3A_659, %add3A_2383 : i32
      %add3A_2385 = arith.constant 16 : i32
      %add3A_2386 = arith.addi %squeeze3A_2353, %add3A_2385 : i32
      %get3A_2387 = arith.index_cast %add3A_2384 : i32 to index
      %get3A_2388 = arith.index_cast %add3A_2386 : i32 to index
      %get3A_2389 = tpu.vector_load %arg8[%get3A_2387, %get3A_2388] {strides = array<i32>} : memref<512x128xf32, #tpu.memory_space<vmem>>, vector<1x16xf32>,
      %get3A_2390 = vector.shape_cast %get3A_2389 : vector<1x16xf32> to vector<16xf32>
      %add3A_2391 = arith.constant 0x4B400000 : f32
      %add3A_2392 = vector.broadcast %add3A_2391 : f32 to vector<16xf32>
      %add3A_2393 = arith.addf %get3A_2390, %add3A_2392 : vector<16xf32>
      %sub3A_2394 = arith.constant 0x4B400000 : f32
      %sub3A_2395 = vector.broadcast %sub3A_2394 : f32 to vector<16xf32>
      %sub3A_2396 = arith.subf %add3A_2393, %sub3A_2395 : vector<16xf32>
      %max3A_2397 = arith.constant -1.280000e+02 : f32
      %max3A_2398 = vector.broadcast %max3A_2397 : f32 to vector<16xf32>
      %max3A_2399 = arith.maximumf %sub3A_2396, %max3A_2398 : vector<16xf32>
      %min3A_2400 = arith.constant 1.270000e+02 : f32
      %min3A_2401 = vector.broadcast %min3A_2400 : f32 to vector<16xf32>
      %min3A_2402 = arith.minimumf %max3A_2399, %min3A_2401 : vector<16xf32>
      %mul3A_2403 = vector.broadcast %squeeze3A_2351 : f32 to vector<16xf32>
      %mul3A_2404 = arith.mulf %min3A_2402, %mul3A_2403 : vector<16xf32>
      %add3A_2405 = arith.constant 14 : i32
      %add3A_2406 = arith.addi %mul3A_659, %add3A_2405 : i32
      %swap3A_2407 = arith.index_cast %add3A_2406 : i32 to index
      %swap3A_2408 = arith.constant 16 : index
      %swap3A_2409 = tpu.vector_load %arg10[%swap3A_2407, %swap3A_2408] {strides = array<i32>} : memref<512x64xf32, #tpu.memory_space<vmem>>, vector<1x16xf32>,
      %swap3A_2410 = vector.shape_cast %swap3A_2409 : vector<1x16xf32> to vector<16xf32>
      %swap3A_2411 = vector.shape_cast %mul3A_2404 : vector<16xf32> to vector<1x16xf32>
      tpu.vector_store %arg10[%swap3A_2407, %swap3A_2408], %swap3A_2411 {strides = array<i32>} : memref<512x64xf32, #tpu.memory_space<vmem>>, vector<1x16xf32>,
      %add3A_2412 = arith.constant 14 : i32
      %add3A_2413 = arith.addi %mul3A_659, %add3A_2412 : i32
      %add3A_2414 = arith.constant 32 : i32
      %add3A_2415 = arith.addi %squeeze3A_2353, %add3A_2414 : i32
      %get3A_2416 = arith.index_cast %add3A_2413 : i32 to index
      %get3A_2417 = arith.index_cast %add3A_2415 : i32 to index
      %get3A_2418 = tpu.vector_load %arg8[%get3A_2416, %get3A_2417] {strides = array<i32>} : memref<512x128xf32, #tpu.memory_space<vmem>>, vector<1x16xf32>,
      %get3A_2419 = vector.shape_cast %get3A_2418 : vector<1x16xf32> to vector<16xf32>
      %add3A_2420 = arith.constant 0x4B400000 : f32
      %add3A_2421 = vector.broadcast %add3A_2420 : f32 to vector<16xf32>
      %add3A_2422 = arith.addf %get3A_2419, %add3A_2421 : vector<16xf32>
      %sub3A_2423 = arith.constant 0x4B400000 : f32
      %sub3A_2424 = vector.broadcast %sub3A_2423 : f32 to vector<16xf32>
      %sub3A_2425 = arith.subf %add3A_2422, %sub3A_2424 : vector<16xf32>
      %max3A_2426 = arith.constant -1.280000e+02 : f32
      %max3A_2427 = vector.broadcast %max3A_2426 : f32 to vector<16xf32>
      %max3A_2428 = arith.maximumf %sub3A_2425, %max3A_2427 : vector<16xf32>
      %min3A_2429 = arith.constant 1.270000e+02 : f32
      %min3A_2430 = vector.broadcast %min3A_2429 : f32 to vector<16xf32>
      %min3A_2431 = arith.minimumf %max3A_2428, %min3A_2430 : vector<16xf32>
      %mul3A_2432 = vector.broadcast %squeeze3A_2351 : f32 to vector<16xf32>
      %mul3A_2433 = arith.mulf %min3A_2431, %mul3A_2432 : vector<16xf32>
      %add3A_2434 = arith.constant 14 : i32
      %add3A_2435 = arith.addi %mul3A_659, %add3A_2434 : i32
      %swap3A_2436 = arith.index_cast %add3A_2435 : i32 to index
      %swap3A_2437 = arith.constant 32 : index
      %swap3A_2438 = tpu.vector_load %arg10[%swap3A_2436, %swap3A_2437] {strides = array<i32>} : memref<512x64xf32, #tpu.memory_space<vmem>>, vector<1x16xf32>,
      %swap3A_2439 = vector.shape_cast %swap3A_2438 : vector<1x16xf32> to vector<16xf32>
      %swap3A_2440 = vector.shape_cast %mul3A_2433 : vector<16xf32> to vector<1x16xf32>
      tpu.vector_store %arg10[%swap3A_2436, %swap3A_2437], %swap3A_2440 {strides = array<i32>} : memref<512x64xf32, #tpu.memory_space<vmem>>, vector<1x16xf32>,
      %add3A_2441 = arith.constant 14 : i32
      %add3A_2442 = arith.addi %mul3A_659, %add3A_2441 : i32
      %add3A_2443 = arith.constant 48 : i32
      %add3A_2444 = arith.addi %squeeze3A_2353, %add3A_2443 : i32
      %get3A_2445 = arith.index_cast %add3A_2442 : i32 to index
      %get3A_2446 = arith.index_cast %add3A_2444 : i32 to index
      %get3A_2447 = tpu.vector_load %arg8[%get3A_2445, %get3A_2446] {strides = array<i32>} : memref<512x128xf32, #tpu.memory_space<vmem>>, vector<1x16xf32>,
      %get3A_2448 = vector.shape_cast %get3A_2447 : vector<1x16xf32> to vector<16xf32>
      %add3A_2449 = arith.constant 0x4B400000 : f32
      %add3A_2450 = vector.broadcast %add3A_2449 : f32 to vector<16xf32>
      %add3A_2451 = arith.addf %get3A_2448, %add3A_2450 : vector<16xf32>
      %sub3A_2452 = arith.constant 0x4B400000 : f32
      %sub3A_2453 = vector.broadcast %sub3A_2452 : f32 to vector<16xf32>
      %sub3A_2454 = arith.subf %add3A_2451, %sub3A_2453 : vector<16xf32>
      %max3A_2455 = arith.constant -1.280000e+02 : f32
      %max3A_2456 = vector.broadcast %max3A_2455 : f32 to vector<16xf32>
      %max3A_2457 = arith.maximumf %sub3A_2454, %max3A_2456 : vector<16xf32>
      %min3A_2458 = arith.constant 1.270000e+02 : f32
      %min3A_2459 = vector.broadcast %min3A_2458 : f32 to vector<16xf32>
      %min3A_2460 = arith.minimumf %max3A_2457, %min3A_2459 : vector<16xf32>
      %mul3A_2461 = vector.broadcast %squeeze3A_2351 : f32 to vector<16xf32>
      %mul3A_2462 = arith.mulf %min3A_2460, %mul3A_2461 : vector<16xf32>
      %add3A_2463 = arith.constant 14 : i32
      %add3A_2464 = arith.addi %mul3A_659, %add3A_2463 : i32
      %swap3A_2465 = arith.index_cast %add3A_2464 : i32 to index
      %swap3A_2466 = arith.constant 48 : index
      %swap3A_2467 = tpu.vector_load %arg10[%swap3A_2465, %swap3A_2466] {strides = array<i32>} : memref<512x64xf32, #tpu.memory_space<vmem>>, vector<1x16xf32>,
      %swap3A_2468 = vector.shape_cast %swap3A_2467 : vector<1x16xf32> to vector<16xf32>
      %swap3A_2469 = vector.shape_cast %mul3A_2462 : vector<16xf32> to vector<1x16xf32>
      tpu.vector_store %arg10[%swap3A_2465, %swap3A_2466], %swap3A_2469 {strides = array<i32>} : memref<512x64xf32, #tpu.memory_space<vmem>>, vector<1x16xf32>,
      %slice3A_2470 = vector.extract_strided_slice %get3A_662 {offsets = [15], sizes = [1], strides = [1]} : vector<16xf32> to vector<1xf32>
      %squeeze3A_2471 = vector.extract %slice3A_2470[0] : f32 from vector<1xf32>
      %slice3A_2472 = vector.extract_strided_slice %shift_left3A_674 {offsets = [15], sizes = [1], strides = [1]} : vector<16xi32> to vector<1xi32>
      %squeeze3A_2473 = vector.extract %slice3A_2472[0] : i32 from vector<1xi32>
      %add3A_2474 = arith.constant 15 : i32
      %add3A_2475 = arith.addi %mul3A_659, %add3A_2474 : i32
      %add3A_2476 = arith.constant 0 : i32
      %add3A_2477 = arith.addi %squeeze3A_2473, %add3A_2476 : i32
      %get3A_2478 = arith.index_cast %add3A_2475 : i32 to index
      %get3A_2479 = arith.index_cast %add3A_2477 : i32 to index
      %get3A_2480 = tpu.vector_load %arg8[%get3A_2478, %get3A_2479] {strides = array<i32>} : memref<512x128xf32, #tpu.memory_space<vmem>>, vector<1x16xf32>,
      %get3A_2481 = vector.shape_cast %get3A_2480 : vector<1x16xf32> to vector<16xf32>
      %add3A_2482 = arith.constant 0x4B400000 : f32
      %add3A_2483 = vector.broadcast %add3A_2482 : f32 to vector<16xf32>
      %add3A_2484 = arith.addf %get3A_2481, %add3A_2483 : vector<16xf32>
      %sub3A_2485 = arith.constant 0x4B400000 : f32
      %sub3A_2486 = vector.broadcast %sub3A_2485 : f32 to vector<16xf32>
      %sub3A_2487 = arith.subf %add3A_2484, %sub3A_2486 : vector<16xf32>
      %max3A_2488 = arith.constant -1.280000e+02 : f32
      %max3A_2489 = vector.broadcast %max3A_2488 : f32 to vector<16xf32>
      %max3A_2490 = arith.maximumf %sub3A_2487, %max3A_2489 : vector<16xf32>
      %min3A_2491 = arith.constant 1.270000e+02 : f32
      %min3A_2492 = vector.broadcast %min3A_2491 : f32 to vector<16xf32>
      %min3A_2493 = arith.minimumf %max3A_2490, %min3A_2492 : vector<16xf32>
      %mul3A_2494 = vector.broadcast %squeeze3A_2471 : f32 to vector<16xf32>
      %mul3A_2495 = arith.mulf %min3A_2493, %mul3A_2494 : vector<16xf32>
      %add3A_2496 = arith.constant 15 : i32
      %add3A_2497 = arith.addi %mul3A_659, %add3A_2496 : i32
      %swap3A_2498 = arith.index_cast %add3A_2497 : i32 to index
      %swap3A_2499 = arith.constant 0 : index
      %swap3A_2500 = tpu.vector_load %arg10[%swap3A_2498, %swap3A_2499] {strides = array<i32>} : memref<512x64xf32, #tpu.memory_space<vmem>>, vector<1x16xf32>,
      %swap3A_2501 = vector.shape_cast %swap3A_2500 : vector<1x16xf32> to vector<16xf32>
      %swap3A_2502 = vector.shape_cast %mul3A_2495 : vector<16xf32> to vector<1x16xf32>
      tpu.vector_store %arg10[%swap3A_2498, %swap3A_2499], %swap3A_2502 {strides = array<i32>} : memref<512x64xf32, #tpu.memory_space<vmem>>, vector<1x16xf32>,
      %add3A_2503 = arith.constant 15 : i32
      %add3A_2504 = arith.addi %mul3A_659, %add3A_2503 : i32
      %add3A_2505 = arith.constant 16 : i32
      %add3A_2506 = arith.addi %squeeze3A_2473, %add3A_2505 : i32
      %get3A_2507 = arith.index_cast %add3A_2504 : i32 to index
      %get3A_2508 = arith.index_cast %add3A_2506 : i32 to index
      %get3A_2509 = tpu.vector_load %arg8[%get3A_2507, %get3A_2508] {strides = array<i32>} : memref<512x128xf32, #tpu.memory_space<vmem>>, vector<1x16xf32>,
      %get3A_2510 = vector.shape_cast %get3A_2509 : vector<1x16xf32> to vector<16xf32>
      %add3A_2511 = arith.constant 0x4B400000 : f32
      %add3A_2512 = vector.broadcast %add3A_2511 : f32 to vector<16xf32>
      %add3A_2513 = arith.addf %get3A_2510, %add3A_2512 : vector<16xf32>
      %sub3A_2514 = arith.constant 0x4B400000 : f32
      %sub3A_2515 = vector.broadcast %sub3A_2514 : f32 to vector<16xf32>
      %sub3A_2516 = arith.subf %add3A_2513, %sub3A_2515 : vector<16xf32>
      %max3A_2517 = arith.constant -1.280000e+02 : f32
      %max3A_2518 = vector.broadcast %max3A_2517 : f32 to vector<16xf32>
      %max3A_2519 = arith.maximumf %sub3A_2516, %max3A_2518 : vector<16xf32>
      %min3A_2520 = arith.constant 1.270000e+02 : f32
      %min3A_2521 = vector.broadcast %min3A_2520 : f32 to vector<16xf32>
      %min3A_2522 = arith.minimumf %max3A_2519, %min3A_2521 : vector<16xf32>
      %mul3A_2523 = vector.broadcast %squeeze3A_2471 : f32 to vector<16xf32>
      %mul3A_2524 = arith.mulf %min3A_2522, %mul3A_2523 : vector<16xf32>
      %add3A_2525 = arith.constant 15 : i32
      %add3A_2526 = arith.addi %mul3A_659, %add3A_2525 : i32
      %swap3A_2527 = arith.index_cast %add3A_2526 : i32 to index
      %swap3A_2528 = arith.constant 16 : index
      %swap3A_2529 = tpu.vector_load %arg10[%swap3A_2527, %swap3A_2528] {strides = array<i32>} : memref<512x64xf32, #tpu.memory_space<vmem>>, vector<1x16xf32>,
      %swap3A_2530 = vector.shape_cast %swap3A_2529 : vector<1x16xf32> to vector<16xf32>
      %swap3A_2531 = vector.shape_cast %mul3A_2524 : vector<16xf32> to vector<1x16xf32>
      tpu.vector_store %arg10[%swap3A_2527, %swap3A_2528], %swap3A_2531 {strides = array<i32>} : memref<512x64xf32, #tpu.memory_space<vmem>>, vector<1x16xf32>,
      %add3A_2532 = arith.constant 15 : i32
      %add3A_2533 = arith.addi %mul3A_659, %add3A_2532 : i32
      %add3A_2534 = arith.constant 32 : i32
      %add3A_2535 = arith.addi %squeeze3A_2473, %add3A_2534 : i32
      %get3A_2536 = arith.index_cast %add3A_2533 : i32 to index
      %get3A_2537 = arith.index_cast %add3A_2535 : i32 to index
      %get3A_2538 = tpu.vector_load %arg8[%get3A_2536, %get3A_2537] {strides = array<i32>} : memref<512x128xf32, #tpu.memory_space<vmem>>, vector<1x16xf32>,
      %get3A_2539 = vector.shape_cast %get3A_2538 : vector<1x16xf32> to vector<16xf32>
      %add3A_2540 = arith.constant 0x4B400000 : f32
      %add3A_2541 = vector.broadcast %add3A_2540 : f32 to vector<16xf32>
      %add3A_2542 = arith.addf %get3A_2539, %add3A_2541 : vector<16xf32>
      %sub3A_2543 = arith.constant 0x4B400000 : f32
      %sub3A_2544 = vector.broadcast %sub3A_2543 : f32 to vector<16xf32>
      %sub3A_2545 = arith.subf %add3A_2542, %sub3A_2544 : vector<16xf32>
      %max3A_2546 = arith.constant -1.280000e+02 : f32
      %max3A_2547 = vector.broadcast %max3A_2546 : f32 to vector<16xf32>
      %max3A_2548 = arith.maximumf %sub3A_2545, %max3A_2547 : vector<16xf32>
      %min3A_2549 = arith.constant 1.270000e+02 : f32
      %min3A_2550 = vector.broadcast %min3A_2549 : f32 to vector<16xf32>
      %min3A_2551 = arith.minimumf %max3A_2548, %min3A_2550 : vector<16xf32>
      %mul3A_2552 = vector.broadcast %squeeze3A_2471 : f32 to vector<16xf32>
      %mul3A_2553 = arith.mulf %min3A_2551, %mul3A_2552 : vector<16xf32>
      %add3A_2554 = arith.constant 15 : i32
      %add3A_2555 = arith.addi %mul3A_659, %add3A_2554 : i32
      %swap3A_2556 = arith.index_cast %add3A_2555 : i32 to index
      %swap3A_2557 = arith.constant 32 : index
      %swap3A_2558 = tpu.vector_load %arg10[%swap3A_2556, %swap3A_2557] {strides = array<i32>} : memref<512x64xf32, #tpu.memory_space<vmem>>, vector<1x16xf32>,
      %swap3A_2559 = vector.shape_cast %swap3A_2558 : vector<1x16xf32> to vector<16xf32>
      %swap3A_2560 = vector.shape_cast %mul3A_2553 : vector<16xf32> to vector<1x16xf32>
      tpu.vector_store %arg10[%swap3A_2556, %swap3A_2557], %swap3A_2560 {strides = array<i32>} : memref<512x64xf32, #tpu.memory_space<vmem>>, vector<1x16xf32>,
      %add3A_2561 = arith.constant 15 : i32
      %add3A_2562 = arith.addi %mul3A_659, %add3A_2561 : i32
      %add3A_2563 = arith.constant 48 : i32
      %add3A_2564 = arith.addi %squeeze3A_2473, %add3A_2563 : i32
      %get3A_2565 = arith.index_cast %add3A_2562 : i32 to index
      %get3A_2566 = arith.index_cast %add3A_2564 : i32 to index
      %get3A_2567 = tpu.vector_load %arg8[%get3A_2565, %get3A_2566] {strides = array<i32>} : memref<512x128xf32, #tpu.memory_space<vmem>>, vector<1x16xf32>,
      %get3A_2568 = vector.shape_cast %get3A_2567 : vector<1x16xf32> to vector<16xf32>
      %add3A_2569 = arith.constant 0x4B400000 : f32
      %add3A_2570 = vector.broadcast %add3A_2569 : f32 to vector<16xf32>
      %add3A_2571 = arith.addf %get3A_2568, %add3A_2570 : vector<16xf32>
      %sub3A_2572 = arith.constant 0x4B400000 : f32
      %sub3A_2573 = vector.broadcast %sub3A_2572 : f32 to vector<16xf32>
      %sub3A_2574 = arith.subf %add3A_2571, %sub3A_2573 : vector<16xf32>
      %max3A_2575 = arith.constant -1.280000e+02 : f32
      %max3A_2576 = vector.broadcast %max3A_2575 : f32 to vector<16xf32>
      %max3A_2577 = arith.maximumf %sub3A_2574, %max3A_2576 : vector<16xf32>
      %min3A_2578 = arith.constant 1.270000e+02 : f32
      %min3A_2579 = vector.broadcast %min3A_2578 : f32 to vector<16xf32>
      %min3A_2580 = arith.minimumf %max3A_2577, %min3A_2579 : vector<16xf32>
      %mul3A_2581 = vector.broadcast %squeeze3A_2471 : f32 to vector<16xf32>
      %mul3A_2582 = arith.mulf %min3A_2580, %mul3A_2581 : vector<16xf32>
      %add3A_2583 = arith.constant 15 : i32
      %add3A_2584 = arith.addi %mul3A_659, %add3A_2583 : i32
      %swap3A_2585 = arith.index_cast %add3A_2584 : i32 to index
      %swap3A_2586 = arith.constant 48 : index
      %swap3A_2587 = tpu.vector_load %arg10[%swap3A_2585, %swap3A_2586] {strides = array<i32>} : memref<512x64xf32, #tpu.memory_space<vmem>>, vector<1x16xf32>,
      %swap3A_2588 = vector.shape_cast %swap3A_2587 : vector<1x16xf32> to vector<16xf32>
      %swap3A_2589 = vector.shape_cast %mul3A_2582 : vector<16xf32> to vector<1x16xf32>
      tpu.vector_store %arg10[%swap3A_2585, %swap3A_2586], %swap3A_2589 {strides = array<i32>} : memref<512x64xf32, #tpu.memory_space<vmem>>, vector<1x16xf32>,
    }
    %scan3A_656 = arith.constant 32 : i32
    "tpu.region"() ({
      %run_scoped3A = tpu.sem_alloc : memref<!tpu.dma_semaphore, #tpu.memory_space<semaphore_mem>>
      %dma_start3A_657 = arith.constant 0 : i32
      %dma_start3A_658 = tpu.memref_slice %arg5[%mul3A_2, %dma_start3A_657] : memref<16384x64xf32, #tpu.memory_space<hbm>> -> memref<512x64xf32, #tpu.memory_space<hbm>>
      %dma_start3A_659 = arith.constant 0 : i32
      %dma_start3A_660 = tpu.memref_slice %arg5[%mul3A_2, %dma_start3A_659] : memref<16384x64xf32, #tpu.memory_space<hbm>> -> memref<512x64xf32, #tpu.memory_space<hbm>>
      tpu.enqueue_dma source(%arg10 : memref<512x64xf32, #tpu.memory_space<vmem>>) target(%dma_start3A_660 : memref<512x64xf32, #tpu.memory_space<hbm>>) target_semaphore(%run_scoped3A : memref<!tpu.dma_semaphore, #tpu.memory_space<semaphore_mem>>)
      %dma_wait3A_661 = arith.constant 0 : i32
      %dma_wait3A_662 = tpu.memref_slice %arg5[%mul3A_2, %dma_wait3A_661] : memref<16384x64xf32, #tpu.memory_space<hbm>> -> memref<512x64xf32, #tpu.memory_space<hbm>>
      %dma_wait3A_663 = arith.constant 0 : i32
      %dma_wait3A_664 = tpu.memref_slice %arg5[%mul3A_2, %dma_wait3A_663] : memref<16384x64xf32, #tpu.memory_space<hbm>> -> memref<512x64xf32, #tpu.memory_space<hbm>>
      tpu.wait_dma2 semaphore(%run_scoped3A : memref<!tpu.dma_semaphore, #tpu.memory_space<semaphore_mem>>) src(%arg10 : memref<512x64xf32, #tpu.memory_space<vmem>>) dst(%dma_wait3A_664 : memref<512x64xf32, #tpu.memory_space<hbm>>)
      tpu.yield
    }) : () -> ()
    return
  }
}

module attributes {stable_mosaic.version = 14 : i64} {
  func.func @body(%arg0: i32, %arg1: memref<64x32768xf32, #tpu.memory_space<vmem>>, %arg2: memref<16384x128xf32, #tpu.memory_space<vmem>>) attributes {dimension_semantics = [#tpu.dimension_semantics<arbitrary>], iteration_bounds = array<i64: 31>, scalar_prefetch = 0 : i64, scratch_operands = 0 : i64, tpu.core_type = #tpu.core_type<tc>, window_params = [{transform_indices = @transform_0, window_bounds = array<i64: 64, 32768>}, {transform_indices = @transform_1, window_bounds = array<i64: 16384, 128>}]} {
    %get3A = arith.constant 0 : index
    %get3A_0 = arith.constant 0 : index
    %get3A_1 = vector.load %arg1[%get3A, %get3A_0] : memref<64x32768xf32, #tpu.memory_space<vmem>>, vector<64x32768xf32>
    %slice3A = vector.extract_strided_slice %get3A_1 {offsets = [0, 0], sizes = [64, 16384], strides = [1, 1]} : vector<64x32768xf32> to vector<64x16384xf32>
    %slice3A_2 = vector.extract_strided_slice %get3A_1 {offsets = [0, 16384], sizes = [64, 16384], strides = [1, 1]} : vector<64x32768xf32> to vector<64x16384xf32>
    %concatenate3A = tpu.concatenate %slice3A, %slice3A_2 in 0 : vector<64x16384xf32>, vector<64x16384xf32> -> vector<128x16384xf32>
    %transpose3A = tpu.transpose %concatenate3A, [1, 0] : vector<128x16384xf32> -> vector<16384x128xf32>
    %swap3A = arith.constant 0 : index
    %swap3A_3 = arith.constant 0 : index
    %swap3A_4 = vector.load %arg2[%swap3A, %swap3A_3] : memref<16384x128xf32, #tpu.memory_space<vmem>>, vector<16384x128xf32>
    tpu.vector_store %arg2[%swap3A, %swap3A_3], %transpose3A {strides = array<i32>} : memref<16384x128xf32, #tpu.memory_space<vmem>>, vector<16384x128xf32>,
    return
  }
  func.func @transform_0(%arg0: i32) -> (i32, i32) {
    %c0_i32 = arith.constant 0 : i32
    %c0_i32_0 = arith.constant 0 : i32
    return %c0_i32, %arg0 : i32, i32
  }
  func.func @transform_1(%arg0: i32) -> (i32, i32) {
    %c0_i32 = arith.constant 0 : i32
    %c0_i32_0 = arith.constant 0 : i32
    return %arg0, %c0_i32 : i32, i32
  }
}

</mosaic_0001>

<sc_bundles>
// kernel: kernel.4.cloned.1.call-start
scs
__scs_entry_jumppad:
0x0: {  	(pc) =	sbr.rel $0x88, $3  }
0x1: {  	(tag) =	ssettag $0x0;
	lr =	simm.s32 $0x1  }
0x2: {  	[smem:$0x3F9E] =	sst lr;
	_ =	strace $0xD0000000  }
0x3: {  	_ = 	snop  }
0x4: {  	_ = 	snop  }
0x5: {  	_ = 	snop  }
0x6: {  	_ = 	snop  }
0x7: {  	_ = 	snop  }
__scs_overlays_trampoline_lowered:
0x8: {  	[smem:$0x3FAD] =	sst s0  }
0x9: {  	[smem:$0x3FAE] =	sst s1  }
0xa: {  	[smem:$0x3FAF] =	sst s2  }
0xb: {  	[smem:$0x3FB0] =	sst s3  }
0xc: {  	[smem:$0x3FB1] =	sst s4  }
0xd: {  	[smem:$0x3FB2] =	sst s5  }
0xe: {  	[smem:$0x3FB3] =	sst s6  }
0xf: {  	[smem:$0x3FB4] =	sst s7  }
0x10: {  	[smem:$0x3FB5] =	sst s8  }
0x11: {  	[smem:$0x3FB6] =	sst s9;
	s0 =	simm.s32 @!p0 $0x0  }
0x12: {  	s1 =	sld [smem:$0x3F9C];
	s0 =	simm.s32 @p0 $0x1  }
0x13: {  	[smem:$0x3FB7] =	sst s0;
	s0 =	simm.s32 @!p1 $0x0  }
0x14: {  	s2 =	sld [smem:$0x3F9B];
	s0 =	simm.s32 @p1 $0x1  }
0x15: {  	[smem:$0x3FB8] =	sst s0;
	s0 =	simm.s32 @!p2 $0x0  }
0x16: {  	s3 =	sld [smem:$0x3FDB];
	s0 =	simm.s32 @p2 $0x1  }
0x17: {  	s4 =	simm.s32 $0x1BF5;
	[smem:$0x3FBA] =	sst s0  }
0x18: {  	s0 =	sld [smem:$0x3F9D];
	_ =	swait.ge [sflag:s4], $0x0  }
0x19: {  	s7 =	sld [smem:$0x3F9E]  }
0x1a: {  	s8 =	sadd.s32 $0xFFFFE003, lr  }
0x1b: {  	s9 =	sadd.s32 $0xFFFFFEF7, lr;
	s5 =	simm.s32 $0xFFFFFFFF;
	p2 =	slt.u32 s8, $0xFFFFF086  }
0x1c: {  	p1 =	slt.u32 s9, $0xF7A;
	s5 =	simm.s32 @!p2 $0x0  }
0x1d: {  	s5 =	simm.s32 @p1 $0x1;
	p0 =	seq.s32 s7, s2  }
0x1e: {  	s7 =	smul.u32 @!p0 $0xF7A, s2;
	p2 =	seq.s32 @!p0 s5, $0x0  }
0x1f: {  	s9 =	smul.u32 $0xF7A, s1;
	s8 =	simm.s32 @!p0 $0x1BF5;
	p2 =	por !p2, p0  }
0x20: {  	[sflag:s8] =	ssyncset.s32 @!p0 $0xFFFFF086;
	s6 =	sadd.s32 @!p0 s3, s7;
	s7 =	simm.s32 @!p0 $0x108  }
0x21: {  	s3 =	sadd.s32 s3, s9;
	s6 =	sadd.s32 @!p0 $0x88, s6;
	s7 =	simm.s32 @p2 $0x1082  }
0x22: {  	[simem:s7], [sflag:s8] =	dma.local @!p0 [hbm:s6], $0xF7A  }
0x23: {  	s9 =	sor.u32 $0xD0000000, s2;
	s6 =	simm.s32 $0x108;
	_ =	swait.ge @!p0 [sflag:s8], $0x0  }
0x24: {  	s3 =	sadd.s32 $0x88, s3;
	s6 =	simm.s32 @!p1 $0x1082;
	[sflag:s4] =	ssyncset.s32 $0xFFFFF086  }
0x25: {  	[simem:s6], [sflag:s4] =	dma.local [hbm:s3], $0xF7A  }
0x26: {  	[smem:$0x3F9E] =	sst s1;
	(tag) =	ssettag s2;
	_ =	strace s9  }
0x27: {  	s1 =	sld [smem:$0x3FAE]  }
0x28: {  	s2 =	sld [smem:$0x3FAF]  }
0x29: {  	s4 =	sld [smem:$0x3FB1]  }
0x2a: {  	p0 =	seq.s32 s5, $0x0;
	s5 =	sld [smem:$0x3FB2]  }
0x2b: {  	s6 =	sld [smem:$0x3FB3]  }
0x2c: {  	s7 =	sld [smem:$0x3FB4]  }
0x2d: {  	s3 =	simm.s32 $0x108;
	s8 =	sld [smem:$0x3FB5]  }
0x2e: {  	s3 =	simm.s32 @!p0 $0x1082;
	s9 =	sld [smem:$0x3FB6]  }
0x2f: {  	lr =	sadd.s32 s0, s3;
	s0 =	sld [smem:$0x3FAD]  }
0x30: {  	s3 =	sld [smem:$0x3FB0]  }
0x31: {  	[smem:$0x3FB9] =	sst s10  }
0x32: {  	s10 =	sld [smem:$0x3FB7];
	_ =	sdelay $0x3  }
0x33: {  	p0 =	seq.s32 s10, $0x1;
	s10 =	sld [smem:$0x3FB9];
	_ =	sdelay $0x3  }
0x34: {  	[smem:$0x3FB9] =	sst s10  }
0x35: {  	s10 =	sld [smem:$0x3FB8];
	_ =	sdelay $0x3  }
0x36: {  	p1 =	seq.s32 s10, $0x1;
	s10 =	sld [smem:$0x3FB9];
	_ =	sdelay $0x3  }
0x37: {  	[smem:$0x3FB9] =	sst s10  }
0x38: {  	s10 =	sld [smem:$0x3FBA]  }
0x39: {  	_ = 	snop;
	(pc) =	sbr.ind lr, $3  }
0x3a: {  	_ = 	snop  }
0x3b: {  	_ = 	snop  }
0x3c: {  	p2 =	seq.s32 s10, $0x1;
	s10 =	sld [smem:$0x3FB9]  }
0x3d: {  	_ =	shalt  }
0x3e: {  	_ =	shalt  }
0x3f: {  	_ =	shalt  }
0x40: {  	_ =	shalt  }
0x41: {  	_ =	shalt  }
0x42: {  	_ =	shalt  }
0x43: {  	_ =	shalt  }
0x44: {  	_ =	shalt  }
0x45: {  	_ =	shalt  }
0x46: {  	_ =	shalt  }
0x47: {  	_ =	shalt  }
0x48: {  	_ =	shalt  }
0x49: {  	_ =	shalt  }
0x4a: {  	_ =	shalt  }
0x4b: {  	_ =	shalt  }
0x4c: {  	_ =	shalt  }
0x4d: {  	_ =	shalt  }
0x4e: {  	_ =	shalt  }
0x4f: {  	_ =	shalt  }
0x50: {  	_ =	shalt  }
0x51: {  	_ =	shalt  }
0x52: {  	_ =	shalt  }
0x53: {  	_ =	shalt  }
0x54: {  	_ =	shalt  }
0x55: {  	_ =	shalt  }
0x56: {  	_ =	shalt  }
0x57: {  	_ =	shalt  }
0x58: {  	_ =	shalt  }
0x59: {  	_ =	shalt  }
0x5a: {  	_ =	shalt  }
0x5b: {  	_ =	shalt  }
0x5c: {  	_ =	shalt  }
0x5d: {  	_ =	shalt  }
0x5e: {  	_ =	shalt  }
0x5f: {  	_ =	shalt  }
0x60: {  	_ =	shalt  }
0x61: {  	_ =	shalt  }
0x62: {  	_ =	shalt  }
0x63: {  	_ =	shalt  }
0x64: {  	_ =	shalt  }
0x65: {  	_ =	shalt  }
0x66: {  	_ =	shalt  }
0x67: {  	_ =	shalt  }
0x68: {  	_ =	shalt  }
0x69: {  	_ =	shalt  }
0x6a: {  	_ =	shalt  }
0x6b: {  	_ =	shalt  }
0x6c: {  	_ =	shalt  }
0x6d: {  	_ =	shalt  }
0x6e: {  	_ =	shalt  }
0x6f: {  	_ =	shalt  }
0x70: {  	_ =	shalt  }
0x71: {  	_ =	shalt  }
0x72: {  	_ =	shalt  }
0x73: {  	_ =	shalt  }
0x74: {  	_ =	shalt  }
0x75: {  	_ =	shalt  }
0x76: {  	_ =	shalt  }
0x77: {  	_ =	shalt  }
0x78: {  	_ =	shalt  }
0x79: {  	_ =	shalt  }
0x7a: {  	_ =	shalt  }
0x7b: {  	_ =	shalt  }
0x7c: {  	_ =	shalt  }
0x7d: {  	_ =	shalt  }
0x7e: {  	_ =	shalt  }
0x7f: {  	_ =	shalt  }
0x80: {  	_ =	shalt  }
0x81: {  	_ =	shalt  }
0x82: {  	_ =	shalt  }
0x83: {  	_ =	shalt  }
0x84: {  	_ =	shalt  }
0x85: {  	_ =	shalt  }
0x86: {  	_ =	shalt  }
0x87: {  	_ =	shalt  }
.Lfunc_end0:
.L_simem_size_0:
called_computation_lowered:
.L_overlay_start_0:
0x88: {  	s2 =	sld [smem:$0x3FD9]  }
0x89: {  	s3 =	sld [smem:$0x3FFE];
	_ =	sdelay $0x1  }
0x8a: {  	s1 =	srdreg.scid  }
0x8b: {  	s0 =	sand.u32 $0x1, s1  }
0x8c: {  	s17 =	sshll.u32 s0, $0xA;
	s2 =	sadd.s32 s3, s2  }
0x8d: {  	s2 =	sadd.s32 s2, s17  }
0x8e: {  	[smem:$0x3FC5] =	sst s2  }
0x8f: {  	_ = 	snop  }
0x90: {  	s2 =	sld [smem:$0x3FC9]  }
0x91: {  	s18 =	sld [smem:$0x3FC7]  }
0x92: {  	s4 =	sld [smem:$0x3FD0];
	(tm) =	ssettm $0x1  }
0x93: {  	s5 =	sld [smem:$0x3FFB];
	_ =	sdelay $0x3  }
0x94: {  	_ =	strace s5  }
0x95: {  	s5 =	sld [smem:$0x3FFC];
	_ =	sdelay $0x3  }
0x96: {  	_ =	strace s5  }
0x97: {  	s5 =	sld [smem:$0x3FFD];
	_ =	sdelay $0x3  }
0x98: {  	_ =	strace s5  }
0x99: {  	_ =	strace $0x8FFFFFFF  }
0x9a: {  	s19 =	sld [smem:$0x3FDB];
	_ =	sdelay $0x1  }
0x9b: {  	s6 =	simm.s32 $_scs_section_size  }
0x9c: {  	s7 =	simm.s32 $_size__tile_overlayer_lowered;
	s8 =	simm.s32 $_tile_overlayer_lowered  }
0x9d: {  	s22 =	simm.s32 $0x1BFF;
	s21 =	sshll.u32 s8, $0x1;
	s5 =	sadd.s32 s6, s19  }
0x9e: {  	s9 =	simm.s32 $0x0;
	s20 =	sshll.u32 s7, $0x1;
	s7 =	sadd.s32 s21, s5  }
0x9f: {  	[timem:s9], [sflag:s22] =	dma.local [hbm:s7], s20  }
0xa0: {  	_ =	swait.ge [sflag:s22], s20  }
0xa1: {  	s6 =	ssub.s32 $0x0, s20;
	[sflag:s22] =	ssyncset.done $0x0  }
0xa2: {  	[sflag:s22] =	ssyncadd.s32 s6;
	_ =	sdelay $0x1  }
0xa3: {  	s23 =	simm.s32 $0x1B8B  }
0xa4: {  	_ =	swait.ge [sflag:s23], $0x1  }
0xa5: {  	[sflag:s23] =	ssyncset.done $0x0  }
0xa6: {  	s25 =	simm.s32 $0x1B8E;
	s24 =	sld [smem:$0x3FFE];
	[sflag:s23] =	ssyncadd.s32 $0xFFFFFFFF  }
0xa7: {  	s26 =	simm.s32 $execute0_lowered;
	[smem:$0x3FD2] =	sst s25  }
0xa8: {  	s7 =	sshll.u32 s26, $0x1;
	_ =	strace $0x80000046;
	[dreg:$0x1] =	wrdreg $0xFFFFFFFF  }
0xa9: {  	s28 =	simm.s32 $_size_execute0_lowered;
	s5 =	sadd.s32 s5, s7;
	[dreg:$0x0] =	wrdreg $0x0  }
0xaa: {  	s7 =	sshll.u32 s28, $0x1;
	[dreg:$0x2] =	wrdreg s5  }
0xab: {  	[dreg:$0x3] =	wrdreg s7  }
0xac: {  	[dreg:$0x4] =	wrdreg $0xC0  }
0xad: {  	_ =	task [dreg:s9], $0x5FFFF  }
0xae: {  	[dreg:$0x1] =	wrdreg $0xFFFFFFFF  }
0xaf: {  	[dreg:$0x0] =	wrdreg $0x60  }
0xb0: {  	[dreg:$0x2] =	wrdreg s2  }
0xb1: {  	[dreg:$0x3] =	wrdreg s24  }
0xb2: {  	[dreg:$0x4] =	wrdreg s18  }
0xb3: {  	[dreg:$0x5] =	wrdreg s4  }
0xb4: {  	[dreg:$0x6] =	wrdreg $0x9  }
0xb5: {  	_ =	task.clear_ibuf [dreg:s9], $0x7FFFF;
	_ =	strace $0x90000046  }
0xb6: {  	s29 =	simm.s32 $0x9;
	_ =	strace $0x80000048  }
0xb7: {  	_ =	swait.ge [sflag:s29], $0x1  }
0xb8: {  	[sflag:s29] =	ssyncadd.s32 $0xFFFFFFFF  }
0xb9: {  	_ =	strace $0x90000048  }
0xba: {  	_ =	sfence  }
0xbb: {  	s30 =	sld [smem:$0x0];
	_ =	sdelay $0x2  }
0xbc: {  	s31 =	sshll.u32 s1, $0xD;
	s1 =	sshrl.u32 s1, $0x2  }
0xbd: {  	s3 =	sand.u32 $0x4000, s31;
	s1 =	sadd.s32 s1, s30  }
0xbe: {  	s0 =	sor.u32 s3, s0;
	s1 =	sshll.u32 s1, $0x11  }
0xbf: {  	s0 =	sor.u32 s1, s0  }
0xc0: {  	s0 =	sadd.s32 $0x8F2B, s0  }
0xc1: {  	[sflag:s0] =	ssyncadd.remote.s32 $0x1  }
0xc2: {  	_ =	sfence.sel $0xFFFF  }
0xc3: {  	[dreg:$0x0] =	wrdreg $0xFFFFFFFF;
	(pc) =	sbr.abs _section_cstart, $3  }
0xc4: {  	[dreg:$0x1] =	wrdreg $0xFFFFFFFF  }
0xc5: {  	_ =	task.clear_ibuf [dreg:s9], $0x2FFFF;
	_ =	strace $0x9FFFFFFF  }
0xc6: {  	(tm) =	ssettm $0x7FFFFFFF  }
0xc7: {  	_ =	shalt  }
tec
execute0_lowered:
.L_overlay_start_1:
0x0: {  	(tag) =	ssettag $0x1  }
0x1: {  	s5 =	rddreg [dreg:$0x0]  }
0x2: {  	s4 =	rddreg [dreg:$0x1]  }
0x3: {  	s1 =	rddreg [dreg:$0x2]  }
0x4: {  	s6 =	rddreg [dreg:$0x3]  }
0x5: {  	s3 =	simm.s32 $0x0;
	s7 =	srdreg.scid;
	s2 =	stileid.u32  }
0x6: {  	s11 =	simm.s32 $0x400;
	s12 =	simm.s32 $0x280;
	s13 =	simm.s32 $0x4400  }
0x7: {  	s14 =	simm.s32 $0x10480;
	s15 =	simm.s32 $0x300;
	s16 =	simm.s32 $0x8400  }
0x8: {  	s17 =	simm.s32 $0x100;
	s18 =	simm.s32 $0x10500;
	s19 =	simm.s32 $0x380  }
0x9: {  	s20 =	simm.s32 $0xC400;
	s21 =	simm.s32 $0x180;
	s22 =	simm.s32 $0x10580  }
0xa: {  	s23 =	simm.s32 $0x1;
	s24 =	simm.s32 $0x10600;
	s25 =	simm.s32 $0x0  }
0xb: {  	[smem:$0x7FF] =	sst s3;
	s7 =	sand.u32 $0x1, s7;
	s9 =	sshll.u32 s2, $0xA  }
0xc: {  	s4 =	sadd.s32 $0x400, s4;
	s8 =	ssub.s32 $0x2, s7;
	s7 =	sshll.u32 s7, $0x9  }
0xd: {  	_ =	strace $0x80000047;
	s10 =	sshrl.u32 s8, $0x1;
	s7 =	sor.u32 s7, s9  }
0xe: {  	s8 =	ssub.s32 s8, s10;
	s9 =	sshrl.u32 s7, $0x3;
	s7 =	sshll.u32 s7, $0x3  }
0xf: {  	s10 =	simm.s32 $0x200;
	s5 =	sadd.s32 s5, s9;
	s6 =	sadd.s32 s6, s7  }
0x10: {  	s7 =	smax.u32 s8, $0x1;
	s8 =	simm.s32 $0x2;
	s9 =	simm.s32 $0x80  }
.LBB2_1:
0x11: {  	[tilespmem:s3], [sflag:$0x2] =	stream.linear.gather [hbm4b:s5+s3], $0x200, $0x38;
	[tilespmem:$0x18600] =	vst v63  }
0x12: {  	_ =	swait.ge [sflag:s8], $0x200  }
0x13: {  	[sflag:s8] =	ssyncset.done $0x0  }
0x14: {  	[sflag:s8] =	ssyncadd.s32 $0xFFFFFE00  }
0x15: {  	v0 =	vld [tilespmem:$0x0]  }
0x16: {  	v1 =	vld [tilespmem:$0x10]  }
0x17: {  	v2 =	vld [tilespmem:$0x20]  }
0x18: {  	v3 =	vld [tilespmem:$0x30]  }
0x19: {  	v5 =	vld [tilespmem:$0x40]  }
0x1a: {  	v7 =	vld [tilespmem:$0x50]  }
0x1b: {  	v8 =	vld [tilespmem:$0x60]  }
0x1c: {  	v63 =	vld [tilespmem:$0x70]  }
0x1d: {  	v10 =	vld [tilespmem:$0x80]  }
0x1e: {  	v11 =	vld [tilespmem:$0x90]  }
0x1f: {  	v20 =	vld [tilespmem:$0xA0]  }
0x20: {  	v13 =	vld [tilespmem:$0xB0];
	v4 =	vshrl.u32 v0, $0x1  }
0x21: {  	v14 =	vld [tilespmem:$0xC0];
	v0 =	vand.u32 $0x3FFF, v0;
	v6 =	vshrl.u32 v1, $0x1;
	v61 =	vshrl.u32 v2, $0x1  }
0x22: {  	v25 =	vld [tilespmem:$0xD0];
	v1 =	vand.u32 $0x3FFF, v1;
	v2 =	vand.u32 $0x3FFF, v2;
	v62 =	vshrl.u32 v3, $0x1  }
0x23: {  	v15 =	vld [tilespmem:$0xE0];
	v3 =	vand.u32 $0x3FFF, v3;
	v9 =	vshrl.u32 v5, $0x1;
	v17 =	vshrl.u32 v7, $0x1  }
0x24: {  	v34 =	vld [tilespmem:$0xF0];
	v5 =	vand.u32 $0x3FFF, v5;
	v7 =	vand.u32 $0x3FFF, v7;
	v19 =	vshrl.u32 v8, $0x1  }
0x25: {  	v37 =	vld [tilespmem:$0x100];
	v8 =	vand.u32 $0x3FFF, v8;
	v12 =	vshrl.u32 v63, $0x1;
	v22 =	vshrl.u32 v10, $0x1  }
0x26: {  	v40 =	vld [tilespmem:$0x110];
	v10 =	vand.u32 $0x3FFF, v10;
	v24 =	vshrl.u32 v11, $0x1;
	v27 =	vand.u32 $0x3FFF, v11  }
0x27: {  	v28 =	vshrl.u32 v20, $0x1;
	v30 =	vshrl.u32 v13, $0x1;
	v31 =	vand.u32 $0x3FFF, v20  }
0x28: {  	v33 =	vand.u32 $0x3FFF, v13;
	v36 =	vshrl.u32 v14, $0x1;
	v38 =	vand.u32 $0x3FFF, v14  }
0x29: {  	v39 =	vshrl.u32 v25, $0x1;
	v42 =	vshrl.u32 v15, $0x1;
	v43 =	vand.u32 $0x3FFF, v25  }
0x2a: {  	v45 =	vld [tilespmem:$0x120];
	v44 =	vand.u32 $0x3FFF, v15;
	v46 =	vshrl.u32 v34, $0x1;
	v48 =	vand.u32 $0x3FFF, v34  }
0x2b: {  	v47 =	vld [tilespmem:$0x130];
	v49 =	vshrl.u32 v37, $0x1;
	v53 =	vshrl.u32 v40, $0x1;
	v4 =	vand.u32 $0x7FFFC000, v4  }
0x2c: {  	v50 =	vld [tilespmem:$0x140];
	v54 =	vand.u32 $0x3FFF, v37;
	v60 =	vand.u32 $0x7FFFC000, v6;
	v0 =	vor.u32 v0, v4  }
0x2d: {  	v56 =	vld [tilespmem:$0x150];
	v55 =	vand.u32 $0x3FFF, v40;
	v6 =	vand.u32 $0x7FFFC000, v61;
	v1 =	vor.u32 v1, v60;
	[tilespmem:$0x200] =	vst v0  }
0x2e: {  	v16 =	vand.u32 $0x7FFFC000, v9;
	v9 =	vand.u32 $0x7FFFC000, v17;
	v2 =	vor.u32 v2, v6;
	[tilespmem:$0x210] =	vst v1  }
0x2f: {  	v21 =	vand.u32 $0x7FFFC000, v12;
	v12 =	vand.u32 $0x7FFFC000, v22;
	v18 =	vor.u32 v7, v9;
	[tilespmem:$0x220] =	vst v2  }
0x30: {  	v58 =	vshrl.u32 v45, $0x1;
	v32 =	vand.u32 $0x7FFFC000, v30;
	v23 =	vor.u32 v10, v12;
	[tilespmem:$0x250] =	vst v18  }
0x31: {  	v14 =	vshrl.u32 v50, $0x1;
	v4 =	vand.u32 $0x7FFFC000, v62;
	v35 =	vor.u32 v33, v32;
	[tilespmem:$0x280] =	vst v23  }
0x32: {  	v59 =	vld [tilespmem:$0x160];
	v15 =	vand.u32 $0x3FFF, v47;
	v20 =	vshrl.u32 v56, $0x1;
	v3 =	vor.u32 v3, v4;
	[tilespmem:$0x2B0] =	vst v35  }
0x33: {  	v26 =	vand.u32 $0x7FFFC000, v24;
	v7 =	vand.u32 $0x7FFFC000, v19;
	v4 =	vor.u32 v5, v16;
	[tilespmem:$0x230] =	vst v3  }
0x34: {  	v29 =	vand.u32 $0x7FFFC000, v28;
	v6 =	vand.u32 $0x3FFF, v63;
	v7 =	vor.u32 v8, v7;
	[tilespmem:$0x240] =	vst v4  }
0x35: {  	v41 =	vand.u32 $0x7FFFC000, v39;
	v52 =	vand.u32 $0x7FFFC000, v49;
	v6 =	vor.u32 v6, v21;
	[tilespmem:$0x260] =	vst v7  }
0x36: {  	v61 =	vand.u32 $0x3FFF, v45;
	v22 =	vand.u32 $0x7FFFC000, v20;
	v0 =	vor.u32 v27, v26;
	[tilespmem:$0x270] =	vst v6  }
0x37: {  	v24 =	vshrl.u32 v59, $0x1;
	v28 =	vand.u32 $0x3FFF, v59;
	v1 =	vor.u32 v31, v29;
	[tilespmem:$0x290] =	vst v0  }
0x38: {  	v25 =	vld [tilespmem:$0x1A0];
	v60 =	vand.u32 $0x7FFFC000, v58;
	v5 =	vand.u32 $0x7FFFC000, v42;
	v4 =	vor.u32 v43, v41;
	[tilespmem:$0x2A0] =	vst v1  }
0x39: {  	v34 =	vld [tilespmem:$0x1C0];
	v62 =	vshrl.u32 v47, $0x1;
	v8 =	vand.u32 $0x7FFFC000, v53;
	v5 =	vor.u32 v44, v5;
	[tilespmem:$0x2D0] =	vst v4  }
0x3a: {  	v37 =	vld [tilespmem:$0x1D0];
	v13 =	vand.u32 $0x7FFFC000, v62;
	v16 =	vand.u32 $0x3FFF, v50;
	v1 =	vor.u32 v54, v52;
	[tilespmem:$0x2E0] =	vst v5  }
0x3b: {  	v23 =	vand.u32 $0x3FFF, v56;
	v26 =	vand.u32 $0x7FFFC000, v24;
	v57 =	vor.u32 v55, v8;
	[tilespmem:$0x300] =	vst v1  }
0x3c: {  	v17 =	vld [tilespmem:$0x180];
	v3 =	vand.u32 $0x7FFFC000, v36;
	v6 =	vand.u32 $0x7FFFC000, v46;
	v18 =	vor.u32 v15, v13;
	[tilespmem:$0x310] =	vst v57  }
0x3d: {  	v30 =	vld [tilespmem:$0x1B0];
	v31 =	vor.u32 v28, v26;
	v3 =	vor.u32 v38, v3;
	v51 =	vor.u32 v48, v6;
	[tilespmem:$0x330] =	vst v18  }
0x3e: {  	v63 =	vld [tilespmem:$0x170];
	v6 =	vand.u32 $0x7FFFC000, v14;
	v1 =	vor.u32 v23, v22;
	v40 =	vshrl.u32 v25, $0x1;
	[tilespmem:$0x360] =	vst v31  }
0x3f: {  	v42 =	vand.u32 $0x3FFF, v25;
	v49 =	vshrl.u32 v34, $0x1;
	v52 =	vshrl.u32 v37, $0x1;
	[tilespmem:$0x2C0] =	vst v3  }
0x40: {  	v53 =	vand.u32 $0x3FFF, v34;
	v54 =	vand.u32 $0x3FFF, v37;
	v3 =	vor.u32 v61, v60;
	[tilespmem:$0x2F0] =	vst v51  }
0x41: {  	v21 =	vld [tilespmem:$0x190];
	v19 =	vor.u32 v16, v6;
	v33 =	vshrl.u32 v17, $0x1;
	v35 =	vand.u32 $0x3FFF, v17;
	[tilespmem:$0x350] =	vst v1  }
0x42: {  	v4 =	vand.u32 $0x7FFFC000, v40;
	v45 =	vshrl.u32 v30, $0x1;
	v48 =	vand.u32 $0x3FFF, v30;
	[tilespmem:$0x320] =	vst v3  }
0x43: {  	v43 =	vld [tilespmem:$0x1E0];
	v51 =	vand.u32 $0x7FFFC000, v49;
	v27 =	vshrl.u32 v63, $0x1;
	[tilespmem:$0x340] =	vst v19;
	v44 =	vor.u32 v42, v4  }
0x44: {  	v46 =	vld [tilespmem:$0x1F0];
	v29 =	vand.u32 $0x3FFF, v63;
	v3 =	vand.u32 $0x7FFFC000, v33;
	v55 =	vor.u32 v53, v51;
	[tilespmem:$0x3A0] =	vst v44  }
0x45: {  	v47 =	vand.u32 $0x7FFFC000, v45;
	v5 =	vand.u32 $0x7FFFC000, v27;
	v38 =	vor.u32 v35, v3;
	[tilespmem:$0x3C0] =	vst v55  }
0x46: {  	v36 =	vshrl.u32 v21, $0x1;
	v41 =	vand.u32 $0x3FFF, v21;
	v50 =	vor.u32 v48, v47;
	[tilespmem:$0x380] =	vst v38  }
0x47: {  	v3 =	vand.u32 $0x7FFFC000, v52;
	v32 =	vor.u32 v29, v5;
	v39 =	vand.u32 $0x7FFFC000, v36;
	[tilespmem:$0x3B0] =	vst v50  }
0x48: {  	v56 =	vor.u32 v54, v3;
	v57 =	vshrl.u32 v43, $0x1;
	v59 =	vand.u32 $0x3FFF, v43;
	[tilespmem:$0x370] =	vst v32  }
0x49: {  	v60 =	vshrl.u32 v46, $0x1;
	v0 =	vor.u32 v41, v39;
	v58 =	vand.u32 $0x7FFFC000, v57;
	[tilespmem:$0x3D0] =	vst v56  }
0x4a: {  	v62 =	vand.u32 $0x3FFF, v46;
	v61 =	vand.u32 $0x7FFFC000, v60;
	[tilespmem:$0x390] =	vst v0;
	v0 =	vor.u32 v59, v58  }
0x4b: {  	v63 =	vor.u32 v62, v61;
	[tilespmem:$0x3E0] =	vst v0  }
0x4c: {  	[tilespmem:$0x3F0] =	vst v63  }
0x4d: {  	[tilespmem:s11], [sflag:$0x1] =	stream.indirect.gather [hbm4b:s4+s9], $0x80, s10, s9, $0xb8;
	[tilespmem:$0x18600] =	vst v63  }
0x4e: {  	s26 =	simm.s32 $0x10400  }
0x4f: {  	[tilespmem:s26], [sflag:$0x1] =	stream.indirect.gather [hbm4b:s1+s9], $0x1, s3, s9, $0xb8;
	[tilespmem:$0x18600] =	vst v63  }
0x50: {  	_ = 	snop  }
0x51: {  	[tilespmem:s13], [sflag:$0x1] =	stream.indirect.gather [hbm4b:s4+s9], $0x80, s12, s9, $0xb8;
	[tilespmem:$0x18600] =	vst v63  }
0x52: {  	_ = 	snop  }
0x53: {  	[tilespmem:s14], [sflag:$0x1] =	stream.indirect.gather [hbm4b:s1+s9], $0x1, s9, s9, $0xb8;
	[tilespmem:$0x18600] =	vst v63  }
0x54: {  	_ = 	snop  }
0x55: {  	[tilespmem:s16], [sflag:$0x1] =	stream.indirect.gather [hbm4b:s4+s9], $0x80, s15, s9, $0xb8;
	[tilespmem:$0x18600] =	vst v63  }
0x56: {  	_ = 	snop  }
0x57: {  	[tilespmem:s18], [sflag:$0x1] =	stream.indirect.gather [hbm4b:s1+s9], $0x1, s17, s9, $0xb8;
	[tilespmem:$0x18600] =	vst v63  }
0x58: {  	_ = 	snop  }
0x59: {  	[tilespmem:s20], [sflag:$0x1] =	stream.indirect.gather [hbm4b:s4+s9], $0x80, s19, s9, $0xb8;
	[tilespmem:$0x18600] =	vst v63  }
0x5a: {  	_ = 	snop  }
0x5b: {  	[tilespmem:s22], [sflag:$0x1] =	stream.indirect.gather [hbm4b:s1+s9], $0x1, s21, s9, $0xb8;
	[tilespmem:$0x18600] =	vst v63  }
0x5c: {  	_ =	swait.ge [sflag:s23], $0x4000  }
0x5d: {  	[sflag:s23] =	ssyncset.done $0x0  }
0x5e: {  	[sflag:s23] =	ssyncadd.s32 $0xFFFFC000  }
0x5f: {  	_ =	swait.ge [sflag:s23], $0x80  }
0x60: {  	[sflag:s23] =	ssyncset.done $0x0  }
0x61: {  	[sflag:s23] =	ssyncadd.s32 $0xFFFFFF80  }
0x62: {  	_ =	swait.ge [sflag:s23], $0x4000  }
0x63: {  	[sflag:s23] =	ssyncset.done $0x0  }
0x64: {  	[sflag:s23] =	ssyncadd.s32 $0xFFFFC000  }
0x65: {  	_ =	swait.ge [sflag:s23], $0x80  }
0x66: {  	[sflag:s23] =	ssyncset.done $0x0  }
0x67: {  	[sflag:s23] =	ssyncadd.s32 $0xFFFFFF80  }
0x68: {  	_ =	swait.ge [sflag:s23], $0x4000  }
0x69: {  	[sflag:s23] =	ssyncset.done $0x0  }
0x6a: {  	[sflag:s23] =	ssyncadd.s32 $0xFFFFC000  }
0x6b: {  	_ =	swait.ge [sflag:s23], $0x80  }
0x6c: {  	[sflag:s23] =	ssyncset.done $0x0  }
0x6d: {  	[sflag:s23] =	ssyncadd.s32 $0xFFFFFF80  }
0x6e: {  	_ =	swait.ge [sflag:s23], $0x4000  }
0x6f: {  	[sflag:s23] =	ssyncset.done $0x0  }
0x70: {  	[sflag:s23] =	ssyncadd.s32 $0xFFFFC000  }
0x71: {  	_ =	swait.ge [sflag:s23], $0x80  }
0x72: {  	s28 =	simm.s32 $0x10800;
	[sflag:s23] =	ssyncset.done $0x0  }
0x73: {  	s29 =	simm.s32 $0x0;
	s30 =	simm.s32 $0x0;
	[sflag:s23] =	ssyncadd.s32 $0xFFFFFF80  }
.LBB2_2:
0x74: {  	v0 =	vld [tilespmem:s29+$0x0];
	_ =	sdelay $0x4  }
0x75: {  	v0 =	vshrl.u32 v0, $0x8  }
0x76: {  	s31 =	sshra.s32 s30, $0x2;
	v0 =	vand.u32 $0x40, v0  }
0x77: {  	v1 =	vadd.s32 s31, v0  }
0x78: {  	(v2sf) =	vpush v1, $0x1  }
0x79: {  	(v2sf) =	vpush v1, $0x0;
	_ =	sdelay $0xd  }
0x7a: {  	s31 =	spop (v2sf)  }
0x7b: {  	s0 =	spop (v2sf)  }
0x7c: {  	v2 =	vld [tilespmem:s0+$0x400];
	_ =	sdelay $0x3  }
0x7d: {  	v48 =	vld [tilespmem:s26+$0x0]  }
0x7e: {  	v2 =	vadd.f32 $1.258291200e+07, v2;
	_ =	sdelay $0x1  }
0x7f: {  	v2 =	vadd.f32 $-1.258291200e+07, v2;
	_ =	sdelay $0x1  }
0x80: {  	v3 =	vbroadcast v48, $0x0;
	v2 =	vmax.f32 v2, $-1.280000000e+02  }
0x81: {  	v2 =	vmin.f32 v2, $1.270000000e+02  }
0x82: {  	v2 =	vmul.f32 v2, v3;
	_ =	sdelay $0x1  }
0x83: {  	[tilespmem:s28+$0xFFFFFE00] =	vst v2  }
0x84: {  	v2 =	vld [tilespmem:s0+$0x410];
	_ =	sdelay $0x4  }
0x85: {  	v2 =	vadd.f32 $1.258291200e+07, v2;
	_ =	sdelay $0x1  }
0x86: {  	v2 =	vadd.f32 $-1.258291200e+07, v2;
	_ =	sdelay $0x1  }
0x87: {  	v2 =	vmax.f32 v2, $-1.280000000e+02  }
0x88: {  	v2 =	vmin.f32 v2, $1.270000000e+02  }
0x89: {  	v2 =	vmul.f32 v2, v3;
	_ =	sdelay $0x1  }
0x8a: {  	[tilespmem:s28+$0xFFFFFE10] =	vst v2  }
0x8b: {  	v2 =	vld [tilespmem:s0+$0x420];
	_ =	sdelay $0x4  }
0x8c: {  	v2 =	vadd.f32 $1.258291200e+07, v2;
	_ =	sdelay $0x1  }
0x8d: {  	v2 =	vadd.f32 $-1.258291200e+07, v2;
	_ =	sdelay $0x1  }
0x8e: {  	v2 =	vmax.f32 v2, $-1.280000000e+02  }
0x8f: {  	v2 =	vmin.f32 v2, $1.270000000e+02  }
0x90: {  	v2 =	vmul.f32 v2, v3;
	_ =	sdelay $0x1  }
0x91: {  	[tilespmem:s28+$0xFFFFFE20] =	vst v2  }
0x92: {  	v2 =	vld [tilespmem:s0+$0x430];
	_ =	sdelay $0x4  }
0x93: {  	v2 =	vadd.f32 $1.258291200e+07, v2;
	_ =	sdelay $0x1  }
0x94: {  	v2 =	vadd.f32 $-1.258291200e+07, v2;
	_ =	sdelay $0x1  }
0x95: {  	v2 =	vmax.f32 v2, $-1.280000000e+02  }
0x96: {  	v2 =	vmin.f32 v2, $1.270000000e+02  }
0x97: {  	v2 =	vmul.f32 v2, v3;
	_ =	sdelay $0x1  }
0x98: {  	[tilespmem:s28+$0xFFFFFE30] =	vst v2  }
0x99: {  	v2 =	vld [tilespmem:s31+$0x480];
	_ =	sdelay $0x4  }
0x9a: {  	v2 =	vadd.f32 $1.258291200e+07, v2;
	_ =	sdelay $0x1  }
0x9b: {  	v2 =	vadd.f32 $-1.258291200e+07, v2;
	_ =	sdelay $0x1  }
0x9c: {  	v49 =	vbroadcast v48, $0x1;
	v2 =	vmax.f32 v2, $-1.280000000e+02  }
0x9d: {  	v2 =	vmin.f32 v2, $1.270000000e+02  }
0x9e: {  	v2 =	vmul.f32 v2, v49;
	_ =	sdelay $0x1  }
0x9f: {  	[tilespmem:s28+$0xFFFFFE40] =	vst v2  }
0xa0: {  	v2 =	vld [tilespmem:s31+$0x490];
	_ =	sdelay $0x4  }
0xa1: {  	v2 =	vadd.f32 $1.258291200e+07, v2;
	_ =	sdelay $0x1  }
0xa2: {  	v2 =	vadd.f32 $-1.258291200e+07, v2;
	_ =	sdelay $0x1  }
0xa3: {  	v2 =	vmax.f32 v2, $-1.280000000e+02  }
0xa4: {  	v2 =	vmin.f32 v2, $1.270000000e+02  }
0xa5: {  	v2 =	vmul.f32 v2, v49;
	_ =	sdelay $0x1  }
0xa6: {  	[tilespmem:s28+$0xFFFFFE50] =	vst v2  }
0xa7: {  	v2 =	vld [tilespmem:s31+$0x4A0];
	_ =	sdelay $0x4  }
0xa8: {  	v2 =	vadd.f32 $1.258291200e+07, v2;
	_ =	sdelay $0x1  }
0xa9: {  	v2 =	vadd.f32 $-1.258291200e+07, v2;
	_ =	sdelay $0x1  }
0xaa: {  	v2 =	vmax.f32 v2, $-1.280000000e+02  }
0xab: {  	v2 =	vmin.f32 v2, $1.270000000e+02  }
0xac: {  	(v2sf) =	vpush v1, $0x3;
	v2 =	vmul.f32 v2, v49  }
0xad: {  	(v2sf) =	vpush v1, $0x2  }
0xae: {  	[tilespmem:s28+$0xFFFFFE60] =	vst v2  }
0xaf: {  	v2 =	vld [tilespmem:s31+$0x4B0];
	_ =	sdelay $0x4  }
0xb0: {  	v2 =	vadd.f32 $1.258291200e+07, v2;
	_ =	sdelay $0x1  }
0xb1: {  	v2 =	vadd.f32 $-1.258291200e+07, v2;
	_ =	sdelay $0x1  }
0xb2: {  	v2 =	vmax.f32 v2, $-1.280000000e+02  }
0xb3: {  	v2 =	vmin.f32 v2, $1.270000000e+02  }
0xb4: {  	v2 =	vmul.f32 v2, v49  }
0xb5: {  	s0 =	spop (v2sf)  }
0xb6: {  	s31 =	spop (v2sf);
	[tilespmem:s28+$0xFFFFFE70] =	vst v2  }
0xb7: {  	v2 =	vld [tilespmem:s31+$0x500];
	_ =	sdelay $0x4  }
0xb8: {  	v2 =	vadd.f32 $1.258291200e+07, v2;
	_ =	sdelay $0x1  }
0xb9: {  	v2 =	vadd.f32 $-1.258291200e+07, v2;
	_ =	sdelay $0x1  }
0xba: {  	v50 =	vbroadcast v48, $0x2;
	v2 =	vmax.f32 v2, $-1.280000000e+02  }
0xbb: {  	v2 =	vmin.f32 v2, $1.270000000e+02  }
0xbc: {  	v2 =	vmul.f32 v2, v50;
	_ =	sdelay $0x1  }
0xbd: {  	[tilespmem:s28+$0xFFFFFE80] =	vst v2  }
0xbe: {  	v2 =	vld [tilespmem:s31+$0x510];
	_ =	sdelay $0x4  }
0xbf: {  	v2 =	vadd.f32 $1.258291200e+07, v2;
	_ =	sdelay $0x1  }
0xc0: {  	v2 =	vadd.f32 $-1.258291200e+07, v2;
	_ =	sdelay $0x1  }
0xc1: {  	v2 =	vmax.f32 v2, $-1.280000000e+02  }
0xc2: {  	v2 =	vmin.f32 v2, $1.270000000e+02  }
0xc3: {  	v2 =	vmul.f32 v2, v50;
	_ =	sdelay $0x1  }
0xc4: {  	[tilespmem:s28+$0xFFFFFE90] =	vst v2  }
0xc5: {  	v2 =	vld [tilespmem:s31+$0x520];
	_ =	sdelay $0x4  }
0xc6: {  	v2 =	vadd.f32 $1.258291200e+07, v2;
	_ =	sdelay $0x1  }
0xc7: {  	v2 =	vadd.f32 $-1.258291200e+07, v2;
	_ =	sdelay $0x1  }
0xc8: {  	v2 =	vmax.f32 v2, $-1.280000000e+02  }
0xc9: {  	v2 =	vmin.f32 v2, $1.270000000e+02  }
0xca: {  	v2 =	vmul.f32 v2, v50;
	_ =	sdelay $0x1  }
0xcb: {  	[tilespmem:s28+$0xFFFFFEA0] =	vst v2  }
0xcc: {  	v2 =	vld [tilespmem:s31+$0x530];
	_ =	sdelay $0x4  }
0xcd: {  	v2 =	vadd.f32 $1.258291200e+07, v2;
	_ =	sdelay $0x1  }
0xce: {  	v2 =	vadd.f32 $-1.258291200e+07, v2;
	_ =	sdelay $0x1  }
0xcf: {  	v2 =	vmax.f32 v2, $-1.280000000e+02  }
0xd0: {  	v2 =	vmin.f32 v2, $1.270000000e+02  }
0xd1: {  	v2 =	vmul.f32 v2, v50;
	_ =	sdelay $0x1  }
0xd2: {  	[tilespmem:s28+$0xFFFFFEB0] =	vst v2  }
0xd3: {  	v2 =	vld [tilespmem:s0+$0x580];
	_ =	sdelay $0x4  }
0xd4: {  	v2 =	vadd.f32 $1.258291200e+07, v2;
	_ =	sdelay $0x1  }
0xd5: {  	v2 =	vadd.f32 $-1.258291200e+07, v2;
	_ =	sdelay $0x1  }
0xd6: {  	v51 =	vbroadcast v48, $0x3;
	v2 =	vmax.f32 v2, $-1.280000000e+02  }
0xd7: {  	v2 =	vmin.f32 v2, $1.270000000e+02  }
0xd8: {  	v2 =	vmul.f32 v2, v51;
	_ =	sdelay $0x1  }
0xd9: {  	[tilespmem:s28+$0xFFFFFEC0] =	vst v2  }
0xda: {  	v2 =	vld [tilespmem:s0+$0x590];
	_ =	sdelay $0x4  }
0xdb: {  	v2 =	vadd.f32 $1.258291200e+07, v2;
	_ =	sdelay $0x1  }
0xdc: {  	v2 =	vadd.f32 $-1.258291200e+07, v2;
	_ =	sdelay $0x1  }
0xdd: {  	v2 =	vmax.f32 v2, $-1.280000000e+02  }
0xde: {  	v2 =	vmin.f32 v2, $1.270000000e+02  }
0xdf: {  	v2 =	vmul.f32 v2, v51;
	_ =	sdelay $0x1  }
0xe0: {  	[tilespmem:s28+$0xFFFFFED0] =	vst v2  }
0xe1: {  	v2 =	vld [tilespmem:s0+$0x5A0];
	_ =	sdelay $0x4  }
0xe2: {  	v2 =	vadd.f32 $1.258291200e+07, v2;
	_ =	sdelay $0x1  }
0xe3: {  	v2 =	vadd.f32 $-1.258291200e+07, v2;
	_ =	sdelay $0x1  }
0xe4: {  	v2 =	vmax.f32 v2, $-1.280000000e+02  }
0xe5: {  	v2 =	vmin.f32 v2, $1.270000000e+02  }
0xe6: {  	(v2sf) =	vpush v1, $0x5;
	v2 =	vmul.f32 v2, v51  }
0xe7: {  	(v2sf) =	vpush v1, $0x4  }
0xe8: {  	[tilespmem:s28+$0xFFFFFEE0] =	vst v2  }
0xe9: {  	v2 =	vld [tilespmem:s0+$0x5B0];
	_ =	sdelay $0x4  }
0xea: {  	v2 =	vadd.f32 $1.258291200e+07, v2;
	_ =	sdelay $0x1  }
0xeb: {  	v2 =	vadd.f32 $-1.258291200e+07, v2;
	_ =	sdelay $0x1  }
0xec: {  	v2 =	vmax.f32 v2, $-1.280000000e+02  }
0xed: {  	v2 =	vmin.f32 v2, $1.270000000e+02  }
0xee: {  	v2 =	vmul.f32 v2, v51  }
0xef: {  	s0 =	spop (v2sf)  }
0xf0: {  	s31 =	spop (v2sf);
	[tilespmem:s28+$0xFFFFFEF0] =	vst v2  }
0xf1: {  	v2 =	vld [tilespmem:s31+$0x600];
	_ =	sdelay $0x4  }
0xf2: {  	v2 =	vadd.f32 $1.258291200e+07, v2;
	_ =	sdelay $0x1  }
0xf3: {  	v2 =	vadd.f32 $-1.258291200e+07, v2;
	_ =	sdelay $0x1  }
0xf4: {  	v52 =	vbroadcast v48, $0x4;
	v2 =	vmax.f32 v2, $-1.280000000e+02  }
0xf5: {  	v2 =	vmin.f32 v2, $1.270000000e+02  }
0xf6: {  	v2 =	vmul.f32 v2, v52;
	_ =	sdelay $0x1  }
0xf7: {  	[tilespmem:s28+$0xFFFFFF00] =	vst v2  }
0xf8: {  	v2 =	vld [tilespmem:s31+$0x610];
	_ =	sdelay $0x4  }
0xf9: {  	v2 =	vadd.f32 $1.258291200e+07, v2;
	_ =	sdelay $0x1  }
0xfa: {  	v2 =	vadd.f32 $-1.258291200e+07, v2;
	_ =	sdelay $0x1  }
0xfb: {  	v2 =	vmax.f32 v2, $-1.280000000e+02  }
0xfc: {  	v2 =	vmin.f32 v2, $1.270000000e+02  }
0xfd: {  	v2 =	vmul.f32 v2, v52;
	_ =	sdelay $0x1  }
0xfe: {  	[tilespmem:s28+$0xFFFFFF10] =	vst v2  }
0xff: {  	v2 =	vld [tilespmem:s31+$0x620];
	_ =	sdelay $0x4  }
0x100: {  	v2 =	vadd.f32 $1.258291200e+07, v2;
	_ =	sdelay $0x1  }
0x101: {  	v2 =	vadd.f32 $-1.258291200e+07, v2;
	_ =	sdelay $0x1  }
0x102: {  	v2 =	vmax.f32 v2, $-1.280000000e+02  }
0x103: {  	v2 =	vmin.f32 v2, $1.270000000e+02  }
0x104: {  	v2 =	vmul.f32 v2, v52;
	_ =	sdelay $0x1  }
0x105: {  	[tilespmem:s28+$0xFFFFFF20] =	vst v2  }
0x106: {  	v2 =	vld [tilespmem:s31+$0x630];
	_ =	sdelay $0x4  }
0x107: {  	v2 =	vadd.f32 $1.258291200e+07, v2;
	_ =	sdelay $0x1  }
0x108: {  	v2 =	vadd.f32 $-1.258291200e+07, v2;
	_ =	sdelay $0x1  }
0x109: {  	v2 =	vmax.f32 v2, $-1.280000000e+02  }
0x10a: {  	v2 =	vmin.f32 v2, $1.270000000e+02  }
0x10b: {  	v2 =	vmul.f32 v2, v52;
	_ =	sdelay $0x1  }
0x10c: {  	[tilespmem:s28+$0xFFFFFF30] =	vst v2  }
0x10d: {  	v2 =	vld [tilespmem:s0+$0x680];
	_ =	sdelay $0x4  }
0x10e: {  	v2 =	vadd.f32 $1.258291200e+07, v2;
	_ =	sdelay $0x1  }
0x10f: {  	v2 =	vadd.f32 $-1.258291200e+07, v2;
	_ =	sdelay $0x1  }
0x110: {  	v53 =	vbroadcast v48, $0x5;
	v2 =	vmax.f32 v2, $-1.280000000e+02  }
0x111: {  	v2 =	vmin.f32 v2, $1.270000000e+02  }
0x112: {  	v2 =	vmul.f32 v2, v53;
	_ =	sdelay $0x1  }
0x113: {  	[tilespmem:s28+$0xFFFFFF40] =	vst v2  }
0x114: {  	v2 =	vld [tilespmem:s0+$0x690];
	_ =	sdelay $0x4  }
0x115: {  	v2 =	vadd.f32 $1.258291200e+07, v2;
	_ =	sdelay $0x1  }
0x116: {  	v2 =	vadd.f32 $-1.258291200e+07, v2;
	_ =	sdelay $0x1  }
0x117: {  	v2 =	vmax.f32 v2, $-1.280000000e+02  }
0x118: {  	v2 =	vmin.f32 v2, $1.270000000e+02  }
0x119: {  	v2 =	vmul.f32 v2, v53;
	_ =	sdelay $0x1  }
0x11a: {  	[tilespmem:s28+$0xFFFFFF50] =	vst v2  }
0x11b: {  	v2 =	vld [tilespmem:s0+$0x6A0];
	_ =	sdelay $0x4  }
0x11c: {  	v2 =	vadd.f32 $1.258291200e+07, v2;
	_ =	sdelay $0x1  }
0x11d: {  	v2 =	vadd.f32 $-1.258291200e+07, v2;
	_ =	sdelay $0x1  }
0x11e: {  	v2 =	vmax.f32 v2, $-1.280000000e+02  }
0x11f: {  	v2 =	vmin.f32 v2, $1.270000000e+02  }
0x120: {  	(v2sf) =	vpush v1, $0x7;
	v2 =	vmul.f32 v2, v53  }
0x121: {  	(v2sf) =	vpush v1, $0x6  }
0x122: {  	[tilespmem:s28+$0xFFFFFF60] =	vst v2  }
0x123: {  	v2 =	vld [tilespmem:s0+$0x6B0];
	_ =	sdelay $0x4  }
0x124: {  	v2 =	vadd.f32 $1.258291200e+07, v2;
	_ =	sdelay $0x1  }
0x125: {  	v2 =	vadd.f32 $-1.258291200e+07, v2;
	_ =	sdelay $0x1  }
0x126: {  	v2 =	vmax.f32 v2, $-1.280000000e+02  }
0x127: {  	v2 =	vmin.f32 v2, $1.270000000e+02  }
0x128: {  	v2 =	vmul.f32 v2, v53  }
0x129: {  	s0 =	spop (v2sf)  }
0x12a: {  	s31 =	spop (v2sf);
	[tilespmem:s28+$0xFFFFFF70] =	vst v2  }
0x12b: {  	v2 =	vld [tilespmem:s31+$0x700];
	_ =	sdelay $0x4  }
0x12c: {  	v2 =	vadd.f32 $1.258291200e+07, v2;
	_ =	sdelay $0x1  }
0x12d: {  	v2 =	vadd.f32 $-1.258291200e+07, v2;
	_ =	sdelay $0x1  }
0x12e: {  	v54 =	vbroadcast v48, $0x6;
	v2 =	vmax.f32 v2, $-1.280000000e+02  }
0x12f: {  	v2 =	vmin.f32 v2, $1.270000000e+02  }
0x130: {  	v2 =	vmul.f32 v2, v54;
	_ =	sdelay $0x1  }
0x131: {  	[tilespmem:s28+$0xFFFFFF80] =	vst v2  }
0x132: {  	v2 =	vld [tilespmem:s31+$0x710];
	_ =	sdelay $0x4  }
0x133: {  	v2 =	vadd.f32 $1.258291200e+07, v2;
	_ =	sdelay $0x1  }
0x134: {  	v2 =	vadd.f32 $-1.258291200e+07, v2;
	_ =	sdelay $0x1  }
0x135: {  	v2 =	vmax.f32 v2, $-1.280000000e+02  }
0x136: {  	v2 =	vmin.f32 v2, $1.270000000e+02  }
0x137: {  	v2 =	vmul.f32 v2, v54;
	_ =	sdelay $0x1  }
0x138: {  	[tilespmem:s28+$0xFFFFFF90] =	vst v2  }
0x139: {  	v2 =	vld [tilespmem:s31+$0x720];
	_ =	sdelay $0x4  }
0x13a: {  	v2 =	vadd.f32 $1.258291200e+07, v2;
	_ =	sdelay $0x1  }
0x13b: {  	v2 =	vadd.f32 $-1.258291200e+07, v2;
	_ =	sdelay $0x1  }
0x13c: {  	v2 =	vmax.f32 v2, $-1.280000000e+02  }
0x13d: {  	v2 =	vmin.f32 v2, $1.270000000e+02  }
0x13e: {  	v2 =	vmul.f32 v2, v54;
	_ =	sdelay $0x1  }
0x13f: {  	[tilespmem:s28+$0xFFFFFFA0] =	vst v2  }
0x140: {  	v2 =	vld [tilespmem:s31+$0x730];
	_ =	sdelay $0x4  }
0x141: {  	v2 =	vadd.f32 $1.258291200e+07, v2;
	_ =	sdelay $0x1  }
0x142: {  	v2 =	vadd.f32 $-1.258291200e+07, v2;
	_ =	sdelay $0x1  }
0x143: {  	v2 =	vmax.f32 v2, $-1.280000000e+02  }
0x144: {  	v2 =	vmin.f32 v2, $1.270000000e+02  }
0x145: {  	v2 =	vmul.f32 v2, v54;
	_ =	sdelay $0x1  }
0x146: {  	[tilespmem:s28+$0xFFFFFFB0] =	vst v2  }
0x147: {  	v2 =	vld [tilespmem:s0+$0x780];
	_ =	sdelay $0x4  }
0x148: {  	v2 =	vadd.f32 $1.258291200e+07, v2;
	_ =	sdelay $0x1  }
0x149: {  	v2 =	vadd.f32 $-1.258291200e+07, v2;
	_ =	sdelay $0x1  }
0x14a: {  	v55 =	vbroadcast v48, $0x7;
	v2 =	vmax.f32 v2, $-1.280000000e+02  }
0x14b: {  	v2 =	vmin.f32 v2, $1.270000000e+02  }
0x14c: {  	v2 =	vmul.f32 v2, v55;
	_ =	sdelay $0x1  }
0x14d: {  	[tilespmem:s28+$0xFFFFFFC0] =	vst v2  }
0x14e: {  	v2 =	vld [tilespmem:s0+$0x790];
	_ =	sdelay $0x4  }
0x14f: {  	v2 =	vadd.f32 $1.258291200e+07, v2;
	_ =	sdelay $0x1  }
0x150: {  	v2 =	vadd.f32 $-1.258291200e+07, v2;
	_ =	sdelay $0x1  }
0x151: {  	v2 =	vmax.f32 v2, $-1.280000000e+02  }
0x152: {  	v2 =	vmin.f32 v2, $1.270000000e+02  }
0x153: {  	v2 =	vmul.f32 v2, v55;
	_ =	sdelay $0x1  }
0x154: {  	[tilespmem:s28+$0xFFFFFFD0] =	vst v2  }
0x155: {  	v2 =	vld [tilespmem:s0+$0x7A0];
	_ =	sdelay $0x4  }
0x156: {  	v2 =	vadd.f32 $1.258291200e+07, v2;
	_ =	sdelay $0x1  }
0x157: {  	v2 =	vadd.f32 $-1.258291200e+07, v2;
	_ =	sdelay $0x1  }
0x158: {  	v2 =	vmax.f32 v2, $-1.280000000e+02  }
0x159: {  	v2 =	vmin.f32 v2, $1.270000000e+02  }
0x15a: {  	(v2sf) =	vpush v1, $0x9;
	v2 =	vmul.f32 v2, v55  }
0x15b: {  	(v2sf) =	vpush v1, $0x8  }
0x15c: {  	[tilespmem:s28+$0xFFFFFFE0] =	vst v2  }
0x15d: {  	v2 =	vld [tilespmem:s0+$0x7B0];
	_ =	sdelay $0x4  }
0x15e: {  	v2 =	vadd.f32 $1.258291200e+07, v2;
	_ =	sdelay $0x1  }
0x15f: {  	v2 =	vadd.f32 $-1.258291200e+07, v2;
	_ =	sdelay $0x1  }
0x160: {  	v2 =	vmax.f32 v2, $-1.280000000e+02  }
0x161: {  	v2 =	vmin.f32 v2, $1.270000000e+02  }
0x162: {  	v2 =	vmul.f32 v2, v55  }
0x163: {  	s0 =	spop (v2sf)  }
0x164: {  	s31 =	spop (v2sf);
	[tilespmem:s28+$0xFFFFFFF0] =	vst v2  }
0x165: {  	v2 =	vld [tilespmem:s31+$0x800];
	_ =	sdelay $0x4  }
0x166: {  	v2 =	vadd.f32 $1.258291200e+07, v2;
	_ =	sdelay $0x1  }
0x167: {  	v2 =	vadd.f32 $-1.258291200e+07, v2;
	_ =	sdelay $0x1  }
0x168: {  	v56 =	vbroadcast v48, $0x8;
	v2 =	vmax.f32 v2, $-1.280000000e+02  }
0x169: {  	v2 =	vmin.f32 v2, $1.270000000e+02  }
0x16a: {  	v2 =	vmul.f32 v2, v56;
	_ =	sdelay $0x1  }
0x16b: {  	[tilespmem:s28+$0x0] =	vst v2  }
0x16c: {  	v2 =	vld [tilespmem:s31+$0x810];
	_ =	sdelay $0x4  }
0x16d: {  	v2 =	vadd.f32 $1.258291200e+07, v2;
	_ =	sdelay $0x1  }
0x16e: {  	v2 =	vadd.f32 $-1.258291200e+07, v2;
	_ =	sdelay $0x1  }
0x16f: {  	v2 =	vmax.f32 v2, $-1.280000000e+02  }
0x170: {  	v2 =	vmin.f32 v2, $1.270000000e+02  }
0x171: {  	v2 =	vmul.f32 v2, v56;
	_ =	sdelay $0x1  }
0x172: {  	[tilespmem:s28+$0x10] =	vst v2  }
0x173: {  	v2 =	vld [tilespmem:s31+$0x820];
	_ =	sdelay $0x4  }
0x174: {  	v2 =	vadd.f32 $1.258291200e+07, v2;
	_ =	sdelay $0x1  }
0x175: {  	v2 =	vadd.f32 $-1.258291200e+07, v2;
	_ =	sdelay $0x1  }
0x176: {  	v2 =	vmax.f32 v2, $-1.280000000e+02  }
0x177: {  	v2 =	vmin.f32 v2, $1.270000000e+02  }
0x178: {  	v2 =	vmul.f32 v2, v56;
	_ =	sdelay $0x1  }
0x179: {  	[tilespmem:s28+$0x20] =	vst v2  }
0x17a: {  	v2 =	vld [tilespmem:s31+$0x830];
	_ =	sdelay $0x4  }
0x17b: {  	v2 =	vadd.f32 $1.258291200e+07, v2;
	_ =	sdelay $0x1  }
0x17c: {  	v2 =	vadd.f32 $-1.258291200e+07, v2;
	_ =	sdelay $0x1  }
0x17d: {  	v2 =	vmax.f32 v2, $-1.280000000e+02  }
0x17e: {  	v2 =	vmin.f32 v2, $1.270000000e+02  }
0x17f: {  	v2 =	vmul.f32 v2, v56;
	_ =	sdelay $0x1  }
0x180: {  	[tilespmem:s28+$0x30] =	vst v2  }
0x181: {  	v2 =	vld [tilespmem:s0+$0x880];
	_ =	sdelay $0x4  }
0x182: {  	v2 =	vadd.f32 $1.258291200e+07, v2;
	_ =	sdelay $0x1  }
0x183: {  	v2 =	vadd.f32 $-1.258291200e+07, v2;
	_ =	sdelay $0x1  }
0x184: {  	v57 =	vbroadcast v48, $0x9;
	v2 =	vmax.f32 v2, $-1.280000000e+02  }
0x185: {  	v2 =	vmin.f32 v2, $1.270000000e+02  }
0x186: {  	v2 =	vmul.f32 v2, v57;
	_ =	sdelay $0x1  }
0x187: {  	[tilespmem:s28+$0x40] =	vst v2  }
0x188: {  	v2 =	vld [tilespmem:s0+$0x890];
	_ =	sdelay $0x4  }
0x189: {  	v2 =	vadd.f32 $1.258291200e+07, v2;
	_ =	sdelay $0x1  }
0x18a: {  	v2 =	vadd.f32 $-1.258291200e+07, v2;
	_ =	sdelay $0x1  }
0x18b: {  	v2 =	vmax.f32 v2, $-1.280000000e+02  }
0x18c: {  	v2 =	vmin.f32 v2, $1.270000000e+02  }
0x18d: {  	v2 =	vmul.f32 v2, v57;
	_ =	sdelay $0x1  }
0x18e: {  	[tilespmem:s28+$0x50] =	vst v2  }
0x18f: {  	v2 =	vld [tilespmem:s0+$0x8A0];
	_ =	sdelay $0x4  }
0x190: {  	v2 =	vadd.f32 $1.258291200e+07, v2;
	_ =	sdelay $0x1  }
0x191: {  	v2 =	vadd.f32 $-1.258291200e+07, v2;
	_ =	sdelay $0x1  }
0x192: {  	v2 =	vmax.f32 v2, $-1.280000000e+02  }
0x193: {  	v2 =	vmin.f32 v2, $1.270000000e+02  }
0x194: {  	(v2sf) =	vpush v1, $0xB;
	v2 =	vmul.f32 v2, v57  }
0x195: {  	(v2sf) =	vpush v1, $0xA  }
0x196: {  	[tilespmem:s28+$0x60] =	vst v2  }
0x197: {  	v2 =	vld [tilespmem:s0+$0x8B0];
	_ =	sdelay $0x4  }
0x198: {  	v2 =	vadd.f32 $1.258291200e+07, v2;
	_ =	sdelay $0x1  }
0x199: {  	v2 =	vadd.f32 $-1.258291200e+07, v2;
	_ =	sdelay $0x1  }
0x19a: {  	v2 =	vmax.f32 v2, $-1.280000000e+02  }
0x19b: {  	v2 =	vmin.f32 v2, $1.270000000e+02  }
0x19c: {  	v2 =	vmul.f32 v2, v57  }
0x19d: {  	s0 =	spop (v2sf)  }
0x19e: {  	s31 =	spop (v2sf);
	[tilespmem:s28+$0x70] =	vst v2  }
0x19f: {  	v2 =	vld [tilespmem:s31+$0x900];
	_ =	sdelay $0x4  }
0x1a0: {  	v2 =	vadd.f32 $1.258291200e+07, v2;
	_ =	sdelay $0x1  }
0x1a1: {  	v2 =	vadd.f32 $-1.258291200e+07, v2;
	_ =	sdelay $0x1  }
0x1a2: {  	v58 =	vbroadcast v48, $0xA;
	v2 =	vmax.f32 v2, $-1.280000000e+02  }
0x1a3: {  	v2 =	vmin.f32 v2, $1.270000000e+02  }
0x1a4: {  	v2 =	vmul.f32 v2, v58;
	_ =	sdelay $0x1  }
0x1a5: {  	[tilespmem:s28+$0x80] =	vst v2  }
0x1a6: {  	v2 =	vld [tilespmem:s31+$0x910];
	_ =	sdelay $0x4  }
0x1a7: {  	v2 =	vadd.f32 $1.258291200e+07, v2;
	_ =	sdelay $0x1  }
0x1a8: {  	v2 =	vadd.f32 $-1.258291200e+07, v2;
	_ =	sdelay $0x1  }
0x1a9: {  	v2 =	vmax.f32 v2, $-1.280000000e+02  }
0x1aa: {  	v2 =	vmin.f32 v2, $1.270000000e+02  }
0x1ab: {  	v2 =	vmul.f32 v2, v58;
	_ =	sdelay $0x1  }
0x1ac: {  	[tilespmem:s28+$0x90] =	vst v2  }
0x1ad: {  	v2 =	vld [tilespmem:s31+$0x920];
	_ =	sdelay $0x4  }
0x1ae: {  	v2 =	vadd.f32 $1.258291200e+07, v2;
	_ =	sdelay $0x1  }
0x1af: {  	v2 =	vadd.f32 $-1.258291200e+07, v2;
	_ =	sdelay $0x1  }
0x1b0: {  	v2 =	vmax.f32 v2, $-1.280000000e+02  }
0x1b1: {  	v2 =	vmin.f32 v2, $1.270000000e+02  }
0x1b2: {  	v2 =	vmul.f32 v2, v58;
	_ =	sdelay $0x1  }
0x1b3: {  	[tilespmem:s28+$0xA0] =	vst v2  }
0x1b4: {  	v2 =	vld [tilespmem:s31+$0x930];
	_ =	sdelay $0x4  }
0x1b5: {  	v2 =	vadd.f32 $1.258291200e+07, v2;
	_ =	sdelay $0x1  }
0x1b6: {  	v2 =	vadd.f32 $-1.258291200e+07, v2;
	_ =	sdelay $0x1  }
0x1b7: {  	v2 =	vmax.f32 v2, $-1.280000000e+02  }
0x1b8: {  	v2 =	vmin.f32 v2, $1.270000000e+02  }
0x1b9: {  	v2 =	vmul.f32 v2, v58;
	_ =	sdelay $0x1  }
0x1ba: {  	[tilespmem:s28+$0xB0] =	vst v2  }
0x1bb: {  	v2 =	vld [tilespmem:s0+$0x980];
	_ =	sdelay $0x4  }
0x1bc: {  	v2 =	vadd.f32 $1.258291200e+07, v2;
	_ =	sdelay $0x1  }
0x1bd: {  	v2 =	vadd.f32 $-1.258291200e+07, v2;
	_ =	sdelay $0x1  }
0x1be: {  	v59 =	vbroadcast v48, $0xB;
	v2 =	vmax.f32 v2, $-1.280000000e+02  }
0x1bf: {  	v2 =	vmin.f32 v2, $1.270000000e+02  }
0x1c0: {  	v2 =	vmul.f32 v2, v59;
	_ =	sdelay $0x1  }
0x1c1: {  	[tilespmem:s28+$0xC0] =	vst v2  }
0x1c2: {  	v2 =	vld [tilespmem:s0+$0x990];
	_ =	sdelay $0x4  }
0x1c3: {  	v2 =	vadd.f32 $1.258291200e+07, v2;
	_ =	sdelay $0x1  }
0x1c4: {  	v2 =	vadd.f32 $-1.258291200e+07, v2;
	_ =	sdelay $0x1  }
0x1c5: {  	v2 =	vmax.f32 v2, $-1.280000000e+02  }
0x1c6: {  	v2 =	vmin.f32 v2, $1.270000000e+02  }
0x1c7: {  	v2 =	vmul.f32 v2, v59;
	_ =	sdelay $0x1  }
0x1c8: {  	[tilespmem:s28+$0xD0] =	vst v2  }
0x1c9: {  	v2 =	vld [tilespmem:s0+$0x9A0];
	_ =	sdelay $0x4  }
0x1ca: {  	v2 =	vadd.f32 $1.258291200e+07, v2;
	_ =	sdelay $0x1  }
0x1cb: {  	v2 =	vadd.f32 $-1.258291200e+07, v2;
	_ =	sdelay $0x1  }
0x1cc: {  	v2 =	vmax.f32 v2, $-1.280000000e+02  }
0x1cd: {  	v2 =	vmin.f32 v2, $1.270000000e+02  }
0x1ce: {  	(v2sf) =	vpush v1, $0xD;
	v2 =	vmul.f32 v2, v59  }
0x1cf: {  	(v2sf) =	vpush v1, $0xC  }
0x1d0: {  	[tilespmem:s28+$0xE0] =	vst v2  }
0x1d1: {  	v2 =	vld [tilespmem:s0+$0x9B0];
	_ =	sdelay $0x4  }
0x1d2: {  	v2 =	vadd.f32 $1.258291200e+07, v2;
	_ =	sdelay $0x1  }
0x1d3: {  	v2 =	vadd.f32 $-1.258291200e+07, v2;
	_ =	sdelay $0x1  }
0x1d4: {  	v2 =	vmax.f32 v2, $-1.280000000e+02  }
0x1d5: {  	v2 =	vmin.f32 v2, $1.270000000e+02  }
0x1d6: {  	v2 =	vmul.f32 v2, v59  }
0x1d7: {  	s0 =	spop (v2sf)  }
0x1d8: {  	s31 =	spop (v2sf);
	[tilespmem:s28+$0xF0] =	vst v2  }
0x1d9: {  	v2 =	vld [tilespmem:s31+$0xA00];
	_ =	sdelay $0x4  }
0x1da: {  	v2 =	vadd.f32 $1.258291200e+07, v2;
	_ =	sdelay $0x1  }
0x1db: {  	v2 =	vadd.f32 $-1.258291200e+07, v2;
	_ =	sdelay $0x1  }
0x1dc: {  	v60 =	vbroadcast v48, $0xC;
	v2 =	vmax.f32 v2, $-1.280000000e+02  }
0x1dd: {  	v2 =	vmin.f32 v2, $1.270000000e+02  }
0x1de: {  	v2 =	vmul.f32 v2, v60;
	_ =	sdelay $0x1  }
0x1df: {  	[tilespmem:s28+$0x100] =	vst v2  }
0x1e0: {  	v2 =	vld [tilespmem:s31+$0xA10];
	_ =	sdelay $0x4  }
0x1e1: {  	v2 =	vadd.f32 $1.258291200e+07, v2;
	_ =	sdelay $0x1  }
0x1e2: {  	v2 =	vadd.f32 $-1.258291200e+07, v2;
	_ =	sdelay $0x1  }
0x1e3: {  	v2 =	vmax.f32 v2, $-1.280000000e+02  }
0x1e4: {  	v2 =	vmin.f32 v2, $1.270000000e+02  }
0x1e5: {  	v2 =	vmul.f32 v2, v60;
	_ =	sdelay $0x1  }
0x1e6: {  	[tilespmem:s28+$0x110] =	vst v2  }
0x1e7: {  	v2 =	vld [tilespmem:s31+$0xA20];
	_ =	sdelay $0x4  }
0x1e8: {  	v2 =	vadd.f32 $1.258291200e+07, v2;
	_ =	sdelay $0x1  }
0x1e9: {  	v2 =	vadd.f32 $-1.258291200e+07, v2;
	_ =	sdelay $0x1  }
0x1ea: {  	v2 =	vmax.f32 v2, $-1.280000000e+02  }
0x1eb: {  	v2 =	vmin.f32 v2, $1.270000000e+02  }
0x1ec: {  	v2 =	vmul.f32 v2, v60;
	_ =	sdelay $0x1  }
0x1ed: {  	[tilespmem:s28+$0x120] =	vst v2  }
0x1ee: {  	v2 =	vld [tilespmem:s31+$0xA30];
	_ =	sdelay $0x4  }
0x1ef: {  	v2 =	vadd.f32 $1.258291200e+07, v2;
	_ =	sdelay $0x1  }
0x1f0: {  	v2 =	vadd.f32 $-1.258291200e+07, v2;
	_ =	sdelay $0x1  }
0x1f1: {  	v2 =	vmax.f32 v2, $-1.280000000e+02  }
0x1f2: {  	v2 =	vmin.f32 v2, $1.270000000e+02  }
0x1f3: {  	v2 =	vmul.f32 v2, v60;
	_ =	sdelay $0x1  }
0x1f4: {  	[tilespmem:s28+$0x130] =	vst v2  }
0x1f5: {  	v2 =	vld [tilespmem:s0+$0xA80];
	_ =	sdelay $0x4  }
0x1f6: {  	v2 =	vadd.f32 $1.258291200e+07, v2;
	_ =	sdelay $0x1  }
0x1f7: {  	v2 =	vadd.f32 $-1.258291200e+07, v2;
	_ =	sdelay $0x1  }
0x1f8: {  	v61 =	vbroadcast v48, $0xD;
	v2 =	vmax.f32 v2, $-1.280000000e+02  }
0x1f9: {  	v2 =	vmin.f32 v2, $1.270000000e+02  }
0x1fa: {  	v2 =	vmul.f32 v2, v61;
	_ =	sdelay $0x1  }
0x1fb: {  	[tilespmem:s28+$0x140] =	vst v2  }
0x1fc: {  	v2 =	vld [tilespmem:s0+$0xA90];
	_ =	sdelay $0x4  }
0x1fd: {  	v2 =	vadd.f32 $1.258291200e+07, v2;
	_ =	sdelay $0x1  }
0x1fe: {  	v2 =	vadd.f32 $-1.258291200e+07, v2;
	_ =	sdelay $0x1  }
0x1ff: {  	v2 =	vmax.f32 v2, $-1.280000000e+02  }
0x200: {  	v2 =	vmin.f32 v2, $1.270000000e+02  }
0x201: {  	v2 =	vmul.f32 v2, v61;
	_ =	sdelay $0x1  }
0x202: {  	[tilespmem:s28+$0x150] =	vst v2  }
0x203: {  	v2 =	vld [tilespmem:s0+$0xAA0];
	_ =	sdelay $0x4  }
0x204: {  	v2 =	vadd.f32 $1.258291200e+07, v2;
	_ =	sdelay $0x1  }
0x205: {  	v2 =	vadd.f32 $-1.258291200e+07, v2;
	_ =	sdelay $0x1  }
0x206: {  	v2 =	vmax.f32 v2, $-1.280000000e+02  }
0x207: {  	v2 =	vmin.f32 v2, $1.270000000e+02  }
0x208: {  	(v2sf) =	vpush v1, $0xF;
	v2 =	vmul.f32 v2, v61  }
0x209: {  	(v2sf) =	vpush v1, $0xE  }
0x20a: {  	[tilespmem:s28+$0x160] =	vst v2  }
0x20b: {  	v62 =	vld [tilespmem:s0+$0xAB0];
	_ =	sdelay $0x4  }
0x20c: {  	v1 =	vadd.f32 $1.258291200e+07, v62;
	_ =	sdelay $0x1  }
0x20d: {  	v1 =	vadd.f32 $-1.258291200e+07, v1;
	_ =	sdelay $0x1  }
0x20e: {  	v1 =	vmax.f32 v1, $-1.280000000e+02  }
0x20f: {  	v1 =	vmin.f32 v1, $1.270000000e+02  }
0x210: {  	v1 =	vmul.f32 v1, v61  }
0x211: {  	s0 =	spop (v2sf)  }
0x212: {  	s31 =	spop (v2sf);
	[tilespmem:s28+$0x170] =	vst v1  }
0x213: {  	v1 =	vld [tilespmem:s31+$0xB00];
	_ =	sdelay $0x4  }
0x214: {  	v1 =	vadd.f32 $1.258291200e+07, v1;
	_ =	sdelay $0x1  }
0x215: {  	v1 =	vadd.f32 $-1.258291200e+07, v1;
	_ =	sdelay $0x1  }
0x216: {  	v63 =	vbroadcast v48, $0xE;
	v1 =	vmax.f32 v1, $-1.280000000e+02  }
0x217: {  	v1 =	vmin.f32 v1, $1.270000000e+02  }
0x218: {  	v1 =	vmul.f32 v1, v63;
	_ =	sdelay $0x1  }
0x219: {  	[tilespmem:s28+$0x180] =	vst v1  }
0x21a: {  	v1 =	vld [tilespmem:s31+$0xB10];
	_ =	sdelay $0x4  }
0x21b: {  	v1 =	vadd.f32 $1.258291200e+07, v1;
	_ =	sdelay $0x1  }
0x21c: {  	v1 =	vadd.f32 $-1.258291200e+07, v1;
	_ =	sdelay $0x1  }
0x21d: {  	v1 =	vmax.f32 v1, $-1.280000000e+02  }
0x21e: {  	v1 =	vmin.f32 v1, $1.270000000e+02  }
0x21f: {  	v1 =	vmul.f32 v1, v63;
	_ =	sdelay $0x1  }
0x220: {  	[tilespmem:s28+$0x190] =	vst v1  }
0x221: {  	v1 =	vld [tilespmem:s31+$0xB20];
	_ =	sdelay $0x4  }
0x222: {  	v1 =	vadd.f32 $1.258291200e+07, v1;
	_ =	sdelay $0x1  }
0x223: {  	v1 =	vadd.f32 $-1.258291200e+07, v1;
	_ =	sdelay $0x1  }
0x224: {  	v1 =	vmax.f32 v1, $-1.280000000e+02  }
0x225: {  	v1 =	vmin.f32 v1, $1.270000000e+02  }
0x226: {  	v1 =	vmul.f32 v1, v63;
	_ =	sdelay $0x1  }
0x227: {  	[tilespmem:s28+$0x1A0] =	vst v1  }
0x228: {  	v1 =	vld [tilespmem:s31+$0xB30];
	_ =	sdelay $0x4  }
0x229: {  	v1 =	vadd.f32 $1.258291200e+07, v1;
	_ =	sdelay $0x1  }
0x22a: {  	v1 =	vadd.f32 $-1.258291200e+07, v1;
	_ =	sdelay $0x1  }
0x22b: {  	v1 =	vmax.f32 v1, $-1.280000000e+02  }
0x22c: {  	v1 =	vmin.f32 v1, $1.270000000e+02  }
0x22d: {  	v1 =	vmul.f32 v1, v63;
	_ =	sdelay $0x1  }
0x22e: {  	[tilespmem:s28+$0x1B0] =	vst v1  }
0x22f: {  	v1 =	vld [tilespmem:s0+$0xB80];
	_ =	sdelay $0x4  }
0x230: {  	v1 =	vadd.f32 $1.258291200e+07, v1;
	_ =	sdelay $0x1  }
0x231: {  	v1 =	vadd.f32 $-1.258291200e+07, v1;
	_ =	sdelay $0x1  }
0x232: {  	v0 =	vbroadcast v48, $0xF;
	v1 =	vmax.f32 v1, $-1.280000000e+02  }
0x233: {  	v1 =	vmin.f32 v1, $1.270000000e+02  }
0x234: {  	v1 =	vmul.f32 v1, v0;
	_ =	sdelay $0x1  }
0x235: {  	[tilespmem:s28+$0x1C0] =	vst v1  }
0x236: {  	v1 =	vld [tilespmem:s0+$0xB90];
	_ =	sdelay $0x4  }
0x237: {  	v1 =	vadd.f32 $1.258291200e+07, v1;
	_ =	sdelay $0x1  }
0x238: {  	v1 =	vadd.f32 $-1.258291200e+07, v1;
	_ =	sdelay $0x1  }
0x239: {  	v1 =	vmax.f32 v1, $-1.280000000e+02  }
0x23a: {  	v1 =	vmin.f32 v1, $1.270000000e+02  }
0x23b: {  	v1 =	vmul.f32 v1, v0;
	_ =	sdelay $0x1  }
0x23c: {  	[tilespmem:s28+$0x1D0] =	vst v1  }
0x23d: {  	v1 =	vld [tilespmem:s0+$0xBA0];
	_ =	sdelay $0x4  }
0x23e: {  	v1 =	vadd.f32 $1.258291200e+07, v1;
	_ =	sdelay $0x1  }
0x23f: {  	v1 =	vadd.f32 $-1.258291200e+07, v1;
	_ =	sdelay $0x1  }
0x240: {  	v1 =	vmax.f32 v1, $-1.280000000e+02  }
0x241: {  	v1 =	vmin.f32 v1, $1.270000000e+02  }
0x242: {  	v1 =	vmul.f32 v1, v0;
	_ =	sdelay $0x1  }
0x243: {  	[tilespmem:s28+$0x1E0] =	vst v1  }
0x244: {  	v1 =	vld [tilespmem:s0+$0xBB0];
	_ =	sdelay $0x4  }
0x245: {  	v1 =	vadd.f32 $1.258291200e+07, v1;
	_ =	sdelay $0x1  }
0x246: {  	v1 =	vadd.f32 $-1.258291200e+07, v1  }
0x247: {  	p0 =	sne.s32 s30, $0x3E000  }
.Ltmp0:
0x248: {  	v1 =	vmax.f32 v1, $-1.280000000e+02;
	(pc) =	sbr.rel @p0 .LBB2_2-.Ltmp0, $4  }
0x249: {  	v1 =	vmin.f32 v1, $1.270000000e+02  }
0x24a: {  	v0 =	vmul.f32 v1, v0  }
0x24b: {  	s29 =	sadd.s32 $0x10, s29  }
0x24c: {  	s26 =	sadd.s32 $0x10, s26;
	s30 =	sadd.s32 $0x2000, s30;
	[tilespmem:s28+$0x1F0] =	vst v0;
	s28 =	sadd.s32 $0x400, s28  }
0x24d: {  	s25 =	sadd.s32 $0x1, s25  }
0x24e: {  	p0 =	sne.s32 s25, s7  }
.Ltmp1:
0x24f: {  	_ = 	snop;
	(pc) =	sbr.rel @p0 .LBB2_1-.Ltmp1, $4  }
0x250: {  	[hbm4b:s6+s3] =	stream.linear.scatter [tilespmem:s24], [sflag:$0x2], $0x8000, $0x38;
	[tilespmem:$0x18600] =	vst v63  }
0x251: {  	_ =	swait.ge [sflag:s8], $0x8000  }
0x252: {  	[sflag:s8] =	ssyncset.done $0x0  }
0x253: {  	[sflag:s8] =	ssyncadd.s32 $0xFFFF8000  }
0x254: {  	_ =	sfence.sel $0x180000  }
0x255: {  	[bflag:$0x0] =	sbarrier.arrive $0xFFFF  }
0x256: {  	_ =	strace $0x90000047  }
0x257: {  	[bflag:$0x2] =	sbarrier.arrive $0xFFFF  }
0x258: {  	p0 =	sne.s32 s2, $0x0;
	s0 =	rddreg [dreg:$0x4]  }
0x259: {  	s0 =	sadd.s32 @!p0 $0x100000, s0  }
0x25a: {  	[sflag:s0] =	ssyncadd.tile.s32 @!p0 $0x1;
	_ =	shalt  }
.Lfunc_end2:
_tile_overlayer_lowered:
.L_overlay_start_2:
0x25b: {  	(tag) =	ssettag $0x2  }
0x25c: {  	s0 =	rddreg [dreg:$0x0];
	s2 =	stileid.u32  }
0x25d: {  	s1 =	rddreg [dreg:$0x1];
	p0 =	sne.s32 s2, $0x0  }
0x25e: {  	s3 =	rddreg [dreg:$0x2];
	[bflag:$0x3] =	sbarrier.arrive $0xFFFF;
	s2 =	simm.s32 @!p0 $0x1C02  }
0x25f: {  	[timem:s3], [sflag:s2] =	dma.local @!p0 [hbm:s0], s1  }
0x260: {  	s0 =	simm.s32 @!p0 $0x2  }
0x261: {  	_ =	swait.ge @!p0 [sflag:s0], s1  }
0x262: {  	s1 =	ssub.s32 @!p0 $0x0, s1;
	[sflag:s0] =	ssyncset.done @!p0 $0x0  }
0x263: {  	[sflag:s0] =	ssyncadd.s32 @!p0 s1  }
0x264: {  	[bflag:$0x3] =	sbarrier.arrive $0xFFFF  }
0x265: {  	_ =	shalt  }

</sc_bundles>
